<compile_context>
chip_gen: v7x
topology: tpu7x:2x2x1
jax: 0.10.2.dev20260603
libtpu: 0.0.44.dev20260713+nightly
codegen_flags: <defaults>
</compile_context>

<pallas_src>
import functools
import jax
import jax.numpy as jnp
from jax import lax
from jax.experimental import pallas as pl
from jax.experimental.pallas import tpu as pltpu
from jax.experimental.pallas import tpu_sc as plsc

N_NODES = 10000
N_EDGES = 320000
D = 128
G = 128

NC = 2
NS = 16
NW = NC * NS
EPT = N_EDGES // NW
EW_COLS = 80
ROWS_PT = EPT // EW_COLS

_sc_mesh = plsc.VectorSubcoreMesh(core_axis_name="c", subcore_axis_name="s")
_sc_params = pltpu.CompilerParams(needs_layout_passes=False,
                                  use_tc_tiling_on_sc=False)



@functools.partial(
    pl.kernel,
    out_type=jax.ShapeDtypeStruct((NW, N_NODES), jnp.float32),
    mesh=_sc_mesh,
    scratch_types=[
        pltpu.VMEM((ROWS_PT, EW_COLS), jnp.int32),
        pltpu.VMEM((ROWS_PT, EW_COLS), jnp.float32),
        pltpu.VMEM((N_NODES,), jnp.float32),
    ],
    compiler_params=_sc_params,
)
def _sc_deg(dst3d, ew3d, degp, dst_v, ew_v, acc_v):
    cid = lax.axis_index("c")
    sid = lax.axis_index("s")
    wid = cid * NS + sid

    def zbody(i, _):
        acc_v[pl.ds(i * 16, 16)] = jnp.zeros((16,), jnp.float32)
        return 0
    lax.fori_loop(0, N_NODES // 16, zbody, 0)

    pltpu.sync_copy(dst3d.at[wid], dst_v)
    pltpu.sync_copy(ew3d.at[wid], ew_v)

    def ebody(r, _):
        for g in range(EW_COLS // 16):
            idx = dst_v[r, pl.ds(g * 16, 16)]
            val = ew_v[r, pl.ds(g * 16, 16)]
            plsc.addupdate_scatter(acc_v, [idx], val)
        return 0
    lax.fori_loop(0, ROWS_PT, ebody, 0)

    pltpu.sync_copy(acc_v, degp.at[wid])



DH = D // 2
EPT_B = N_EDGES // NS
ROWS_B = EPT_B // EW_COLS
BLK = 80
NBLK = N_NODES // BLK


@functools.partial(
    pl.kernel,
    out_type=jax.ShapeDtypeStruct((NC, N_NODES, DH), jnp.float32),
    mesh=_sc_mesh,
    scratch_types=[
        pltpu.VMEM((ROWS_B, EW_COLS), jnp.int32),
        pltpu.VMEM((ROWS_B, EW_COLS), jnp.int32),
        pltpu.VMEM((ROWS_B, EW_COLS), jnp.float32),
        [pltpu.VMEM((EW_COLS, DH), jnp.float32) for _ in range(5)],
        pltpu.VMEM((BLK, DH), jnp.float32),
        pltpu.VMEM_SHARED((N_NODES, DH), jnp.float32),
        [pltpu.SemaphoreType.DMA for _ in range(5)],
        [pltpu.SemaphoreType.DMA for _ in range(5)],
    ],
    compiler_params=_sc_params,
)
def _sc_agg(z2_hbm, src3d, dst3d, ew3d, aggp,
            src_v, dst_v, ew_v, rows, zblk_v, acc_sh, gsem, ssem):
    cid = lax.axis_index("c")
    sid = lax.axis_index("s")
    zc = z2_hbm.at[cid]

    pltpu.sync_copy(src3d.at[sid], src_v)
    pltpu.sync_copy(dst3d.at[sid], dst_v)
    pltpu.sync_copy(ew3d.at[sid], ew_v)

    pltpu.async_copy(zc.at[src_v.at[0]], rows[0], gsem[0])
    pltpu.async_copy(zc.at[src_v.at[1]], rows[1], gsem[1])
    pltpu.async_copy(zc.at[src_v.at[2]], rows[2], gsem[2])
    pltpu.async_copy(zc.at[src_v.at[3]], rows[3], gsem[3])

    def zb(r, _):
        for g in range(DH // 16):
            zblk_v[r, pl.ds(g * 16, 16)] = jnp.zeros((16,), jnp.float32)
        return 0
    lax.fori_loop(0, BLK, zb, 0)

    def zacc(k, _):
        b = sid + k * NS
        @pl.when(b < NBLK)
        def _():
            pltpu.sync_copy(zblk_v, acc_sh.at[pl.ds(b * BLK, BLK)])
        return 0
    lax.fori_loop(0, (NBLK + NS - 1) // NS, zacc, 0)
    plsc.subcore_barrier()

    def scale(rows_b, c):
        cvec = jnp.full((16,), c, jnp.int32)

        @plsc.parallel_loop(0, EW_COLS, unroll=8)
        def _(j):
            ewb = plsc.load_gather(ew_v, [cvec, jnp.full((16,), j, jnp.int32)])
            for g in range(DH // 16):
                sl = pl.ds(g * 16, 16)
                rows_b[j, sl] = rows_b[j, sl] * ewb

    def ring(k, _):
        for b in range(5):
            c = 5 * k + b
            pltpu.make_async_copy(zc.at[src_v.at[c]], rows[b], gsem[b]).wait()
            scale(rows[b], c)
            pltpu.async_copy(rows[b], acc_sh.at[dst_v.at[c]], ssem[b],
                             add=True)
            bg = (b + 4) % 5
            @pl.when(c >= 1)
            def _():
                pltpu.make_async_copy(
                    rows[bg], acc_sh.at[dst_v.at[jnp.maximum(c - 1, 0)]],
                    ssem[bg]).wait()
            @pl.when(c + 4 < ROWS_B)
            def _():
                pltpu.async_copy(zc.at[src_v.at[c + 4]], rows[bg], gsem[bg])
        return 0
    lax.fori_loop(0, ROWS_B // 5, ring, 0)

    for b in (4,):
        pltpu.make_async_copy(rows[b], acc_sh.at[dst_v.at[ROWS_B - 5 + b]],
                              ssem[b]).wait()

    plsc.subcore_barrier()

    def wout(k, _):
        b = sid + k * NS
        @pl.when(b < NBLK)
        def _():
            pltpu.sync_copy(acc_sh.at[pl.ds(b * BLK, BLK)],
                            aggp.at[cid, pl.ds(b * BLK, BLK)])
        return 0
    lax.fori_loop(0, (NBLK + NS - 1) // NS, wout, 0)



def _k1_body(degp_ref, x_ref, z_ref, dinv_ref):
    deg = jnp.sum(degp_ref[...], axis=0)[:, None] + 1.0
    dinv = jnp.where(deg > 0, lax.rsqrt(deg), 0.0)
    dinv_ref[...] = dinv
    z = dinv * x_ref[...]
    z_ref[0] = z[:, :D // 2]
    z_ref[1] = z[:, D // 2:]


def _run_k1(deg_partials, x):
    return pl.pallas_call(
        _k1_body,
        out_shape=(
            jax.ShapeDtypeStruct((NC, N_NODES, D // 2), jnp.float32),
            jax.ShapeDtypeStruct((N_NODES, 1), jnp.float32),
        ),
    )(deg_partials, x)



def _k2_body(agg_ref, x_ref, dinv_ref, We_ref, be_ref, Wp_ref, bp_ref,
             counts_ref, out_ref):
    dinv = dinv_ref[...]
    agg = jnp.concatenate([agg_ref[0], agg_ref[1]], axis=1)
    h = dinv * agg + (dinv * dinv) * x_ref[...]
    embed = jax.nn.relu(
        jnp.dot(h, We_ref[...], preferred_element_type=jnp.float32) + be_ref[...])
    score = jnp.dot(h, Wp_ref[...], preferred_element_type=jnp.float32) \
        + bp_ref[...]

    m = jnp.max(score)
    e = jnp.exp(score - m)

    counts = counts_ref[...]
    jj = lax.broadcasted_iota(jnp.int32, (G, G), 0)
    gg = lax.broadcasted_iota(jnp.int32, (G, G), 1)
    ut = (jj <= gg).astype(jnp.float32)
    ends = jnp.dot(counts, ut, preferred_element_type=jnp.float32)
    starts = ends - counts
    gidx = lax.broadcasted_iota(jnp.int32, (1, G), 1)
    valid = (gidx < 100).astype(jnp.float32)

    v = lax.broadcasted_iota(jnp.int32, (N_NODES, G), 0).astype(jnp.float32)
    M = ((v >= starts) & (v < ends)).astype(jnp.float32) * valid
    Me = M * e

    dn = (((0,), (0,)), ((), ()))
    num = lax.dot_general(Me, embed, dn, preferred_element_type=jnp.float32)
    ones = jnp.ones((N_NODES, 1), jnp.float32)
    zsum = lax.dot_general(Me, ones, dn, preferred_element_type=jnp.float32)
    out_ref[...] = num / jnp.where(zsum > 0, zsum, 1.0)


def _run_k2(agg, x, dinv, W_embed, b_embed, W_pool, b_pool, counts_row):
    return pl.pallas_call(
        _k2_body,
        out_shape=jax.ShapeDtypeStruct((G, D), jnp.float32),
    )(agg, x, dinv, W_embed, b_embed, W_pool, b_pool, counts_row)



def kernel(x, edge_index, edge_weight, topo, W_embed, b_embed, W_pool, b_pool):
    src = edge_index[0]
    dst = edge_index[1]
    dst3d = dst.reshape(NW, ROWS_PT, EW_COLS)
    ew3d = edge_weight.reshape(NW, ROWS_PT, EW_COLS)

    degp = _sc_deg(dst3d, ew3d)

    z, dinv = _run_k1(degp, x)

    srcB = src.reshape(NS, ROWS_B, EW_COLS)
    dstB = dst.reshape(NS, ROWS_B, EW_COLS)
    ewB = edge_weight.reshape(NS, ROWS_B, EW_COLS)
    agg = _sc_agg(z, srcB, dstB, ewB)

    counts_row = jnp.zeros((1, G), jnp.float32).at[0, :100].set(
        topo[:, 0].astype(jnp.float32))
    be = b_embed[None, :]
    bp = b_pool[None, :]
    pooled = _run_k2(agg, x, dinv, W_embed, be, W_pool, bp, counts_row)
    return pooled[:100]

# --- scband reference (transcript-rebuilt; emitter-appended) ---
"""Pipeline reference for scband-diff-pool-layer-65283502899366 (READ-ONLY COPY).

The authoritative reference and input builder live on the scoring server;
editing this copy changes nothing except your own understanding.
"""

import jax, jax.numpy as jnp
import numpy as np

N_NODES = 10000
N_EDGES = 320000
D_IN = 128
D_OUT = 128
N_GRAPH = 100


def glorot(key, shape):
    lim = np.sqrt(6.0 / (shape[0] + shape[1]))
    return jax.random.uniform(key, shape, jnp.float32, -lim, lim)


def setup_inputs(seed: int = 0) -> dict:
    key = jax.random.key(seed)
    ks = jax.random.split(key, 6)
    x = jax.random.normal(ks[0], (N_NODES, D_IN), dtype=jnp.float32)
    edge_index = jax.random.randint(ks[1], (2, N_EDGES), 0, N_NODES, dtype=jnp.int32)
    edge_weight = jax.random.uniform(ks[2], (N_EDGES,), dtype=jnp.float32)
    topo = jax.random.randint(ks[3], (N_GRAPH, 1), 1, 100, dtype=jnp.int32)
    W_embed = glorot(ks[4], (D_IN, D_OUT))
    b_embed = jnp.zeros((D_OUT,), jnp.float32)
    W_pool = glorot(ks[5], (D_IN, 1))
    b_pool = jnp.zeros((1,), jnp.float32)
    return {"x": x, "edge_index": edge_index, "edge_weight": edge_weight, "topo": topo,
            "W_embed": W_embed, "b_embed": b_embed, "W_pool": W_pool, "b_pool": b_pool}


def gcn_conv(x, edge_index, edge_weight, W, b):
    # PyG-style GCNConv: add self-loops (weight 1), symmetric degree normalization
    num_nodes = x.shape[0]
    src = edge_index[0]
    dst = edge_index[1]
    loop = jnp.arange(num_nodes, dtype=src.dtype)
    src = jnp.concatenate([src, loop])
    dst = jnp.concatenate([dst, loop])
    ew = jnp.concatenate([edge_weight, jnp.ones((num_nodes,), dtype=edge_weight.dtype)])
    deg = jnp.zeros((num_nodes,), x.dtype).at[dst].add(ew)
    dinv = jnp.where(deg > 0, 1.0 / jnp.sqrt(deg), 0.0)
    norm = dinv[src] * ew * dinv[dst]
    xw = x @ W
    msg = norm[:, None] * xw[src]
    out = jnp.zeros((num_nodes, W.shape[1]), x.dtype).at[dst].add(msg)
    return out + b


def reference(x, edge_index, edge_weight, topo, W_embed, b_embed, W_pool, b_pool):
    embed = jax.nn.relu(gcn_conv(x, edge_index, edge_weight, W_embed, b_embed))
    score = gcn_conv(x, edge_index, edge_weight, W_pool, b_pool)
    n_graph = topo.shape[0]
    counts = topo[:, 0]
    ends = jnp.cumsum(counts)
    node_idx = jnp.arange(x.shape[0])
    seg = jnp.searchsorted(ends, node_idx, side="right").astype(jnp.int32)
    n_seg = n_graph + 1
    sc = score[:, 0]
    m = jax.ops.segment_max(sc, seg, num_segments=n_seg)
    e = jnp.exp(sc - jax.lax.stop_gradient(m)[seg])
    z = jax.ops.segment_sum(e, seg, num_segments=n_seg)
    s = e / z[seg]
    pooled = jax.ops.segment_sum(s[:, None] * embed, seg, num_segments=n_seg)
    return pooled[:n_graph]

if __name__ == "__main__":
    import jax
    _d = setup_inputs()
    print(jax.jit(kernel)(*tuple(_d.values())))

</pallas_src>

<mosaic_0001>
#map = affine_map<(d0, d1) -> (0, 0, 0)>
module attributes {stable_mosaic.version = 14 : i64} {
  func.func @_sc_agg(%arg0: i32, %arg1: i32, %arg2: memref<2x10000x64xf32, #tpu.memory_space<hbm>>, %arg3: memref<16x250x80xi32, #tpu.memory_space<hbm>>, %arg4: memref<16x250x80xi32, #tpu.memory_space<hbm>>, %arg5: memref<16x250x80xf32, #tpu.memory_space<hbm>>, %arg6: memref<2x10000x64xf32, #tpu.memory_space<hbm>>, %arg7: memref<250x80xi32, #tpu.memory_space<vmem>>, %arg8: memref<250x80xi32, #tpu.memory_space<vmem>>, %arg9: memref<250x80xf32, #tpu.memory_space<vmem>>, %arg10: memref<80x64xf32, #tpu.memory_space<vmem>>, %arg11: memref<80x64xf32, #tpu.memory_space<vmem>>, %arg12: memref<80x64xf32, #tpu.memory_space<vmem>>, %arg13: memref<80x64xf32, #tpu.memory_space<vmem>>, %arg14: memref<80x64xf32, #tpu.memory_space<vmem>>, %arg15: memref<80x64xf32, #tpu.memory_space<vmem>>, %arg16: memref<10000x64xf32, #tpu.memory_space<vmem_shared>>, %arg17: memref<!tpu.dma_semaphore, #tpu.memory_space<semaphore_mem>>, %arg18: memref<!tpu.dma_semaphore, #tpu.memory_space<semaphore_mem>>, %arg19: memref<!tpu.dma_semaphore, #tpu.memory_space<semaphore_mem>>, %arg20: memref<!tpu.dma_semaphore, #tpu.memory_space<semaphore_mem>>, %arg21: memref<!tpu.dma_semaphore, #tpu.memory_space<semaphore_mem>>, %arg22: memref<!tpu.dma_semaphore, #tpu.memory_space<semaphore_mem>>, %arg23: memref<!tpu.dma_semaphore, #tpu.memory_space<semaphore_mem>>, %arg24: memref<!tpu.dma_semaphore, #tpu.memory_space<semaphore_mem>>, %arg25: memref<!tpu.dma_semaphore, #tpu.memory_space<semaphore_mem>>, %arg26: memref<!tpu.dma_semaphore, #tpu.memory_space<semaphore_mem>>) attributes {dimension_semantics = [#tpu.dimension_semantics<core_parallel>, #tpu.dimension_semantics<subcore_parallel>], iteration_bounds = array<i64: 2, 16>, scalar_prefetch = 0 : i64, scratch_operands = 20 : i64, tpu.core_type = #tpu.core_type<sc_vector_subcore>, window_params = [{transform_indices = #map}, {transform_indices = #map}, {transform_indices = #map}, {transform_indices = #map}, {transform_indices = #map}]} {
    "tpu.region"() ({
      %run_scoped3A = tpu.sem_alloc : memref<!tpu.dma_semaphore, #tpu.memory_space<semaphore_mem>>
      %dma_start3A_77 = arith.constant 0 : i32
      %dma_start3A_78 = arith.constant 0 : i32
      %dma_start3A_79 = tpu.memref_slice %arg3[%arg1, %dma_start3A_77, %dma_start3A_78] : memref<16x250x80xi32, #tpu.memory_space<hbm>> -> memref<1x250x80xi32, #tpu.memory_space<hbm>>
      %dma_start3A_80 = tpu.memref_squeeze %dma_start3A_79 : memref<1x250x80xi32, #tpu.memory_space<hbm>> -> memref<250x80xi32, #tpu.memory_space<hbm>>
      %dma_start3A_81 = arith.constant 0 : i32
      %dma_start3A_82 = arith.constant 0 : i32
      %dma_start3A_83 = tpu.memref_slice %arg3[%arg1, %dma_start3A_81, %dma_start3A_82] : memref<16x250x80xi32, #tpu.memory_space<hbm>> -> memref<1x250x80xi32, #tpu.memory_space<hbm>>
      %dma_start3A_84 = tpu.memref_squeeze %dma_start3A_83 : memref<1x250x80xi32, #tpu.memory_space<hbm>> -> memref<250x80xi32, #tpu.memory_space<hbm>>
      tpu.enqueue_dma source(%dma_start3A_84 : memref<250x80xi32, #tpu.memory_space<hbm>>) target(%arg7 : memref<250x80xi32, #tpu.memory_space<vmem>>) target_semaphore(%run_scoped3A : memref<!tpu.dma_semaphore, #tpu.memory_space<semaphore_mem>>)
      %dma_wait3A_85 = arith.constant 0 : i32
      %dma_wait3A_86 = arith.constant 0 : i32
      %dma_wait3A_87 = tpu.memref_slice %arg3[%arg1, %dma_wait3A_85, %dma_wait3A_86] : memref<16x250x80xi32, #tpu.memory_space<hbm>> -> memref<1x250x80xi32, #tpu.memory_space<hbm>>
      %dma_wait3A_88 = tpu.memref_squeeze %dma_wait3A_87 : memref<1x250x80xi32, #tpu.memory_space<hbm>> -> memref<250x80xi32, #tpu.memory_space<hbm>>
      %dma_wait3A_89 = arith.constant 0 : i32
      %dma_wait3A_90 = arith.constant 0 : i32
      %dma_wait3A_91 = tpu.memref_slice %arg3[%arg1, %dma_wait3A_89, %dma_wait3A_90] : memref<16x250x80xi32, #tpu.memory_space<hbm>> -> memref<1x250x80xi32, #tpu.memory_space<hbm>>
      %dma_wait3A_92 = tpu.memref_squeeze %dma_wait3A_91 : memref<1x250x80xi32, #tpu.memory_space<hbm>> -> memref<250x80xi32, #tpu.memory_space<hbm>>
      tpu.wait_dma2 semaphore(%run_scoped3A : memref<!tpu.dma_semaphore, #tpu.memory_space<semaphore_mem>>) src(%dma_wait3A_92 : memref<250x80xi32, #tpu.memory_space<hbm>>) dst(%arg7 : memref<250x80xi32, #tpu.memory_space<vmem>>)
      tpu.yield
    }) : () -> ()
    "tpu.region"() ({
      %run_scoped3A = tpu.sem_alloc : memref<!tpu.dma_semaphore, #tpu.memory_space<semaphore_mem>>
      %dma_start3A_77 = arith.constant 0 : i32
      %dma_start3A_78 = arith.constant 0 : i32
      %dma_start3A_79 = tpu.memref_slice %arg4[%arg1, %dma_start3A_77, %dma_start3A_78] : memref<16x250x80xi32, #tpu.memory_space<hbm>> -> memref<1x250x80xi32, #tpu.memory_space<hbm>>
      %dma_start3A_80 = tpu.memref_squeeze %dma_start3A_79 : memref<1x250x80xi32, #tpu.memory_space<hbm>> -> memref<250x80xi32, #tpu.memory_space<hbm>>
      %dma_start3A_81 = arith.constant 0 : i32
      %dma_start3A_82 = arith.constant 0 : i32
      %dma_start3A_83 = tpu.memref_slice %arg4[%arg1, %dma_start3A_81, %dma_start3A_82] : memref<16x250x80xi32, #tpu.memory_space<hbm>> -> memref<1x250x80xi32, #tpu.memory_space<hbm>>
      %dma_start3A_84 = tpu.memref_squeeze %dma_start3A_83 : memref<1x250x80xi32, #tpu.memory_space<hbm>> -> memref<250x80xi32, #tpu.memory_space<hbm>>
      tpu.enqueue_dma source(%dma_start3A_84 : memref<250x80xi32, #tpu.memory_space<hbm>>) target(%arg8 : memref<250x80xi32, #tpu.memory_space<vmem>>) target_semaphore(%run_scoped3A : memref<!tpu.dma_semaphore, #tpu.memory_space<semaphore_mem>>)
      %dma_wait3A_85 = arith.constant 0 : i32
      %dma_wait3A_86 = arith.constant 0 : i32
      %dma_wait3A_87 = tpu.memref_slice %arg4[%arg1, %dma_wait3A_85, %dma_wait3A_86] : memref<16x250x80xi32, #tpu.memory_space<hbm>> -> memref<1x250x80xi32, #tpu.memory_space<hbm>>
      %dma_wait3A_88 = tpu.memref_squeeze %dma_wait3A_87 : memref<1x250x80xi32, #tpu.memory_space<hbm>> -> memref<250x80xi32, #tpu.memory_space<hbm>>
      %dma_wait3A_89 = arith.constant 0 : i32
      %dma_wait3A_90 = arith.constant 0 : i32
      %dma_wait3A_91 = tpu.memref_slice %arg4[%arg1, %dma_wait3A_89, %dma_wait3A_90] : memref<16x250x80xi32, #tpu.memory_space<hbm>> -> memref<1x250x80xi32, #tpu.memory_space<hbm>>
      %dma_wait3A_92 = tpu.memref_squeeze %dma_wait3A_91 : memref<1x250x80xi32, #tpu.memory_space<hbm>> -> memref<250x80xi32, #tpu.memory_space<hbm>>
      tpu.wait_dma2 semaphore(%run_scoped3A : memref<!tpu.dma_semaphore, #tpu.memory_space<semaphore_mem>>) src(%dma_wait3A_92 : memref<250x80xi32, #tpu.memory_space<hbm>>) dst(%arg8 : memref<250x80xi32, #tpu.memory_space<vmem>>)
      tpu.yield
    }) : () -> ()
    "tpu.region"() ({
      %run_scoped3A = tpu.sem_alloc : memref<!tpu.dma_semaphore, #tpu.memory_space<semaphore_mem>>
      %dma_start3A_77 = arith.constant 0 : i32
      %dma_start3A_78 = arith.constant 0 : i32
      %dma_start3A_79 = tpu.memref_slice %arg5[%arg1, %dma_start3A_77, %dma_start3A_78] : memref<16x250x80xf32, #tpu.memory_space<hbm>> -> memref<1x250x80xf32, #tpu.memory_space<hbm>>
      %dma_start3A_80 = tpu.memref_squeeze %dma_start3A_79 : memref<1x250x80xf32, #tpu.memory_space<hbm>> -> memref<250x80xf32, #tpu.memory_space<hbm>>
      %dma_start3A_81 = arith.constant 0 : i32
      %dma_start3A_82 = arith.constant 0 : i32
      %dma_start3A_83 = tpu.memref_slice %arg5[%arg1, %dma_start3A_81, %dma_start3A_82] : memref<16x250x80xf32, #tpu.memory_space<hbm>> -> memref<1x250x80xf32, #tpu.memory_space<hbm>>
      %dma_start3A_84 = tpu.memref_squeeze %dma_start3A_83 : memref<1x250x80xf32, #tpu.memory_space<hbm>> -> memref<250x80xf32, #tpu.memory_space<hbm>>
      tpu.enqueue_dma source(%dma_start3A_84 : memref<250x80xf32, #tpu.memory_space<hbm>>) target(%arg9 : memref<250x80xf32, #tpu.memory_space<vmem>>) target_semaphore(%run_scoped3A : memref<!tpu.dma_semaphore, #tpu.memory_space<semaphore_mem>>)
      %dma_wait3A_85 = arith.constant 0 : i32
      %dma_wait3A_86 = arith.constant 0 : i32
      %dma_wait3A_87 = tpu.memref_slice %arg5[%arg1, %dma_wait3A_85, %dma_wait3A_86] : memref<16x250x80xf32, #tpu.memory_space<hbm>> -> memref<1x250x80xf32, #tpu.memory_space<hbm>>
      %dma_wait3A_88 = tpu.memref_squeeze %dma_wait3A_87 : memref<1x250x80xf32, #tpu.memory_space<hbm>> -> memref<250x80xf32, #tpu.memory_space<hbm>>
      %dma_wait3A_89 = arith.constant 0 : i32
      %dma_wait3A_90 = arith.constant 0 : i32
      %dma_wait3A_91 = tpu.memref_slice %arg5[%arg1, %dma_wait3A_89, %dma_wait3A_90] : memref<16x250x80xf32, #tpu.memory_space<hbm>> -> memref<1x250x80xf32, #tpu.memory_space<hbm>>
      %dma_wait3A_92 = tpu.memref_squeeze %dma_wait3A_91 : memref<1x250x80xf32, #tpu.memory_space<hbm>> -> memref<250x80xf32, #tpu.memory_space<hbm>>
      tpu.wait_dma2 semaphore(%run_scoped3A : memref<!tpu.dma_semaphore, #tpu.memory_space<semaphore_mem>>) src(%dma_wait3A_92 : memref<250x80xf32, #tpu.memory_space<hbm>>) dst(%arg9 : memref<250x80xf32, #tpu.memory_space<vmem>>)
      tpu.yield
    }) : () -> ()
    %dma_start3A = arith.constant 0 : i32
    %dma_start3A_0 = arith.constant 0 : i32
    %dma_start3A_1 = tpu.memref_slice %arg7[%dma_start3A, %dma_start3A_0] : memref<250x80xi32, #tpu.memory_space<vmem>> -> memref<1x80xi32, #tpu.memory_space<vmem>>
    %dma_start3A_2 = tpu.memref_squeeze %dma_start3A_1 : memref<1x80xi32, #tpu.memory_space<vmem>> -> memref<80xi32, #tpu.memory_space<vmem>>
    %dma_start3A_3 = arith.constant 0 : i32
    %dma_start3A_4 = arith.constant 0 : i32
    %dma_start3A_5 = tpu.memref_slice %arg2[%arg0, %dma_start3A_3, %dma_start3A_4] : memref<2x10000x64xf32, #tpu.memory_space<hbm>> -> memref<1x10000x64xf32, #tpu.memory_space<hbm>>
    %dma_start3A_6 = tpu.memref_squeeze %dma_start3A_5 : memref<1x10000x64xf32, #tpu.memory_space<hbm>> -> memref<10000x64xf32, #tpu.memory_space<hbm>>
    %dma_start3A_7 = arith.constant 0 : i32
    %dma_start3A_8 = arith.constant 0 : i32
    %dma_start3A_9 = tpu.memref_slice %dma_start3A_6[%dma_start3A_7, %dma_start3A_8] : memref<10000x64xf32, #tpu.memory_space<hbm>> -> memref<10000x64xf32, #tpu.memory_space<hbm>>
    tpu.enqueue_indirect_dma source(%dma_start3A_9 : memref<10000x64xf32, #tpu.memory_space<hbm>>) target(%arg10 : memref<80x64xf32, #tpu.memory_space<vmem>>) offsets(%dma_start3A_2 : memref<80xi32, #tpu.memory_space<vmem>>) semaphore(%arg17 : memref<!tpu.dma_semaphore, #tpu.memory_space<semaphore_mem>>)
    %dma_start3A_10 = arith.constant 1 : i32
    %dma_start3A_11 = arith.constant 0 : i32
    %dma_start3A_12 = tpu.memref_slice %arg7[%dma_start3A_10, %dma_start3A_11] : memref<250x80xi32, #tpu.memory_space<vmem>> -> memref<1x80xi32, #tpu.memory_space<vmem>>
    %dma_start3A_13 = tpu.memref_squeeze %dma_start3A_12 : memref<1x80xi32, #tpu.memory_space<vmem>> -> memref<80xi32, #tpu.memory_space<vmem>>
    %dma_start3A_14 = arith.constant 0 : i32
    %dma_start3A_15 = arith.constant 0 : i32
    %dma_start3A_16 = tpu.memref_slice %arg2[%arg0, %dma_start3A_14, %dma_start3A_15] : memref<2x10000x64xf32, #tpu.memory_space<hbm>> -> memref<1x10000x64xf32, #tpu.memory_space<hbm>>
    %dma_start3A_17 = tpu.memref_squeeze %dma_start3A_16 : memref<1x10000x64xf32, #tpu.memory_space<hbm>> -> memref<10000x64xf32, #tpu.memory_space<hbm>>
    %dma_start3A_18 = arith.constant 0 : i32
    %dma_start3A_19 = arith.constant 0 : i32
    %dma_start3A_20 = tpu.memref_slice %dma_start3A_17[%dma_start3A_18, %dma_start3A_19] : memref<10000x64xf32, #tpu.memory_space<hbm>> -> memref<10000x64xf32, #tpu.memory_space<hbm>>
    tpu.enqueue_indirect_dma source(%dma_start3A_20 : memref<10000x64xf32, #tpu.memory_space<hbm>>) target(%arg11 : memref<80x64xf32, #tpu.memory_space<vmem>>) offsets(%dma_start3A_13 : memref<80xi32, #tpu.memory_space<vmem>>) semaphore(%arg18 : memref<!tpu.dma_semaphore, #tpu.memory_space<semaphore_mem>>)
    %dma_start3A_21 = arith.constant 2 : i32
    %dma_start3A_22 = arith.constant 0 : i32
    %dma_start3A_23 = tpu.memref_slice %arg7[%dma_start3A_21, %dma_start3A_22] : memref<250x80xi32, #tpu.memory_space<vmem>> -> memref<1x80xi32, #tpu.memory_space<vmem>>
    %dma_start3A_24 = tpu.memref_squeeze %dma_start3A_23 : memref<1x80xi32, #tpu.memory_space<vmem>> -> memref<80xi32, #tpu.memory_space<vmem>>
    %dma_start3A_25 = arith.constant 0 : i32
    %dma_start3A_26 = arith.constant 0 : i32
    %dma_start3A_27 = tpu.memref_slice %arg2[%arg0, %dma_start3A_25, %dma_start3A_26] : memref<2x10000x64xf32, #tpu.memory_space<hbm>> -> memref<1x10000x64xf32, #tpu.memory_space<hbm>>
    %dma_start3A_28 = tpu.memref_squeeze %dma_start3A_27 : memref<1x10000x64xf32, #tpu.memory_space<hbm>> -> memref<10000x64xf32, #tpu.memory_space<hbm>>
    %dma_start3A_29 = arith.constant 0 : i32
    %dma_start3A_30 = arith.constant 0 : i32
    %dma_start3A_31 = tpu.memref_slice %dma_start3A_28[%dma_start3A_29, %dma_start3A_30] : memref<10000x64xf32, #tpu.memory_space<hbm>> -> memref<10000x64xf32, #tpu.memory_space<hbm>>
    tpu.enqueue_indirect_dma source(%dma_start3A_31 : memref<10000x64xf32, #tpu.memory_space<hbm>>) target(%arg12 : memref<80x64xf32, #tpu.memory_space<vmem>>) offsets(%dma_start3A_24 : memref<80xi32, #tpu.memory_space<vmem>>) semaphore(%arg19 : memref<!tpu.dma_semaphore, #tpu.memory_space<semaphore_mem>>)
    %dma_start3A_32 = arith.constant 3 : i32
    %dma_start3A_33 = arith.constant 0 : i32
    %dma_start3A_34 = tpu.memref_slice %arg7[%dma_start3A_32, %dma_start3A_33] : memref<250x80xi32, #tpu.memory_space<vmem>> -> memref<1x80xi32, #tpu.memory_space<vmem>>
    %dma_start3A_35 = tpu.memref_squeeze %dma_start3A_34 : memref<1x80xi32, #tpu.memory_space<vmem>> -> memref<80xi32, #tpu.memory_space<vmem>>
    %dma_start3A_36 = arith.constant 0 : i32
    %dma_start3A_37 = arith.constant 0 : i32
    %dma_start3A_38 = tpu.memref_slice %arg2[%arg0, %dma_start3A_36, %dma_start3A_37] : memref<2x10000x64xf32, #tpu.memory_space<hbm>> -> memref<1x10000x64xf32, #tpu.memory_space<hbm>>
    %dma_start3A_39 = tpu.memref_squeeze %dma_start3A_38 : memref<1x10000x64xf32, #tpu.memory_space<hbm>> -> memref<10000x64xf32, #tpu.memory_space<hbm>>
    %dma_start3A_40 = arith.constant 0 : i32
    %dma_start3A_41 = arith.constant 0 : i32
    %dma_start3A_42 = tpu.memref_slice %dma_start3A_39[%dma_start3A_40, %dma_start3A_41] : memref<10000x64xf32, #tpu.memory_space<hbm>> -> memref<10000x64xf32, #tpu.memory_space<hbm>>
    tpu.enqueue_indirect_dma source(%dma_start3A_42 : memref<10000x64xf32, #tpu.memory_space<hbm>>) target(%arg13 : memref<80x64xf32, #tpu.memory_space<vmem>>) offsets(%dma_start3A_35 : memref<80xi32, #tpu.memory_space<vmem>>) semaphore(%arg20 : memref<!tpu.dma_semaphore, #tpu.memory_space<semaphore_mem>>)
    %scan3A = arith.constant 0 : i32
    %scan3A_43 = arith.constant 0 : i32
    %scan3A_44 = arith.constant 80 : i32
    %scan3A_45 = arith.addi %scan3A_43, %scan3A_44 : i32
    %scan3A_46 = arith.constant 1 : i32
    %scan3A_47 = scf.for %scan3A_77 = %scan3A_43 to %scan3A_45 step %scan3A_46 iter_args(%scan3A_78 = %scan3A) -> (i32)  : i32 {
      %broadcast_in_dim3A = arith.constant 0.000000e+00 : f32
      %broadcast_in_dim3A_79 = vector.broadcast %broadcast_in_dim3A : f32 to vector<16xf32>
      %swap3A = arith.index_cast %scan3A_77 : i32 to index
      %swap3A_80 = arith.constant 0 : index
      %swap3A_81 = tpu.vector_load %arg15[%swap3A, %swap3A_80] {strides = array<i32>} : memref<80x64xf32, #tpu.memory_space<vmem>>, vector<16xf32>,
      tpu.vector_store %arg15[%swap3A, %swap3A_80], %broadcast_in_dim3A_79 {strides = array<i32>} : memref<80x64xf32, #tpu.memory_space<vmem>>, vector<16xf32>,
      %broadcast_in_dim3A_82 = arith.constant 0.000000e+00 : f32
      %broadcast_in_dim3A_83 = vector.broadcast %broadcast_in_dim3A_82 : f32 to vector<16xf32>
      %swap3A_84 = arith.index_cast %scan3A_77 : i32 to index
      %swap3A_85 = arith.constant 16 : index
      %swap3A_86 = tpu.vector_load %arg15[%swap3A_84, %swap3A_85] {strides = array<i32>} : memref<80x64xf32, #tpu.memory_space<vmem>>, vector<16xf32>,
      tpu.vector_store %arg15[%swap3A_84, %swap3A_85], %broadcast_in_dim3A_83 {strides = array<i32>} : memref<80x64xf32, #tpu.memory_space<vmem>>, vector<16xf32>,
      %broadcast_in_dim3A_87 = arith.constant 0.000000e+00 : f32
      %broadcast_in_dim3A_88 = vector.broadcast %broadcast_in_dim3A_87 : f32 to vector<16xf32>
      %swap3A_89 = arith.index_cast %scan3A_77 : i32 to index
      %swap3A_90 = arith.constant 32 : index
      %swap3A_91 = tpu.vector_load %arg15[%swap3A_89, %swap3A_90] {strides = array<i32>} : memref<80x64xf32, #tpu.memory_space<vmem>>, vector<16xf32>,
      tpu.vector_store %arg15[%swap3A_89, %swap3A_90], %broadcast_in_dim3A_88 {strides = array<i32>} : memref<80x64xf32, #tpu.memory_space<vmem>>, vector<16xf32>,
      %broadcast_in_dim3A_92 = arith.constant 0.000000e+00 : f32
      %broadcast_in_dim3A_93 = vector.broadcast %broadcast_in_dim3A_92 : f32 to vector<16xf32>
      %swap3A_94 = arith.index_cast %scan3A_77 : i32 to index
      %swap3A_95 = arith.constant 48 : index
      %swap3A_96 = tpu.vector_load %arg15[%swap3A_94, %swap3A_95] {strides = array<i32>} : memref<80x64xf32, #tpu.memory_space<vmem>>, vector<16xf32>,
      tpu.vector_store %arg15[%swap3A_94, %swap3A_95], %broadcast_in_dim3A_93 {strides = array<i32>} : memref<80x64xf32, #tpu.memory_space<vmem>>, vector<16xf32>,
      %scan3A_97 = arith.constant 0 : i32
      scf.yield %scan3A_97 : i32
    }
    %scan3A_48 = arith.constant 80 : i32
    %scan3A_49 = arith.constant 0 : i32
    %scan3A_50 = arith.constant 0 : i32
    %scan3A_51 = arith.constant 8 : i32
    %scan3A_52 = arith.addi %scan3A_50, %scan3A_51 : i32
    %scan3A_53 = arith.constant 1 : i32
    %scan3A_54 = scf.for %scan3A_77 = %scan3A_50 to %scan3A_52 step %scan3A_53 iter_args(%scan3A_78 = %scan3A_49) -> (i32)  : i32 {
      %mul3A = arith.constant 16 : i32
      %mul3A_79 = arith.muli %scan3A_77, %mul3A : i32
      %add3A = arith.addi %arg1, %mul3A_79 : i32
      %lt3A = arith.constant 125 : i32
      %lt3A_80 = arith.cmpi slt, %add3A, %lt3A : i32
      %convert_element_type3A = arith.extui %lt3A_80 : i1 to i32
      %cond3A = arith.constant 0 : i32
      %cond3A_81 = arith.cmpi ne, %convert_element_type3A, %cond3A : i32
      scf.if %cond3A_81 {
        %mul3A_83 = arith.constant 80 : i32
        %mul3A_84 = arith.muli %add3A, %mul3A_83 : i32
        "tpu.region"() ({
          %run_scoped3A = tpu.sem_alloc : memref<!tpu.dma_semaphore, #tpu.memory_space<semaphore_mem>>
          %dma_start3A_85 = arith.constant 0 : i32
          %dma_start3A_86 = tpu.memref_slice %arg16[%mul3A_84, %dma_start3A_85] : memref<10000x64xf32, #tpu.memory_space<vmem_shared>> -> memref<80x64xf32, #tpu.memory_space<vmem_shared>>
          %dma_start3A_87 = arith.constant 0 : i32
          %dma_start3A_88 = tpu.memref_slice %arg16[%mul3A_84, %dma_start3A_87] : memref<10000x64xf32, #tpu.memory_space<vmem_shared>> -> memref<80x64xf32, #tpu.memory_space<vmem_shared>>
          tpu.enqueue_dma source(%arg15 : memref<80x64xf32, #tpu.memory_space<vmem>>) target(%dma_start3A_88 : memref<80x64xf32, #tpu.memory_space<vmem_shared>>) target_semaphore(%run_scoped3A : memref<!tpu.dma_semaphore, #tpu.memory_space<semaphore_mem>>)
          %dma_wait3A_89 = arith.constant 0 : i32
          %dma_wait3A_90 = tpu.memref_slice %arg16[%mul3A_84, %dma_wait3A_89] : memref<10000x64xf32, #tpu.memory_space<vmem_shared>> -> memref<80x64xf32, #tpu.memory_space<vmem_shared>>
          %dma_wait3A_91 = arith.constant 0 : i32
          %dma_wait3A_92 = tpu.memref_slice %arg16[%mul3A_84, %dma_wait3A_91] : memref<10000x64xf32, #tpu.memory_space<vmem_shared>> -> memref<80x64xf32, #tpu.memory_space<vmem_shared>>
          tpu.wait_dma2 semaphore(%run_scoped3A : memref<!tpu.dma_semaphore, #tpu.memory_space<semaphore_mem>>) src(%arg15 : memref<80x64xf32, #tpu.memory_space<vmem>>) dst(%dma_wait3A_92 : memref<80x64xf32, #tpu.memory_space<vmem_shared>>)
          tpu.yield
        }) : () -> ()
      } else {
      }
      %scan3A_82 = arith.constant 0 : i32
      scf.yield %scan3A_82 : i32
    }
    %scan3A_55 = arith.constant 8 : i32
    %barrier3A = arith.constant 0 : index
    tpu.barrier barrier_id(%barrier3A)
    %scan3A_56 = arith.constant 0 : i32
    %scan3A_57 = arith.constant 0 : i32
    %scan3A_58 = arith.constant 50 : i32
    %scan3A_59 = arith.addi %scan3A_57, %scan3A_58 : i32
    %scan3A_60 = arith.constant 1 : i32
    %scan3A_61 = scf.for %scan3A_77 = %scan3A_57 to %scan3A_59 step %scan3A_60 iter_args(%scan3A_78 = %scan3A_56) -> (i32)  : i32 {
      %mul3A = arith.constant 5 : i32
      %mul3A_79 = arith.muli %mul3A, %scan3A_77 : i32
      %add3A = arith.constant 0 : i32
      %add3A_80 = arith.addi %mul3A_79, %add3A : i32
      %dma_wait3A_81 = arith.constant 0 : i32
      %dma_wait3A_82 = tpu.memref_slice %arg7[%add3A_80, %dma_wait3A_81] : memref<250x80xi32, #tpu.memory_space<vmem>> -> memref<1x80xi32, #tpu.memory_space<vmem>>
      %dma_wait3A_83 = tpu.memref_squeeze %dma_wait3A_82 : memref<1x80xi32, #tpu.memory_space<vmem>> -> memref<80xi32, #tpu.memory_space<vmem>>
      %dma_wait3A_84 = arith.constant 0 : i32
      %dma_wait3A_85 = arith.constant 0 : i32
      %dma_wait3A_86 = tpu.memref_slice %arg2[%arg0, %dma_wait3A_84, %dma_wait3A_85] : memref<2x10000x64xf32, #tpu.memory_space<hbm>> -> memref<1x10000x64xf32, #tpu.memory_space<hbm>>
      %dma_wait3A_87 = tpu.memref_squeeze %dma_wait3A_86 : memref<1x10000x64xf32, #tpu.memory_space<hbm>> -> memref<10000x64xf32, #tpu.memory_space<hbm>>
      %dma_wait3A_88 = arith.constant 0 : i32
      %dma_wait3A_89 = arith.constant 0 : i32
      %dma_wait3A_90 = tpu.memref_slice %dma_wait3A_87[%dma_wait3A_88, %dma_wait3A_89] : memref<10000x64xf32, #tpu.memory_space<hbm>> -> memref<10000x64xf32, #tpu.memory_space<hbm>>
      tpu.wait_indirect_dma semaphore(%arg17 : memref<!tpu.dma_semaphore, #tpu.memory_space<semaphore_mem>>) src(%dma_wait3A_90 : memref<10000x64xf32, #tpu.memory_space<hbm>>) dst(%arg10 : memref<80x64xf32, #tpu.memory_space<vmem>>)
      %broadcast_in_dim3A = vector.broadcast %add3A_80 : i32 to vector<16xi32>
      %parallel_loop3A = arith.constant 0 : i32
      %parallel_loop3A_91 = arith.constant 80 : i32
      %parallel_loop3A_92 = arith.constant 1 : i32
      scf.for %parallel_loop3A_252 = %parallel_loop3A to %parallel_loop3A_91 step %parallel_loop3A_92  : i32 {
        %parallel_loop3A_253 = vector.broadcast %parallel_loop3A_252 : i32 to vector<16xi32>
        %parallel_loop3A_254 = tpu.vector_load_idx %arg9[%broadcast_in_dim3A, %parallel_loop3A_253] : memref<250x80xf32, #tpu.memory_space<vmem>>[vector<16xi32>, vector<16xi32>], vector<16xf32>,
        %parallel_loop3A_255 = arith.index_cast %parallel_loop3A_252 : i32 to index
        %parallel_loop3A_256 = arith.constant 0 : index
        %parallel_loop3A_257 = tpu.vector_load %arg10[%parallel_loop3A_255, %parallel_loop3A_256] {strides = array<i32>} : memref<80x64xf32, #tpu.memory_space<vmem>>, vector<16xf32>,
        %parallel_loop3A_258 = arith.mulf %parallel_loop3A_257, %parallel_loop3A_254 : vector<16xf32>
        %parallel_loop3A_259 = arith.index_cast %parallel_loop3A_252 : i32 to index
        %parallel_loop3A_260 = arith.constant 0 : index
        %parallel_loop3A_261 = tpu.vector_load %arg10[%parallel_loop3A_259, %parallel_loop3A_260] {strides = array<i32>} : memref<80x64xf32, #tpu.memory_space<vmem>>, vector<16xf32>,
        tpu.vector_store %arg10[%parallel_loop3A_259, %parallel_loop3A_260], %parallel_loop3A_258 {strides = array<i32>} : memref<80x64xf32, #tpu.memory_space<vmem>>, vector<16xf32>,
        %parallel_loop3A_262 = arith.index_cast %parallel_loop3A_252 : i32 to index
        %parallel_loop3A_263 = arith.constant 16 : index
        %parallel_loop3A_264 = tpu.vector_load %arg10[%parallel_loop3A_262, %parallel_loop3A_263] {strides = array<i32>} : memref<80x64xf32, #tpu.memory_space<vmem>>, vector<16xf32>,
        %parallel_loop3A_265 = arith.mulf %parallel_loop3A_264, %parallel_loop3A_254 : vector<16xf32>
        %parallel_loop3A_266 = arith.index_cast %parallel_loop3A_252 : i32 to index
        %parallel_loop3A_267 = arith.constant 16 : index
        %parallel_loop3A_268 = tpu.vector_load %arg10[%parallel_loop3A_266, %parallel_loop3A_267] {strides = array<i32>} : memref<80x64xf32, #tpu.memory_space<vmem>>, vector<16xf32>,
        tpu.vector_store %arg10[%parallel_loop3A_266, %parallel_loop3A_267], %parallel_loop3A_265 {strides = array<i32>} : memref<80x64xf32, #tpu.memory_space<vmem>>, vector<16xf32>,
        %parallel_loop3A_269 = arith.index_cast %parallel_loop3A_252 : i32 to index
        %parallel_loop3A_270 = arith.constant 32 : index
        %parallel_loop3A_271 = tpu.vector_load %arg10[%parallel_loop3A_269, %parallel_loop3A_270] {strides = array<i32>} : memref<80x64xf32, #tpu.memory_space<vmem>>, vector<16xf32>,
        %parallel_loop3A_272 = arith.mulf %parallel_loop3A_271, %parallel_loop3A_254 : vector<16xf32>
        %parallel_loop3A_273 = arith.index_cast %parallel_loop3A_252 : i32 to index
        %parallel_loop3A_274 = arith.constant 32 : index
        %parallel_loop3A_275 = tpu.vector_load %arg10[%parallel_loop3A_273, %parallel_loop3A_274] {strides = array<i32>} : memref<80x64xf32, #tpu.memory_space<vmem>>, vector<16xf32>,
        tpu.vector_store %arg10[%parallel_loop3A_273, %parallel_loop3A_274], %parallel_loop3A_272 {strides = array<i32>} : memref<80x64xf32, #tpu.memory_space<vmem>>, vector<16xf32>,
        %parallel_loop3A_276 = arith.index_cast %parallel_loop3A_252 : i32 to index
        %parallel_loop3A_277 = arith.constant 48 : index
        %parallel_loop3A_278 = tpu.vector_load %arg10[%parallel_loop3A_276, %parallel_loop3A_277] {strides = array<i32>} : memref<80x64xf32, #tpu.memory_space<vmem>>, vector<16xf32>,
        %parallel_loop3A_279 = arith.mulf %parallel_loop3A_278, %parallel_loop3A_254 : vector<16xf32>
        %parallel_loop3A_280 = arith.index_cast %parallel_loop3A_252 : i32 to index
        %parallel_loop3A_281 = arith.constant 48 : index
        %parallel_loop3A_282 = tpu.vector_load %arg10[%parallel_loop3A_280, %parallel_loop3A_281] {strides = array<i32>} : memref<80x64xf32, #tpu.memory_space<vmem>>, vector<16xf32>,
        tpu.vector_store %arg10[%parallel_loop3A_280, %parallel_loop3A_281], %parallel_loop3A_279 {strides = array<i32>} : memref<80x64xf32, #tpu.memory_space<vmem>>, vector<16xf32>,
      } {sc.loop_unroll_factor = 8 : i64, sc.parallel_access}
      %dma_start3A_93 = arith.constant 0 : i32
      %dma_start3A_94 = tpu.memref_slice %arg8[%add3A_80, %dma_start3A_93] : memref<250x80xi32, #tpu.memory_space<vmem>> -> memref<1x80xi32, #tpu.memory_space<vmem>>
      %dma_start3A_95 = tpu.memref_squeeze %dma_start3A_94 : memref<1x80xi32, #tpu.memory_space<vmem>> -> memref<80xi32, #tpu.memory_space<vmem>>
      %dma_start3A_96 = arith.constant 0 : i32
      %dma_start3A_97 = arith.constant 0 : i32
      %dma_start3A_98 = tpu.memref_slice %arg16[%dma_start3A_96, %dma_start3A_97] : memref<10000x64xf32, #tpu.memory_space<vmem_shared>> -> memref<10000x64xf32, #tpu.memory_space<vmem_shared>>
      tpu.enqueue_indirect_dma source(%arg10 : memref<80x64xf32, #tpu.memory_space<vmem>>) target(%dma_start3A_98 : memref<10000x64xf32, #tpu.memory_space<vmem_shared>>) offsets(%dma_start3A_95 : memref<80xi32, #tpu.memory_space<vmem>>) semaphore(%arg22 : memref<!tpu.dma_semaphore, #tpu.memory_space<semaphore_mem>>) {add = true}
      %ge3A = arith.constant 1 : i32
      %ge3A_99 = arith.cmpi sge, %add3A_80, %ge3A : i32
      %convert_element_type3A = arith.extui %ge3A_99 : i1 to i32
      %cond3A = arith.constant 0 : i32
      %cond3A_100 = arith.cmpi ne, %convert_element_type3A, %cond3A : i32
      scf.if %cond3A_100 {
        %sub3A = arith.constant 1 : i32
        %sub3A_252 = arith.subi %add3A_80, %sub3A : i32
        %max3A = arith.constant 0 : i32
        %max3A_253 = arith.maxsi %sub3A_252, %max3A : i32
        %dma_wait3A_254 = arith.constant 0 : i32
        %dma_wait3A_255 = tpu.memref_slice %arg8[%max3A_253, %dma_wait3A_254] : memref<250x80xi32, #tpu.memory_space<vmem>> -> memref<1x80xi32, #tpu.memory_space<vmem>>
        %dma_wait3A_256 = tpu.memref_squeeze %dma_wait3A_255 : memref<1x80xi32, #tpu.memory_space<vmem>> -> memref<80xi32, #tpu.memory_space<vmem>>
        %dma_wait3A_257 = arith.constant 0 : i32
        %dma_wait3A_258 = arith.constant 0 : i32
        %dma_wait3A_259 = tpu.memref_slice %arg16[%dma_wait3A_257, %dma_wait3A_258] : memref<10000x64xf32, #tpu.memory_space<vmem_shared>> -> memref<10000x64xf32, #tpu.memory_space<vmem_shared>>
        tpu.wait_indirect_dma semaphore(%arg26 : memref<!tpu.dma_semaphore, #tpu.memory_space<semaphore_mem>>) src(%arg14 : memref<80x64xf32, #tpu.memory_space<vmem>>) dst(%dma_wait3A_259 : memref<10000x64xf32, #tpu.memory_space<vmem_shared>>)
      } else {
      }
      %add3A_101 = arith.constant 4 : i32
      %add3A_102 = arith.addi %add3A_80, %add3A_101 : i32
      %lt3A = arith.constant 250 : i32
      %lt3A_103 = arith.cmpi slt, %add3A_102, %lt3A : i32
      %convert_element_type3A_104 = arith.extui %lt3A_103 : i1 to i32
      %cond3A_105 = arith.constant 0 : i32
      %cond3A_106 = arith.cmpi ne, %convert_element_type3A_104, %cond3A_105 : i32
      scf.if %cond3A_106 {
        %add3A_252 = arith.constant 4 : i32
        %add3A_253 = arith.addi %add3A_80, %add3A_252 : i32
        %dma_start3A_254 = arith.constant 0 : i32
        %dma_start3A_255 = tpu.memref_slice %arg7[%add3A_253, %dma_start3A_254] : memref<250x80xi32, #tpu.memory_space<vmem>> -> memref<1x80xi32, #tpu.memory_space<vmem>>
        %dma_start3A_256 = tpu.memref_squeeze %dma_start3A_255 : memref<1x80xi32, #tpu.memory_space<vmem>> -> memref<80xi32, #tpu.memory_space<vmem>>
        %dma_start3A_257 = arith.constant 0 : i32
        %dma_start3A_258 = arith.constant 0 : i32
        %dma_start3A_259 = tpu.memref_slice %arg2[%arg0, %dma_start3A_257, %dma_start3A_258] : memref<2x10000x64xf32, #tpu.memory_space<hbm>> -> memref<1x10000x64xf32, #tpu.memory_space<hbm>>
        %dma_start3A_260 = tpu.memref_squeeze %dma_start3A_259 : memref<1x10000x64xf32, #tpu.memory_space<hbm>> -> memref<10000x64xf32, #tpu.memory_space<hbm>>
        %dma_start3A_261 = arith.constant 0 : i32
        %dma_start3A_262 = arith.constant 0 : i32
        %dma_start3A_263 = tpu.memref_slice %dma_start3A_260[%dma_start3A_261, %dma_start3A_262] : memref<10000x64xf32, #tpu.memory_space<hbm>> -> memref<10000x64xf32, #tpu.memory_space<hbm>>
        tpu.enqueue_indirect_dma source(%dma_start3A_263 : memref<10000x64xf32, #tpu.memory_space<hbm>>) target(%arg14 : memref<80x64xf32, #tpu.memory_space<vmem>>) offsets(%dma_start3A_256 : memref<80xi32, #tpu.memory_space<vmem>>) semaphore(%arg21 : memref<!tpu.dma_semaphore, #tpu.memory_space<semaphore_mem>>)
      } else {
      }
      %mul3A_107 = arith.constant 5 : i32
      %mul3A_108 = arith.muli %mul3A_107, %scan3A_77 : i32
      %add3A_109 = arith.constant 1 : i32
      %add3A_110 = arith.addi %mul3A_108, %add3A_109 : i32
      %dma_wait3A_111 = arith.constant 0 : i32
      %dma_wait3A_112 = tpu.memref_slice %arg7[%add3A_110, %dma_wait3A_111] : memref<250x80xi32, #tpu.memory_space<vmem>> -> memref<1x80xi32, #tpu.memory_space<vmem>>
      %dma_wait3A_113 = tpu.memref_squeeze %dma_wait3A_112 : memref<1x80xi32, #tpu.memory_space<vmem>> -> memref<80xi32, #tpu.memory_space<vmem>>
      %dma_wait3A_114 = arith.constant 0 : i32
      %dma_wait3A_115 = arith.constant 0 : i32
      %dma_wait3A_116 = tpu.memref_slice %arg2[%arg0, %dma_wait3A_114, %dma_wait3A_115] : memref<2x10000x64xf32, #tpu.memory_space<hbm>> -> memref<1x10000x64xf32, #tpu.memory_space<hbm>>
      %dma_wait3A_117 = tpu.memref_squeeze %dma_wait3A_116 : memref<1x10000x64xf32, #tpu.memory_space<hbm>> -> memref<10000x64xf32, #tpu.memory_space<hbm>>
      %dma_wait3A_118 = arith.constant 0 : i32
      %dma_wait3A_119 = arith.constant 0 : i32
      %dma_wait3A_120 = tpu.memref_slice %dma_wait3A_117[%dma_wait3A_118, %dma_wait3A_119] : memref<10000x64xf32, #tpu.memory_space<hbm>> -> memref<10000x64xf32, #tpu.memory_space<hbm>>
      tpu.wait_indirect_dma semaphore(%arg18 : memref<!tpu.dma_semaphore, #tpu.memory_space<semaphore_mem>>) src(%dma_wait3A_120 : memref<10000x64xf32, #tpu.memory_space<hbm>>) dst(%arg11 : memref<80x64xf32, #tpu.memory_space<vmem>>)
      %broadcast_in_dim3A_121 = vector.broadcast %add3A_110 : i32 to vector<16xi32>
      %parallel_loop3A_122 = arith.constant 0 : i32
      %parallel_loop3A_123 = arith.constant 80 : i32
      %parallel_loop3A_124 = arith.constant 1 : i32
      scf.for %parallel_loop3A_252 = %parallel_loop3A_122 to %parallel_loop3A_123 step %parallel_loop3A_124  : i32 {
        %parallel_loop3A_253 = vector.broadcast %parallel_loop3A_252 : i32 to vector<16xi32>
        %parallel_loop3A_254 = tpu.vector_load_idx %arg9[%broadcast_in_dim3A_121, %parallel_loop3A_253] : memref<250x80xf32, #tpu.memory_space<vmem>>[vector<16xi32>, vector<16xi32>], vector<16xf32>,
        %parallel_loop3A_255 = arith.index_cast %parallel_loop3A_252 : i32 to index
        %parallel_loop3A_256 = arith.constant 0 : index
        %parallel_loop3A_257 = tpu.vector_load %arg11[%parallel_loop3A_255, %parallel_loop3A_256] {strides = array<i32>} : memref<80x64xf32, #tpu.memory_space<vmem>>, vector<16xf32>,
        %parallel_loop3A_258 = arith.mulf %parallel_loop3A_257, %parallel_loop3A_254 : vector<16xf32>
        %parallel_loop3A_259 = arith.index_cast %parallel_loop3A_252 : i32 to index
        %parallel_loop3A_260 = arith.constant 0 : index
        %parallel_loop3A_261 = tpu.vector_load %arg11[%parallel_loop3A_259, %parallel_loop3A_260] {strides = array<i32>} : memref<80x64xf32, #tpu.memory_space<vmem>>, vector<16xf32>,
        tpu.vector_store %arg11[%parallel_loop3A_259, %parallel_loop3A_260], %parallel_loop3A_258 {strides = array<i32>} : memref<80x64xf32, #tpu.memory_space<vmem>>, vector<16xf32>,
        %parallel_loop3A_262 = arith.index_cast %parallel_loop3A_252 : i32 to index
        %parallel_loop3A_263 = arith.constant 16 : index
        %parallel_loop3A_264 = tpu.vector_load %arg11[%parallel_loop3A_262, %parallel_loop3A_263] {strides = array<i32>} : memref<80x64xf32, #tpu.memory_space<vmem>>, vector<16xf32>,
        %parallel_loop3A_265 = arith.mulf %parallel_loop3A_264, %parallel_loop3A_254 : vector<16xf32>
        %parallel_loop3A_266 = arith.index_cast %parallel_loop3A_252 : i32 to index
        %parallel_loop3A_267 = arith.constant 16 : index
        %parallel_loop3A_268 = tpu.vector_load %arg11[%parallel_loop3A_266, %parallel_loop3A_267] {strides = array<i32>} : memref<80x64xf32, #tpu.memory_space<vmem>>, vector<16xf32>,
        tpu.vector_store %arg11[%parallel_loop3A_266, %parallel_loop3A_267], %parallel_loop3A_265 {strides = array<i32>} : memref<80x64xf32, #tpu.memory_space<vmem>>, vector<16xf32>,
        %parallel_loop3A_269 = arith.index_cast %parallel_loop3A_252 : i32 to index
        %parallel_loop3A_270 = arith.constant 32 : index
        %parallel_loop3A_271 = tpu.vector_load %arg11[%parallel_loop3A_269, %parallel_loop3A_270] {strides = array<i32>} : memref<80x64xf32, #tpu.memory_space<vmem>>, vector<16xf32>,
        %parallel_loop3A_272 = arith.mulf %parallel_loop3A_271, %parallel_loop3A_254 : vector<16xf32>
        %parallel_loop3A_273 = arith.index_cast %parallel_loop3A_252 : i32 to index
        %parallel_loop3A_274 = arith.constant 32 : index
        %parallel_loop3A_275 = tpu.vector_load %arg11[%parallel_loop3A_273, %parallel_loop3A_274] {strides = array<i32>} : memref<80x64xf32, #tpu.memory_space<vmem>>, vector<16xf32>,
        tpu.vector_store %arg11[%parallel_loop3A_273, %parallel_loop3A_274], %parallel_loop3A_272 {strides = array<i32>} : memref<80x64xf32, #tpu.memory_space<vmem>>, vector<16xf32>,
        %parallel_loop3A_276 = arith.index_cast %parallel_loop3A_252 : i32 to index
        %parallel_loop3A_277 = arith.constant 48 : index
        %parallel_loop3A_278 = tpu.vector_load %arg11[%parallel_loop3A_276, %parallel_loop3A_277] {strides = array<i32>} : memref<80x64xf32, #tpu.memory_space<vmem>>, vector<16xf32>,
        %parallel_loop3A_279 = arith.mulf %parallel_loop3A_278, %parallel_loop3A_254 : vector<16xf32>
        %parallel_loop3A_280 = arith.index_cast %parallel_loop3A_252 : i32 to index
        %parallel_loop3A_281 = arith.constant 48 : index
        %parallel_loop3A_282 = tpu.vector_load %arg11[%parallel_loop3A_280, %parallel_loop3A_281] {strides = array<i32>} : memref<80x64xf32, #tpu.memory_space<vmem>>, vector<16xf32>,
        tpu.vector_store %arg11[%parallel_loop3A_280, %parallel_loop3A_281], %parallel_loop3A_279 {strides = array<i32>} : memref<80x64xf32, #tpu.memory_space<vmem>>, vector<16xf32>,
      } {sc.loop_unroll_factor = 8 : i64, sc.parallel_access}
      %dma_start3A_125 = arith.constant 0 : i32
      %dma_start3A_126 = tpu.memref_slice %arg8[%add3A_110, %dma_start3A_125] : memref<250x80xi32, #tpu.memory_space<vmem>> -> memref<1x80xi32, #tpu.memory_space<vmem>>
      %dma_start3A_127 = tpu.memref_squeeze %dma_start3A_126 : memref<1x80xi32, #tpu.memory_space<vmem>> -> memref<80xi32, #tpu.memory_space<vmem>>
      %dma_start3A_128 = arith.constant 0 : i32
      %dma_start3A_129 = arith.constant 0 : i32
      %dma_start3A_130 = tpu.memref_slice %arg16[%dma_start3A_128, %dma_start3A_129] : memref<10000x64xf32, #tpu.memory_space<vmem_shared>> -> memref<10000x64xf32, #tpu.memory_space<vmem_shared>>
      tpu.enqueue_indirect_dma source(%arg11 : memref<80x64xf32, #tpu.memory_space<vmem>>) target(%dma_start3A_130 : memref<10000x64xf32, #tpu.memory_space<vmem_shared>>) offsets(%dma_start3A_127 : memref<80xi32, #tpu.memory_space<vmem>>) semaphore(%arg23 : memref<!tpu.dma_semaphore, #tpu.memory_space<semaphore_mem>>) {add = true}
      %ge3A_131 = arith.constant 1 : i32
      %ge3A_132 = arith.cmpi sge, %add3A_110, %ge3A_131 : i32
      %convert_element_type3A_133 = arith.extui %ge3A_132 : i1 to i32
      %cond3A_134 = arith.constant 0 : i32
      %cond3A_135 = arith.cmpi ne, %convert_element_type3A_133, %cond3A_134 : i32
      scf.if %cond3A_135 {
        %sub3A = arith.constant 1 : i32
        %sub3A_252 = arith.subi %add3A_110, %sub3A : i32
        %max3A = arith.constant 0 : i32
        %max3A_253 = arith.maxsi %sub3A_252, %max3A : i32
        %dma_wait3A_254 = arith.constant 0 : i32
        %dma_wait3A_255 = tpu.memref_slice %arg8[%max3A_253, %dma_wait3A_254] : memref<250x80xi32, #tpu.memory_space<vmem>> -> memref<1x80xi32, #tpu.memory_space<vmem>>
        %dma_wait3A_256 = tpu.memref_squeeze %dma_wait3A_255 : memref<1x80xi32, #tpu.memory_space<vmem>> -> memref<80xi32, #tpu.memory_space<vmem>>
        %dma_wait3A_257 = arith.constant 0 : i32
        %dma_wait3A_258 = arith.constant 0 : i32
        %dma_wait3A_259 = tpu.memref_slice %arg16[%dma_wait3A_257, %dma_wait3A_258] : memref<10000x64xf32, #tpu.memory_space<vmem_shared>> -> memref<10000x64xf32, #tpu.memory_space<vmem_shared>>
        tpu.wait_indirect_dma semaphore(%arg22 : memref<!tpu.dma_semaphore, #tpu.memory_space<semaphore_mem>>) src(%arg10 : memref<80x64xf32, #tpu.memory_space<vmem>>) dst(%dma_wait3A_259 : memref<10000x64xf32, #tpu.memory_space<vmem_shared>>)
      } else {
      }
      %add3A_136 = arith.constant 4 : i32
      %add3A_137 = arith.addi %add3A_110, %add3A_136 : i32
      %lt3A_138 = arith.constant 250 : i32
      %lt3A_139 = arith.cmpi slt, %add3A_137, %lt3A_138 : i32
      %convert_element_type3A_140 = arith.extui %lt3A_139 : i1 to i32
      %cond3A_141 = arith.constant 0 : i32
      %cond3A_142 = arith.cmpi ne, %convert_element_type3A_140, %cond3A_141 : i32
      scf.if %cond3A_142 {
        %add3A_252 = arith.constant 4 : i32
        %add3A_253 = arith.addi %add3A_110, %add3A_252 : i32
        %dma_start3A_254 = arith.constant 0 : i32
        %dma_start3A_255 = tpu.memref_slice %arg7[%add3A_253, %dma_start3A_254] : memref<250x80xi32, #tpu.memory_space<vmem>> -> memref<1x80xi32, #tpu.memory_space<vmem>>
        %dma_start3A_256 = tpu.memref_squeeze %dma_start3A_255 : memref<1x80xi32, #tpu.memory_space<vmem>> -> memref<80xi32, #tpu.memory_space<vmem>>
        %dma_start3A_257 = arith.constant 0 : i32
        %dma_start3A_258 = arith.constant 0 : i32
        %dma_start3A_259 = tpu.memref_slice %arg2[%arg0, %dma_start3A_257, %dma_start3A_258] : memref<2x10000x64xf32, #tpu.memory_space<hbm>> -> memref<1x10000x64xf32, #tpu.memory_space<hbm>>
        %dma_start3A_260 = tpu.memref_squeeze %dma_start3A_259 : memref<1x10000x64xf32, #tpu.memory_space<hbm>> -> memref<10000x64xf32, #tpu.memory_space<hbm>>
        %dma_start3A_261 = arith.constant 0 : i32
        %dma_start3A_262 = arith.constant 0 : i32
        %dma_start3A_263 = tpu.memref_slice %dma_start3A_260[%dma_start3A_261, %dma_start3A_262] : memref<10000x64xf32, #tpu.memory_space<hbm>> -> memref<10000x64xf32, #tpu.memory_space<hbm>>
        tpu.enqueue_indirect_dma source(%dma_start3A_263 : memref<10000x64xf32, #tpu.memory_space<hbm>>) target(%arg10 : memref<80x64xf32, #tpu.memory_space<vmem>>) offsets(%dma_start3A_256 : memref<80xi32, #tpu.memory_space<vmem>>) semaphore(%arg17 : memref<!tpu.dma_semaphore, #tpu.memory_space<semaphore_mem>>)
      } else {
      }
      %mul3A_143 = arith.constant 5 : i32
      %mul3A_144 = arith.muli %mul3A_143, %scan3A_77 : i32
      %add3A_145 = arith.constant 2 : i32
      %add3A_146 = arith.addi %mul3A_144, %add3A_145 : i32
      %dma_wait3A_147 = arith.constant 0 : i32
      %dma_wait3A_148 = tpu.memref_slice %arg7[%add3A_146, %dma_wait3A_147] : memref<250x80xi32, #tpu.memory_space<vmem>> -> memref<1x80xi32, #tpu.memory_space<vmem>>
      %dma_wait3A_149 = tpu.memref_squeeze %dma_wait3A_148 : memref<1x80xi32, #tpu.memory_space<vmem>> -> memref<80xi32, #tpu.memory_space<vmem>>
      %dma_wait3A_150 = arith.constant 0 : i32
      %dma_wait3A_151 = arith.constant 0 : i32
      %dma_wait3A_152 = tpu.memref_slice %arg2[%arg0, %dma_wait3A_150, %dma_wait3A_151] : memref<2x10000x64xf32, #tpu.memory_space<hbm>> -> memref<1x10000x64xf32, #tpu.memory_space<hbm>>
      %dma_wait3A_153 = tpu.memref_squeeze %dma_wait3A_152 : memref<1x10000x64xf32, #tpu.memory_space<hbm>> -> memref<10000x64xf32, #tpu.memory_space<hbm>>
      %dma_wait3A_154 = arith.constant 0 : i32
      %dma_wait3A_155 = arith.constant 0 : i32
      %dma_wait3A_156 = tpu.memref_slice %dma_wait3A_153[%dma_wait3A_154, %dma_wait3A_155] : memref<10000x64xf32, #tpu.memory_space<hbm>> -> memref<10000x64xf32, #tpu.memory_space<hbm>>
      tpu.wait_indirect_dma semaphore(%arg19 : memref<!tpu.dma_semaphore, #tpu.memory_space<semaphore_mem>>) src(%dma_wait3A_156 : memref<10000x64xf32, #tpu.memory_space<hbm>>) dst(%arg12 : memref<80x64xf32, #tpu.memory_space<vmem>>)
      %broadcast_in_dim3A_157 = vector.broadcast %add3A_146 : i32 to vector<16xi32>
      %parallel_loop3A_158 = arith.constant 0 : i32
      %parallel_loop3A_159 = arith.constant 80 : i32
      %parallel_loop3A_160 = arith.constant 1 : i32
      scf.for %parallel_loop3A_252 = %parallel_loop3A_158 to %parallel_loop3A_159 step %parallel_loop3A_160  : i32 {
        %parallel_loop3A_253 = vector.broadcast %parallel_loop3A_252 : i32 to vector<16xi32>
        %parallel_loop3A_254 = tpu.vector_load_idx %arg9[%broadcast_in_dim3A_157, %parallel_loop3A_253] : memref<250x80xf32, #tpu.memory_space<vmem>>[vector<16xi32>, vector<16xi32>], vector<16xf32>,
        %parallel_loop3A_255 = arith.index_cast %parallel_loop3A_252 : i32 to index
        %parallel_loop3A_256 = arith.constant 0 : index
        %parallel_loop3A_257 = tpu.vector_load %arg12[%parallel_loop3A_255, %parallel_loop3A_256] {strides = array<i32>} : memref<80x64xf32, #tpu.memory_space<vmem>>, vector<16xf32>,
        %parallel_loop3A_258 = arith.mulf %parallel_loop3A_257, %parallel_loop3A_254 : vector<16xf32>
        %parallel_loop3A_259 = arith.index_cast %parallel_loop3A_252 : i32 to index
        %parallel_loop3A_260 = arith.constant 0 : index
        %parallel_loop3A_261 = tpu.vector_load %arg12[%parallel_loop3A_259, %parallel_loop3A_260] {strides = array<i32>} : memref<80x64xf32, #tpu.memory_space<vmem>>, vector<16xf32>,
        tpu.vector_store %arg12[%parallel_loop3A_259, %parallel_loop3A_260], %parallel_loop3A_258 {strides = array<i32>} : memref<80x64xf32, #tpu.memory_space<vmem>>, vector<16xf32>,
        %parallel_loop3A_262 = arith.index_cast %parallel_loop3A_252 : i32 to index
        %parallel_loop3A_263 = arith.constant 16 : index
        %parallel_loop3A_264 = tpu.vector_load %arg12[%parallel_loop3A_262, %parallel_loop3A_263] {strides = array<i32>} : memref<80x64xf32, #tpu.memory_space<vmem>>, vector<16xf32>,
        %parallel_loop3A_265 = arith.mulf %parallel_loop3A_264, %parallel_loop3A_254 : vector<16xf32>
        %parallel_loop3A_266 = arith.index_cast %parallel_loop3A_252 : i32 to index
        %parallel_loop3A_267 = arith.constant 16 : index
        %parallel_loop3A_268 = tpu.vector_load %arg12[%parallel_loop3A_266, %parallel_loop3A_267] {strides = array<i32>} : memref<80x64xf32, #tpu.memory_space<vmem>>, vector<16xf32>,
        tpu.vector_store %arg12[%parallel_loop3A_266, %parallel_loop3A_267], %parallel_loop3A_265 {strides = array<i32>} : memref<80x64xf32, #tpu.memory_space<vmem>>, vector<16xf32>,
        %parallel_loop3A_269 = arith.index_cast %parallel_loop3A_252 : i32 to index
        %parallel_loop3A_270 = arith.constant 32 : index
        %parallel_loop3A_271 = tpu.vector_load %arg12[%parallel_loop3A_269, %parallel_loop3A_270] {strides = array<i32>} : memref<80x64xf32, #tpu.memory_space<vmem>>, vector<16xf32>,
        %parallel_loop3A_272 = arith.mulf %parallel_loop3A_271, %parallel_loop3A_254 : vector<16xf32>
        %parallel_loop3A_273 = arith.index_cast %parallel_loop3A_252 : i32 to index
        %parallel_loop3A_274 = arith.constant 32 : index
        %parallel_loop3A_275 = tpu.vector_load %arg12[%parallel_loop3A_273, %parallel_loop3A_274] {strides = array<i32>} : memref<80x64xf32, #tpu.memory_space<vmem>>, vector<16xf32>,
        tpu.vector_store %arg12[%parallel_loop3A_273, %parallel_loop3A_274], %parallel_loop3A_272 {strides = array<i32>} : memref<80x64xf32, #tpu.memory_space<vmem>>, vector<16xf32>,
        %parallel_loop3A_276 = arith.index_cast %parallel_loop3A_252 : i32 to index
        %parallel_loop3A_277 = arith.constant 48 : index
        %parallel_loop3A_278 = tpu.vector_load %arg12[%parallel_loop3A_276, %parallel_loop3A_277] {strides = array<i32>} : memref<80x64xf32, #tpu.memory_space<vmem>>, vector<16xf32>,
        %parallel_loop3A_279 = arith.mulf %parallel_loop3A_278, %parallel_loop3A_254 : vector<16xf32>
        %parallel_loop3A_280 = arith.index_cast %parallel_loop3A_252 : i32 to index
        %parallel_loop3A_281 = arith.constant 48 : index
        %parallel_loop3A_282 = tpu.vector_load %arg12[%parallel_loop3A_280, %parallel_loop3A_281] {strides = array<i32>} : memref<80x64xf32, #tpu.memory_space<vmem>>, vector<16xf32>,
        tpu.vector_store %arg12[%parallel_loop3A_280, %parallel_loop3A_281], %parallel_loop3A_279 {strides = array<i32>} : memref<80x64xf32, #tpu.memory_space<vmem>>, vector<16xf32>,
      } {sc.loop_unroll_factor = 8 : i64, sc.parallel_access}
      %dma_start3A_161 = arith.constant 0 : i32
      %dma_start3A_162 = tpu.memref_slice %arg8[%add3A_146, %dma_start3A_161] : memref<250x80xi32, #tpu.memory_space<vmem>> -> memref<1x80xi32, #tpu.memory_space<vmem>>
      %dma_start3A_163 = tpu.memref_squeeze %dma_start3A_162 : memref<1x80xi32, #tpu.memory_space<vmem>> -> memref<80xi32, #tpu.memory_space<vmem>>
      %dma_start3A_164 = arith.constant 0 : i32
      %dma_start3A_165 = arith.constant 0 : i32
      %dma_start3A_166 = tpu.memref_slice %arg16[%dma_start3A_164, %dma_start3A_165] : memref<10000x64xf32, #tpu.memory_space<vmem_shared>> -> memref<10000x64xf32, #tpu.memory_space<vmem_shared>>
      tpu.enqueue_indirect_dma source(%arg12 : memref<80x64xf32, #tpu.memory_space<vmem>>) target(%dma_start3A_166 : memref<10000x64xf32, #tpu.memory_space<vmem_shared>>) offsets(%dma_start3A_163 : memref<80xi32, #tpu.memory_space<vmem>>) semaphore(%arg24 : memref<!tpu.dma_semaphore, #tpu.memory_space<semaphore_mem>>) {add = true}
      %ge3A_167 = arith.constant 1 : i32
      %ge3A_168 = arith.cmpi sge, %add3A_146, %ge3A_167 : i32
      %convert_element_type3A_169 = arith.extui %ge3A_168 : i1 to i32
      %cond3A_170 = arith.constant 0 : i32
      %cond3A_171 = arith.cmpi ne, %convert_element_type3A_169, %cond3A_170 : i32
      scf.if %cond3A_171 {
        %sub3A = arith.constant 1 : i32
        %sub3A_252 = arith.subi %add3A_146, %sub3A : i32
        %max3A = arith.constant 0 : i32
        %max3A_253 = arith.maxsi %sub3A_252, %max3A : i32
        %dma_wait3A_254 = arith.constant 0 : i32
        %dma_wait3A_255 = tpu.memref_slice %arg8[%max3A_253, %dma_wait3A_254] : memref<250x80xi32, #tpu.memory_space<vmem>> -> memref<1x80xi32, #tpu.memory_space<vmem>>
        %dma_wait3A_256 = tpu.memref_squeeze %dma_wait3A_255 : memref<1x80xi32, #tpu.memory_space<vmem>> -> memref<80xi32, #tpu.memory_space<vmem>>
        %dma_wait3A_257 = arith.constant 0 : i32
        %dma_wait3A_258 = arith.constant 0 : i32
        %dma_wait3A_259 = tpu.memref_slice %arg16[%dma_wait3A_257, %dma_wait3A_258] : memref<10000x64xf32, #tpu.memory_space<vmem_shared>> -> memref<10000x64xf32, #tpu.memory_space<vmem_shared>>
        tpu.wait_indirect_dma semaphore(%arg23 : memref<!tpu.dma_semaphore, #tpu.memory_space<semaphore_mem>>) src(%arg11 : memref<80x64xf32, #tpu.memory_space<vmem>>) dst(%dma_wait3A_259 : memref<10000x64xf32, #tpu.memory_space<vmem_shared>>)
      } else {
      }
      %add3A_172 = arith.constant 4 : i32
      %add3A_173 = arith.addi %add3A_146, %add3A_172 : i32
      %lt3A_174 = arith.constant 250 : i32
      %lt3A_175 = arith.cmpi slt, %add3A_173, %lt3A_174 : i32
      %convert_element_type3A_176 = arith.extui %lt3A_175 : i1 to i32
      %cond3A_177 = arith.constant 0 : i32
      %cond3A_178 = arith.cmpi ne, %convert_element_type3A_176, %cond3A_177 : i32
      scf.if %cond3A_178 {
        %add3A_252 = arith.constant 4 : i32
        %add3A_253 = arith.addi %add3A_146, %add3A_252 : i32
        %dma_start3A_254 = arith.constant 0 : i32
        %dma_start3A_255 = tpu.memref_slice %arg7[%add3A_253, %dma_start3A_254] : memref<250x80xi32, #tpu.memory_space<vmem>> -> memref<1x80xi32, #tpu.memory_space<vmem>>
        %dma_start3A_256 = tpu.memref_squeeze %dma_start3A_255 : memref<1x80xi32, #tpu.memory_space<vmem>> -> memref<80xi32, #tpu.memory_space<vmem>>
        %dma_start3A_257 = arith.constant 0 : i32
        %dma_start3A_258 = arith.constant 0 : i32
        %dma_start3A_259 = tpu.memref_slice %arg2[%arg0, %dma_start3A_257, %dma_start3A_258] : memref<2x10000x64xf32, #tpu.memory_space<hbm>> -> memref<1x10000x64xf32, #tpu.memory_space<hbm>>
        %dma_start3A_260 = tpu.memref_squeeze %dma_start3A_259 : memref<1x10000x64xf32, #tpu.memory_space<hbm>> -> memref<10000x64xf32, #tpu.memory_space<hbm>>
        %dma_start3A_261 = arith.constant 0 : i32
        %dma_start3A_262 = arith.constant 0 : i32
        %dma_start3A_263 = tpu.memref_slice %dma_start3A_260[%dma_start3A_261, %dma_start3A_262] : memref<10000x64xf32, #tpu.memory_space<hbm>> -> memref<10000x64xf32, #tpu.memory_space<hbm>>
        tpu.enqueue_indirect_dma source(%dma_start3A_263 : memref<10000x64xf32, #tpu.memory_space<hbm>>) target(%arg11 : memref<80x64xf32, #tpu.memory_space<vmem>>) offsets(%dma_start3A_256 : memref<80xi32, #tpu.memory_space<vmem>>) semaphore(%arg18 : memref<!tpu.dma_semaphore, #tpu.memory_space<semaphore_mem>>)
      } else {
      }
      %mul3A_179 = arith.constant 5 : i32
      %mul3A_180 = arith.muli %mul3A_179, %scan3A_77 : i32
      %add3A_181 = arith.constant 3 : i32
      %add3A_182 = arith.addi %mul3A_180, %add3A_181 : i32
      %dma_wait3A_183 = arith.constant 0 : i32
      %dma_wait3A_184 = tpu.memref_slice %arg7[%add3A_182, %dma_wait3A_183] : memref<250x80xi32, #tpu.memory_space<vmem>> -> memref<1x80xi32, #tpu.memory_space<vmem>>
      %dma_wait3A_185 = tpu.memref_squeeze %dma_wait3A_184 : memref<1x80xi32, #tpu.memory_space<vmem>> -> memref<80xi32, #tpu.memory_space<vmem>>
      %dma_wait3A_186 = arith.constant 0 : i32
      %dma_wait3A_187 = arith.constant 0 : i32
      %dma_wait3A_188 = tpu.memref_slice %arg2[%arg0, %dma_wait3A_186, %dma_wait3A_187] : memref<2x10000x64xf32, #tpu.memory_space<hbm>> -> memref<1x10000x64xf32, #tpu.memory_space<hbm>>
      %dma_wait3A_189 = tpu.memref_squeeze %dma_wait3A_188 : memref<1x10000x64xf32, #tpu.memory_space<hbm>> -> memref<10000x64xf32, #tpu.memory_space<hbm>>
      %dma_wait3A_190 = arith.constant 0 : i32
      %dma_wait3A_191 = arith.constant 0 : i32
      %dma_wait3A_192 = tpu.memref_slice %dma_wait3A_189[%dma_wait3A_190, %dma_wait3A_191] : memref<10000x64xf32, #tpu.memory_space<hbm>> -> memref<10000x64xf32, #tpu.memory_space<hbm>>
      tpu.wait_indirect_dma semaphore(%arg20 : memref<!tpu.dma_semaphore, #tpu.memory_space<semaphore_mem>>) src(%dma_wait3A_192 : memref<10000x64xf32, #tpu.memory_space<hbm>>) dst(%arg13 : memref<80x64xf32, #tpu.memory_space<vmem>>)
      %broadcast_in_dim3A_193 = vector.broadcast %add3A_182 : i32 to vector<16xi32>
      %parallel_loop3A_194 = arith.constant 0 : i32
      %parallel_loop3A_195 = arith.constant 80 : i32
      %parallel_loop3A_196 = arith.constant 1 : i32
      scf.for %parallel_loop3A_252 = %parallel_loop3A_194 to %parallel_loop3A_195 step %parallel_loop3A_196  : i32 {
        %parallel_loop3A_253 = vector.broadcast %parallel_loop3A_252 : i32 to vector<16xi32>
        %parallel_loop3A_254 = tpu.vector_load_idx %arg9[%broadcast_in_dim3A_193, %parallel_loop3A_253] : memref<250x80xf32, #tpu.memory_space<vmem>>[vector<16xi32>, vector<16xi32>], vector<16xf32>,
        %parallel_loop3A_255 = arith.index_cast %parallel_loop3A_252 : i32 to index
        %parallel_loop3A_256 = arith.constant 0 : index
        %parallel_loop3A_257 = tpu.vector_load %arg13[%parallel_loop3A_255, %parallel_loop3A_256] {strides = array<i32>} : memref<80x64xf32, #tpu.memory_space<vmem>>, vector<16xf32>,
        %parallel_loop3A_258 = arith.mulf %parallel_loop3A_257, %parallel_loop3A_254 : vector<16xf32>
        %parallel_loop3A_259 = arith.index_cast %parallel_loop3A_252 : i32 to index
        %parallel_loop3A_260 = arith.constant 0 : index
        %parallel_loop3A_261 = tpu.vector_load %arg13[%parallel_loop3A_259, %parallel_loop3A_260] {strides = array<i32>} : memref<80x64xf32, #tpu.memory_space<vmem>>, vector<16xf32>,
        tpu.vector_store %arg13[%parallel_loop3A_259, %parallel_loop3A_260], %parallel_loop3A_258 {strides = array<i32>} : memref<80x64xf32, #tpu.memory_space<vmem>>, vector<16xf32>,
        %parallel_loop3A_262 = arith.index_cast %parallel_loop3A_252 : i32 to index
        %parallel_loop3A_263 = arith.constant 16 : index
        %parallel_loop3A_264 = tpu.vector_load %arg13[%parallel_loop3A_262, %parallel_loop3A_263] {strides = array<i32>} : memref<80x64xf32, #tpu.memory_space<vmem>>, vector<16xf32>,
        %parallel_loop3A_265 = arith.mulf %parallel_loop3A_264, %parallel_loop3A_254 : vector<16xf32>
        %parallel_loop3A_266 = arith.index_cast %parallel_loop3A_252 : i32 to index
        %parallel_loop3A_267 = arith.constant 16 : index
        %parallel_loop3A_268 = tpu.vector_load %arg13[%parallel_loop3A_266, %parallel_loop3A_267] {strides = array<i32>} : memref<80x64xf32, #tpu.memory_space<vmem>>, vector<16xf32>,
        tpu.vector_store %arg13[%parallel_loop3A_266, %parallel_loop3A_267], %parallel_loop3A_265 {strides = array<i32>} : memref<80x64xf32, #tpu.memory_space<vmem>>, vector<16xf32>,
        %parallel_loop3A_269 = arith.index_cast %parallel_loop3A_252 : i32 to index
        %parallel_loop3A_270 = arith.constant 32 : index
        %parallel_loop3A_271 = tpu.vector_load %arg13[%parallel_loop3A_269, %parallel_loop3A_270] {strides = array<i32>} : memref<80x64xf32, #tpu.memory_space<vmem>>, vector<16xf32>,
        %parallel_loop3A_272 = arith.mulf %parallel_loop3A_271, %parallel_loop3A_254 : vector<16xf32>
        %parallel_loop3A_273 = arith.index_cast %parallel_loop3A_252 : i32 to index
        %parallel_loop3A_274 = arith.constant 32 : index
        %parallel_loop3A_275 = tpu.vector_load %arg13[%parallel_loop3A_273, %parallel_loop3A_274] {strides = array<i32>} : memref<80x64xf32, #tpu.memory_space<vmem>>, vector<16xf32>,
        tpu.vector_store %arg13[%parallel_loop3A_273, %parallel_loop3A_274], %parallel_loop3A_272 {strides = array<i32>} : memref<80x64xf32, #tpu.memory_space<vmem>>, vector<16xf32>,
        %parallel_loop3A_276 = arith.index_cast %parallel_loop3A_252 : i32 to index
        %parallel_loop3A_277 = arith.constant 48 : index
        %parallel_loop3A_278 = tpu.vector_load %arg13[%parallel_loop3A_276, %parallel_loop3A_277] {strides = array<i32>} : memref<80x64xf32, #tpu.memory_space<vmem>>, vector<16xf32>,
        %parallel_loop3A_279 = arith.mulf %parallel_loop3A_278, %parallel_loop3A_254 : vector<16xf32>
        %parallel_loop3A_280 = arith.index_cast %parallel_loop3A_252 : i32 to index
        %parallel_loop3A_281 = arith.constant 48 : index
        %parallel_loop3A_282 = tpu.vector_load %arg13[%parallel_loop3A_280, %parallel_loop3A_281] {strides = array<i32>} : memref<80x64xf32, #tpu.memory_space<vmem>>, vector<16xf32>,
        tpu.vector_store %arg13[%parallel_loop3A_280, %parallel_loop3A_281], %parallel_loop3A_279 {strides = array<i32>} : memref<80x64xf32, #tpu.memory_space<vmem>>, vector<16xf32>,
      } {sc.loop_unroll_factor = 8 : i64, sc.parallel_access}
      %dma_start3A_197 = arith.constant 0 : i32
      %dma_start3A_198 = tpu.memref_slice %arg8[%add3A_182, %dma_start3A_197] : memref<250x80xi32, #tpu.memory_space<vmem>> -> memref<1x80xi32, #tpu.memory_space<vmem>>
      %dma_start3A_199 = tpu.memref_squeeze %dma_start3A_198 : memref<1x80xi32, #tpu.memory_space<vmem>> -> memref<80xi32, #tpu.memory_space<vmem>>
      %dma_start3A_200 = arith.constant 0 : i32
      %dma_start3A_201 = arith.constant 0 : i32
      %dma_start3A_202 = tpu.memref_slice %arg16[%dma_start3A_200, %dma_start3A_201] : memref<10000x64xf32, #tpu.memory_space<vmem_shared>> -> memref<10000x64xf32, #tpu.memory_space<vmem_shared>>
      tpu.enqueue_indirect_dma source(%arg13 : memref<80x64xf32, #tpu.memory_space<vmem>>) target(%dma_start3A_202 : memref<10000x64xf32, #tpu.memory_space<vmem_shared>>) offsets(%dma_start3A_199 : memref<80xi32, #tpu.memory_space<vmem>>) semaphore(%arg25 : memref<!tpu.dma_semaphore, #tpu.memory_space<semaphore_mem>>) {add = true}
      %ge3A_203 = arith.constant 1 : i32
      %ge3A_204 = arith.cmpi sge, %add3A_182, %ge3A_203 : i32
      %convert_element_type3A_205 = arith.extui %ge3A_204 : i1 to i32
      %cond3A_206 = arith.constant 0 : i32
      %cond3A_207 = arith.cmpi ne, %convert_element_type3A_205, %cond3A_206 : i32
      scf.if %cond3A_207 {
        %sub3A = arith.constant 1 : i32
        %sub3A_252 = arith.subi %add3A_182, %sub3A : i32
        %max3A = arith.constant 0 : i32
        %max3A_253 = arith.maxsi %sub3A_252, %max3A : i32
        %dma_wait3A_254 = arith.constant 0 : i32
        %dma_wait3A_255 = tpu.memref_slice %arg8[%max3A_253, %dma_wait3A_254] : memref<250x80xi32, #tpu.memory_space<vmem>> -> memref<1x80xi32, #tpu.memory_space<vmem>>
        %dma_wait3A_256 = tpu.memref_squeeze %dma_wait3A_255 : memref<1x80xi32, #tpu.memory_space<vmem>> -> memref<80xi32, #tpu.memory_space<vmem>>
        %dma_wait3A_257 = arith.constant 0 : i32
        %dma_wait3A_258 = arith.constant 0 : i32
        %dma_wait3A_259 = tpu.memref_slice %arg16[%dma_wait3A_257, %dma_wait3A_258] : memref<10000x64xf32, #tpu.memory_space<vmem_shared>> -> memref<10000x64xf32, #tpu.memory_space<vmem_shared>>
        tpu.wait_indirect_dma semaphore(%arg24 : memref<!tpu.dma_semaphore, #tpu.memory_space<semaphore_mem>>) src(%arg12 : memref<80x64xf32, #tpu.memory_space<vmem>>) dst(%dma_wait3A_259 : memref<10000x64xf32, #tpu.memory_space<vmem_shared>>)
      } else {
      }
      %add3A_208 = arith.constant 4 : i32
      %add3A_209 = arith.addi %add3A_182, %add3A_208 : i32
      %lt3A_210 = arith.constant 250 : i32
      %lt3A_211 = arith.cmpi slt, %add3A_209, %lt3A_210 : i32
      %convert_element_type3A_212 = arith.extui %lt3A_211 : i1 to i32
      %cond3A_213 = arith.constant 0 : i32
      %cond3A_214 = arith.cmpi ne, %convert_element_type3A_212, %cond3A_213 : i32
      scf.if %cond3A_214 {
        %add3A_252 = arith.constant 4 : i32
        %add3A_253 = arith.addi %add3A_182, %add3A_252 : i32
        %dma_start3A_254 = arith.constant 0 : i32
        %dma_start3A_255 = tpu.memref_slice %arg7[%add3A_253, %dma_start3A_254] : memref<250x80xi32, #tpu.memory_space<vmem>> -> memref<1x80xi32, #tpu.memory_space<vmem>>
        %dma_start3A_256 = tpu.memref_squeeze %dma_start3A_255 : memref<1x80xi32, #tpu.memory_space<vmem>> -> memref<80xi32, #tpu.memory_space<vmem>>
        %dma_start3A_257 = arith.constant 0 : i32
        %dma_start3A_258 = arith.constant 0 : i32
        %dma_start3A_259 = tpu.memref_slice %arg2[%arg0, %dma_start3A_257, %dma_start3A_258] : memref<2x10000x64xf32, #tpu.memory_space<hbm>> -> memref<1x10000x64xf32, #tpu.memory_space<hbm>>
        %dma_start3A_260 = tpu.memref_squeeze %dma_start3A_259 : memref<1x10000x64xf32, #tpu.memory_space<hbm>> -> memref<10000x64xf32, #tpu.memory_space<hbm>>
        %dma_start3A_261 = arith.constant 0 : i32
        %dma_start3A_262 = arith.constant 0 : i32
        %dma_start3A_263 = tpu.memref_slice %dma_start3A_260[%dma_start3A_261, %dma_start3A_262] : memref<10000x64xf32, #tpu.memory_space<hbm>> -> memref<10000x64xf32, #tpu.memory_space<hbm>>
        tpu.enqueue_indirect_dma source(%dma_start3A_263 : memref<10000x64xf32, #tpu.memory_space<hbm>>) target(%arg12 : memref<80x64xf32, #tpu.memory_space<vmem>>) offsets(%dma_start3A_256 : memref<80xi32, #tpu.memory_space<vmem>>) semaphore(%arg19 : memref<!tpu.dma_semaphore, #tpu.memory_space<semaphore_mem>>)
      } else {
      }
      %mul3A_215 = arith.constant 5 : i32
      %mul3A_216 = arith.muli %mul3A_215, %scan3A_77 : i32
      %add3A_217 = arith.constant 4 : i32
      %add3A_218 = arith.addi %mul3A_216, %add3A_217 : i32
      %dma_wait3A_219 = arith.constant 0 : i32
      %dma_wait3A_220 = tpu.memref_slice %arg7[%add3A_218, %dma_wait3A_219] : memref<250x80xi32, #tpu.memory_space<vmem>> -> memref<1x80xi32, #tpu.memory_space<vmem>>
      %dma_wait3A_221 = tpu.memref_squeeze %dma_wait3A_220 : memref<1x80xi32, #tpu.memory_space<vmem>> -> memref<80xi32, #tpu.memory_space<vmem>>
      %dma_wait3A_222 = arith.constant 0 : i32
      %dma_wait3A_223 = arith.constant 0 : i32
      %dma_wait3A_224 = tpu.memref_slice %arg2[%arg0, %dma_wait3A_222, %dma_wait3A_223] : memref<2x10000x64xf32, #tpu.memory_space<hbm>> -> memref<1x10000x64xf32, #tpu.memory_space<hbm>>
      %dma_wait3A_225 = tpu.memref_squeeze %dma_wait3A_224 : memref<1x10000x64xf32, #tpu.memory_space<hbm>> -> memref<10000x64xf32, #tpu.memory_space<hbm>>
      %dma_wait3A_226 = arith.constant 0 : i32
      %dma_wait3A_227 = arith.constant 0 : i32
      %dma_wait3A_228 = tpu.memref_slice %dma_wait3A_225[%dma_wait3A_226, %dma_wait3A_227] : memref<10000x64xf32, #tpu.memory_space<hbm>> -> memref<10000x64xf32, #tpu.memory_space<hbm>>
      tpu.wait_indirect_dma semaphore(%arg21 : memref<!tpu.dma_semaphore, #tpu.memory_space<semaphore_mem>>) src(%dma_wait3A_228 : memref<10000x64xf32, #tpu.memory_space<hbm>>) dst(%arg14 : memref<80x64xf32, #tpu.memory_space<vmem>>)
      %broadcast_in_dim3A_229 = vector.broadcast %add3A_218 : i32 to vector<16xi32>
      %parallel_loop3A_230 = arith.constant 0 : i32
      %parallel_loop3A_231 = arith.constant 80 : i32
      %parallel_loop3A_232 = arith.constant 1 : i32
      scf.for %parallel_loop3A_252 = %parallel_loop3A_230 to %parallel_loop3A_231 step %parallel_loop3A_232  : i32 {
        %parallel_loop3A_253 = vector.broadcast %parallel_loop3A_252 : i32 to vector<16xi32>
        %parallel_loop3A_254 = tpu.vector_load_idx %arg9[%broadcast_in_dim3A_229, %parallel_loop3A_253] : memref<250x80xf32, #tpu.memory_space<vmem>>[vector<16xi32>, vector<16xi32>], vector<16xf32>,
        %parallel_loop3A_255 = arith.index_cast %parallel_loop3A_252 : i32 to index
        %parallel_loop3A_256 = arith.constant 0 : index
        %parallel_loop3A_257 = tpu.vector_load %arg14[%parallel_loop3A_255, %parallel_loop3A_256] {strides = array<i32>} : memref<80x64xf32, #tpu.memory_space<vmem>>, vector<16xf32>,
        %parallel_loop3A_258 = arith.mulf %parallel_loop3A_257, %parallel_loop3A_254 : vector<16xf32>
        %parallel_loop3A_259 = arith.index_cast %parallel_loop3A_252 : i32 to index
        %parallel_loop3A_260 = arith.constant 0 : index
        %parallel_loop3A_261 = tpu.vector_load %arg14[%parallel_loop3A_259, %parallel_loop3A_260] {strides = array<i32>} : memref<80x64xf32, #tpu.memory_space<vmem>>, vector<16xf32>,
        tpu.vector_store %arg14[%parallel_loop3A_259, %parallel_loop3A_260], %parallel_loop3A_258 {strides = array<i32>} : memref<80x64xf32, #tpu.memory_space<vmem>>, vector<16xf32>,
        %parallel_loop3A_262 = arith.index_cast %parallel_loop3A_252 : i32 to index
        %parallel_loop3A_263 = arith.constant 16 : index
        %parallel_loop3A_264 = tpu.vector_load %arg14[%parallel_loop3A_262, %parallel_loop3A_263] {strides = array<i32>} : memref<80x64xf32, #tpu.memory_space<vmem>>, vector<16xf32>,
        %parallel_loop3A_265 = arith.mulf %parallel_loop3A_264, %parallel_loop3A_254 : vector<16xf32>
        %parallel_loop3A_266 = arith.index_cast %parallel_loop3A_252 : i32 to index
        %parallel_loop3A_267 = arith.constant 16 : index
        %parallel_loop3A_268 = tpu.vector_load %arg14[%parallel_loop3A_266, %parallel_loop3A_267] {strides = array<i32>} : memref<80x64xf32, #tpu.memory_space<vmem>>, vector<16xf32>,
        tpu.vector_store %arg14[%parallel_loop3A_266, %parallel_loop3A_267], %parallel_loop3A_265 {strides = array<i32>} : memref<80x64xf32, #tpu.memory_space<vmem>>, vector<16xf32>,
        %parallel_loop3A_269 = arith.index_cast %parallel_loop3A_252 : i32 to index
        %parallel_loop3A_270 = arith.constant 32 : index
        %parallel_loop3A_271 = tpu.vector_load %arg14[%parallel_loop3A_269, %parallel_loop3A_270] {strides = array<i32>} : memref<80x64xf32, #tpu.memory_space<vmem>>, vector<16xf32>,
        %parallel_loop3A_272 = arith.mulf %parallel_loop3A_271, %parallel_loop3A_254 : vector<16xf32>
        %parallel_loop3A_273 = arith.index_cast %parallel_loop3A_252 : i32 to index
        %parallel_loop3A_274 = arith.constant 32 : index
        %parallel_loop3A_275 = tpu.vector_load %arg14[%parallel_loop3A_273, %parallel_loop3A_274] {strides = array<i32>} : memref<80x64xf32, #tpu.memory_space<vmem>>, vector<16xf32>,
        tpu.vector_store %arg14[%parallel_loop3A_273, %parallel_loop3A_274], %parallel_loop3A_272 {strides = array<i32>} : memref<80x64xf32, #tpu.memory_space<vmem>>, vector<16xf32>,
        %parallel_loop3A_276 = arith.index_cast %parallel_loop3A_252 : i32 to index
        %parallel_loop3A_277 = arith.constant 48 : index
        %parallel_loop3A_278 = tpu.vector_load %arg14[%parallel_loop3A_276, %parallel_loop3A_277] {strides = array<i32>} : memref<80x64xf32, #tpu.memory_space<vmem>>, vector<16xf32>,
        %parallel_loop3A_279 = arith.mulf %parallel_loop3A_278, %parallel_loop3A_254 : vector<16xf32>
        %parallel_loop3A_280 = arith.index_cast %parallel_loop3A_252 : i32 to index
        %parallel_loop3A_281 = arith.constant 48 : index
        %parallel_loop3A_282 = tpu.vector_load %arg14[%parallel_loop3A_280, %parallel_loop3A_281] {strides = array<i32>} : memref<80x64xf32, #tpu.memory_space<vmem>>, vector<16xf32>,
        tpu.vector_store %arg14[%parallel_loop3A_280, %parallel_loop3A_281], %parallel_loop3A_279 {strides = array<i32>} : memref<80x64xf32, #tpu.memory_space<vmem>>, vector<16xf32>,
      } {sc.loop_unroll_factor = 8 : i64, sc.parallel_access}
      %dma_start3A_233 = arith.constant 0 : i32
      %dma_start3A_234 = tpu.memref_slice %arg8[%add3A_218, %dma_start3A_233] : memref<250x80xi32, #tpu.memory_space<vmem>> -> memref<1x80xi32, #tpu.memory_space<vmem>>
      %dma_start3A_235 = tpu.memref_squeeze %dma_start3A_234 : memref<1x80xi32, #tpu.memory_space<vmem>> -> memref<80xi32, #tpu.memory_space<vmem>>
      %dma_start3A_236 = arith.constant 0 : i32
      %dma_start3A_237 = arith.constant 0 : i32
      %dma_start3A_238 = tpu.memref_slice %arg16[%dma_start3A_236, %dma_start3A_237] : memref<10000x64xf32, #tpu.memory_space<vmem_shared>> -> memref<10000x64xf32, #tpu.memory_space<vmem_shared>>
      tpu.enqueue_indirect_dma source(%arg14 : memref<80x64xf32, #tpu.memory_space<vmem>>) target(%dma_start3A_238 : memref<10000x64xf32, #tpu.memory_space<vmem_shared>>) offsets(%dma_start3A_235 : memref<80xi32, #tpu.memory_space<vmem>>) semaphore(%arg26 : memref<!tpu.dma_semaphore, #tpu.memory_space<semaphore_mem>>) {add = true}
      %ge3A_239 = arith.constant 1 : i32
      %ge3A_240 = arith.cmpi sge, %add3A_218, %ge3A_239 : i32
      %convert_element_type3A_241 = arith.extui %ge3A_240 : i1 to i32
      %cond3A_242 = arith.constant 0 : i32
      %cond3A_243 = arith.cmpi ne, %convert_element_type3A_241, %cond3A_242 : i32
      scf.if %cond3A_243 {
        %sub3A = arith.constant 1 : i32
        %sub3A_252 = arith.subi %add3A_218, %sub3A : i32
        %max3A = arith.constant 0 : i32
        %max3A_253 = arith.maxsi %sub3A_252, %max3A : i32
        %dma_wait3A_254 = arith.constant 0 : i32
        %dma_wait3A_255 = tpu.memref_slice %arg8[%max3A_253, %dma_wait3A_254] : memref<250x80xi32, #tpu.memory_space<vmem>> -> memref<1x80xi32, #tpu.memory_space<vmem>>
        %dma_wait3A_256 = tpu.memref_squeeze %dma_wait3A_255 : memref<1x80xi32, #tpu.memory_space<vmem>> -> memref<80xi32, #tpu.memory_space<vmem>>
        %dma_wait3A_257 = arith.constant 0 : i32
        %dma_wait3A_258 = arith.constant 0 : i32
        %dma_wait3A_259 = tpu.memref_slice %arg16[%dma_wait3A_257, %dma_wait3A_258] : memref<10000x64xf32, #tpu.memory_space<vmem_shared>> -> memref<10000x64xf32, #tpu.memory_space<vmem_shared>>
        tpu.wait_indirect_dma semaphore(%arg25 : memref<!tpu.dma_semaphore, #tpu.memory_space<semaphore_mem>>) src(%arg13 : memref<80x64xf32, #tpu.memory_space<vmem>>) dst(%dma_wait3A_259 : memref<10000x64xf32, #tpu.memory_space<vmem_shared>>)
      } else {
      }
      %add3A_244 = arith.constant 4 : i32
      %add3A_245 = arith.addi %add3A_218, %add3A_244 : i32
      %lt3A_246 = arith.constant 250 : i32
      %lt3A_247 = arith.cmpi slt, %add3A_245, %lt3A_246 : i32
      %convert_element_type3A_248 = arith.extui %lt3A_247 : i1 to i32
      %cond3A_249 = arith.constant 0 : i32
      %cond3A_250 = arith.cmpi ne, %convert_element_type3A_248, %cond3A_249 : i32
      scf.if %cond3A_250 {
        %add3A_252 = arith.constant 4 : i32
        %add3A_253 = arith.addi %add3A_218, %add3A_252 : i32
        %dma_start3A_254 = arith.constant 0 : i32
        %dma_start3A_255 = tpu.memref_slice %arg7[%add3A_253, %dma_start3A_254] : memref<250x80xi32, #tpu.memory_space<vmem>> -> memref<1x80xi32, #tpu.memory_space<vmem>>
        %dma_start3A_256 = tpu.memref_squeeze %dma_start3A_255 : memref<1x80xi32, #tpu.memory_space<vmem>> -> memref<80xi32, #tpu.memory_space<vmem>>
        %dma_start3A_257 = arith.constant 0 : i32
        %dma_start3A_258 = arith.constant 0 : i32
        %dma_start3A_259 = tpu.memref_slice %arg2[%arg0, %dma_start3A_257, %dma_start3A_258] : memref<2x10000x64xf32, #tpu.memory_space<hbm>> -> memref<1x10000x64xf32, #tpu.memory_space<hbm>>
        %dma_start3A_260 = tpu.memref_squeeze %dma_start3A_259 : memref<1x10000x64xf32, #tpu.memory_space<hbm>> -> memref<10000x64xf32, #tpu.memory_space<hbm>>
        %dma_start3A_261 = arith.constant 0 : i32
        %dma_start3A_262 = arith.constant 0 : i32
        %dma_start3A_263 = tpu.memref_slice %dma_start3A_260[%dma_start3A_261, %dma_start3A_262] : memref<10000x64xf32, #tpu.memory_space<hbm>> -> memref<10000x64xf32, #tpu.memory_space<hbm>>
        tpu.enqueue_indirect_dma source(%dma_start3A_263 : memref<10000x64xf32, #tpu.memory_space<hbm>>) target(%arg13 : memref<80x64xf32, #tpu.memory_space<vmem>>) offsets(%dma_start3A_256 : memref<80xi32, #tpu.memory_space<vmem>>) semaphore(%arg20 : memref<!tpu.dma_semaphore, #tpu.memory_space<semaphore_mem>>)
      } else {
      }
      %scan3A_251 = arith.constant 0 : i32
      scf.yield %scan3A_251 : i32
    }
    %scan3A_62 = arith.constant 50 : i32
    %dma_wait3A = arith.constant 249 : i32
    %dma_wait3A_63 = arith.constant 0 : i32
    %dma_wait3A_64 = tpu.memref_slice %arg8[%dma_wait3A, %dma_wait3A_63] : memref<250x80xi32, #tpu.memory_space<vmem>> -> memref<1x80xi32, #tpu.memory_space<vmem>>
    %dma_wait3A_65 = tpu.memref_squeeze %dma_wait3A_64 : memref<1x80xi32, #tpu.memory_space<vmem>> -> memref<80xi32, #tpu.memory_space<vmem>>
    %dma_wait3A_66 = arith.constant 0 : i32
    %dma_wait3A_67 = arith.constant 0 : i32
    %dma_wait3A_68 = tpu.memref_slice %arg16[%dma_wait3A_66, %dma_wait3A_67] : memref<10000x64xf32, #tpu.memory_space<vmem_shared>> -> memref<10000x64xf32, #tpu.memory_space<vmem_shared>>
    tpu.wait_indirect_dma semaphore(%arg26 : memref<!tpu.dma_semaphore, #tpu.memory_space<semaphore_mem>>) src(%arg14 : memref<80x64xf32, #tpu.memory_space<vmem>>) dst(%dma_wait3A_68 : memref<10000x64xf32, #tpu.memory_space<vmem_shared>>)
    %barrier3A_69 = arith.constant 0 : index
    tpu.barrier barrier_id(%barrier3A_69)
    %scan3A_70 = arith.constant 0 : i32
    %scan3A_71 = arith.constant 0 : i32
    %scan3A_72 = arith.constant 8 : i32
    %scan3A_73 = arith.addi %scan3A_71, %scan3A_72 : i32
    %scan3A_74 = arith.constant 1 : i32
    %scan3A_75 = scf.for %scan3A_77 = %scan3A_71 to %scan3A_73 step %scan3A_74 iter_args(%scan3A_78 = %scan3A_70) -> (i32)  : i32 {
      %mul3A = arith.constant 16 : i32
      %mul3A_79 = arith.muli %scan3A_77, %mul3A : i32
      %add3A = arith.addi %arg1, %mul3A_79 : i32
      %lt3A = arith.constant 125 : i32
      %lt3A_80 = arith.cmpi slt, %add3A, %lt3A : i32
      %convert_element_type3A = arith.extui %lt3A_80 : i1 to i32
      %cond3A = arith.constant 0 : i32
      %cond3A_81 = arith.cmpi ne, %convert_element_type3A, %cond3A : i32
      scf.if %cond3A_81 {
        %mul3A_83 = arith.constant 80 : i32
        %mul3A_84 = arith.muli %add3A, %mul3A_83 : i32
        %mul3A_85 = arith.constant 80 : i32
        %mul3A_86 = arith.muli %add3A, %mul3A_85 : i32
        "tpu.region"() ({
          %run_scoped3A = tpu.sem_alloc : memref<!tpu.dma_semaphore, #tpu.memory_space<semaphore_mem>>
          %dma_start3A_87 = arith.constant 0 : i32
          %dma_start3A_88 = tpu.memref_slice %arg6[%arg0, %mul3A_86, %dma_start3A_87] : memref<2x10000x64xf32, #tpu.memory_space<hbm>> -> memref<1x80x64xf32, #tpu.memory_space<hbm>>
          %dma_start3A_89 = tpu.memref_squeeze %dma_start3A_88 : memref<1x80x64xf32, #tpu.memory_space<hbm>> -> memref<80x64xf32, #tpu.memory_space<hbm>>
          %dma_start3A_90 = arith.constant 0 : i32
          %dma_start3A_91 = tpu.memref_slice %arg16[%mul3A_84, %dma_start3A_90] : memref<10000x64xf32, #tpu.memory_space<vmem_shared>> -> memref<80x64xf32, #tpu.memory_space<vmem_shared>>
          tpu.enqueue_dma source(%dma_start3A_91 : memref<80x64xf32, #tpu.memory_space<vmem_shared>>) target(%dma_start3A_89 : memref<80x64xf32, #tpu.memory_space<hbm>>) target_semaphore(%run_scoped3A : memref<!tpu.dma_semaphore, #tpu.memory_space<semaphore_mem>>)
          %dma_wait3A_92 = arith.constant 0 : i32
          %dma_wait3A_93 = tpu.memref_slice %arg6[%arg0, %mul3A_86, %dma_wait3A_92] : memref<2x10000x64xf32, #tpu.memory_space<hbm>> -> memref<1x80x64xf32, #tpu.memory_space<hbm>>
          %dma_wait3A_94 = tpu.memref_squeeze %dma_wait3A_93 : memref<1x80x64xf32, #tpu.memory_space<hbm>> -> memref<80x64xf32, #tpu.memory_space<hbm>>
          %dma_wait3A_95 = arith.constant 0 : i32
          %dma_wait3A_96 = tpu.memref_slice %arg16[%mul3A_84, %dma_wait3A_95] : memref<10000x64xf32, #tpu.memory_space<vmem_shared>> -> memref<80x64xf32, #tpu.memory_space<vmem_shared>>
          tpu.wait_dma2 semaphore(%run_scoped3A : memref<!tpu.dma_semaphore, #tpu.memory_space<semaphore_mem>>) src(%dma_wait3A_96 : memref<80x64xf32, #tpu.memory_space<vmem_shared>>) dst(%dma_wait3A_94 : memref<80x64xf32, #tpu.memory_space<hbm>>)
          tpu.yield
        }) : () -> ()
      } else {
      }
      %scan3A_82 = arith.constant 0 : i32
      scf.yield %scan3A_82 : i32
    }
    %scan3A_76 = arith.constant 8 : i32
    return
  }
}

#map = affine_map<(d0, d1) -> (0, 0, 0)>
#map1 = affine_map<(d0, d1) -> (0, 0)>
module attributes {stable_mosaic.version = 14 : i64} {
  func.func @_sc_deg(%arg0: i32, %arg1: i32, %arg2: memref<32x125x80xi32, #tpu.memory_space<hbm>>, %arg3: memref<32x125x80xf32, #tpu.memory_space<hbm>>, %arg4: memref<32x10000xf32, #tpu.memory_space<hbm>>, %arg5: memref<125x80xi32, #tpu.memory_space<vmem>>, %arg6: memref<125x80xf32, #tpu.memory_space<vmem>>, %arg7: memref<10000xf32, #tpu.memory_space<vmem>>) attributes {dimension_semantics = [#tpu.dimension_semantics<core_parallel>, #tpu.dimension_semantics<subcore_parallel>], iteration_bounds = array<i64: 2, 16>, scalar_prefetch = 0 : i64, scratch_operands = 3 : i64, tpu.core_type = #tpu.core_type<sc_vector_subcore>, window_params = [{transform_indices = #map}, {transform_indices = #map}, {transform_indices = #map1}]} {
    %mul3A = arith.constant 16 : i32
    %mul3A_0 = arith.muli %arg0, %mul3A : i32
    %add3A = arith.addi %mul3A_0, %arg1 : i32
    %scan3A = arith.constant 0 : i32
    %scan3A_1 = arith.constant 0 : i32
    %scan3A_2 = arith.constant 625 : i32
    %scan3A_3 = arith.addi %scan3A_1, %scan3A_2 : i32
    %scan3A_4 = arith.constant 1 : i32
    %scan3A_5 = scf.for %scan3A_14 = %scan3A_1 to %scan3A_3 step %scan3A_4 iter_args(%scan3A_15 = %scan3A) -> (i32)  : i32 {
      %broadcast_in_dim3A = arith.constant 0.000000e+00 : f32
      %broadcast_in_dim3A_16 = vector.broadcast %broadcast_in_dim3A : f32 to vector<16xf32>
      %mul3A_17 = arith.constant 16 : i32
      %mul3A_18 = arith.muli %scan3A_14, %mul3A_17 : i32
      %swap3A = arith.index_cast %mul3A_18 : i32 to index
      %swap3A_19 = tpu.vector_load %arg7[%swap3A] {strides = array<i32>} : memref<10000xf32, #tpu.memory_space<vmem>>, vector<16xf32>,
      tpu.vector_store %arg7[%swap3A], %broadcast_in_dim3A_16 {strides = array<i32>} : memref<10000xf32, #tpu.memory_space<vmem>>, vector<16xf32>,
      %scan3A_20 = arith.constant 0 : i32
      scf.yield %scan3A_20 : i32
    }
    %scan3A_6 = arith.constant 625 : i32
    "tpu.region"() ({
      %run_scoped3A = tpu.sem_alloc : memref<!tpu.dma_semaphore, #tpu.memory_space<semaphore_mem>>
      %dma_start3A = arith.constant 0 : i32
      %dma_start3A_14 = arith.constant 0 : i32
      %dma_start3A_15 = tpu.memref_slice %arg2[%add3A, %dma_start3A, %dma_start3A_14] : memref<32x125x80xi32, #tpu.memory_space<hbm>> -> memref<1x125x80xi32, #tpu.memory_space<hbm>>
      %dma_start3A_16 = tpu.memref_squeeze %dma_start3A_15 : memref<1x125x80xi32, #tpu.memory_space<hbm>> -> memref<125x80xi32, #tpu.memory_space<hbm>>
      %dma_start3A_17 = arith.constant 0 : i32
      %dma_start3A_18 = arith.constant 0 : i32
      %dma_start3A_19 = tpu.memref_slice %arg2[%add3A, %dma_start3A_17, %dma_start3A_18] : memref<32x125x80xi32, #tpu.memory_space<hbm>> -> memref<1x125x80xi32, #tpu.memory_space<hbm>>
      %dma_start3A_20 = tpu.memref_squeeze %dma_start3A_19 : memref<1x125x80xi32, #tpu.memory_space<hbm>> -> memref<125x80xi32, #tpu.memory_space<hbm>>
      tpu.enqueue_dma source(%dma_start3A_20 : memref<125x80xi32, #tpu.memory_space<hbm>>) target(%arg5 : memref<125x80xi32, #tpu.memory_space<vmem>>) target_semaphore(%run_scoped3A : memref<!tpu.dma_semaphore, #tpu.memory_space<semaphore_mem>>)
      %dma_wait3A = arith.constant 0 : i32
      %dma_wait3A_21 = arith.constant 0 : i32
      %dma_wait3A_22 = tpu.memref_slice %arg2[%add3A, %dma_wait3A, %dma_wait3A_21] : memref<32x125x80xi32, #tpu.memory_space<hbm>> -> memref<1x125x80xi32, #tpu.memory_space<hbm>>
      %dma_wait3A_23 = tpu.memref_squeeze %dma_wait3A_22 : memref<1x125x80xi32, #tpu.memory_space<hbm>> -> memref<125x80xi32, #tpu.memory_space<hbm>>
      %dma_wait3A_24 = arith.constant 0 : i32
      %dma_wait3A_25 = arith.constant 0 : i32
      %dma_wait3A_26 = tpu.memref_slice %arg2[%add3A, %dma_wait3A_24, %dma_wait3A_25] : memref<32x125x80xi32, #tpu.memory_space<hbm>> -> memref<1x125x80xi32, #tpu.memory_space<hbm>>
      %dma_wait3A_27 = tpu.memref_squeeze %dma_wait3A_26 : memref<1x125x80xi32, #tpu.memory_space<hbm>> -> memref<125x80xi32, #tpu.memory_space<hbm>>
      tpu.wait_dma2 semaphore(%run_scoped3A : memref<!tpu.dma_semaphore, #tpu.memory_space<semaphore_mem>>) src(%dma_wait3A_27 : memref<125x80xi32, #tpu.memory_space<hbm>>) dst(%arg5 : memref<125x80xi32, #tpu.memory_space<vmem>>)
      tpu.yield
    }) : () -> ()
    "tpu.region"() ({
      %run_scoped3A = tpu.sem_alloc : memref<!tpu.dma_semaphore, #tpu.memory_space<semaphore_mem>>
      %dma_start3A = arith.constant 0 : i32
      %dma_start3A_14 = arith.constant 0 : i32
      %dma_start3A_15 = tpu.memref_slice %arg3[%add3A, %dma_start3A, %dma_start3A_14] : memref<32x125x80xf32, #tpu.memory_space<hbm>> -> memref<1x125x80xf32, #tpu.memory_space<hbm>>
      %dma_start3A_16 = tpu.memref_squeeze %dma_start3A_15 : memref<1x125x80xf32, #tpu.memory_space<hbm>> -> memref<125x80xf32, #tpu.memory_space<hbm>>
      %dma_start3A_17 = arith.constant 0 : i32
      %dma_start3A_18 = arith.constant 0 : i32
      %dma_start3A_19 = tpu.memref_slice %arg3[%add3A, %dma_start3A_17, %dma_start3A_18] : memref<32x125x80xf32, #tpu.memory_space<hbm>> -> memref<1x125x80xf32, #tpu.memory_space<hbm>>
      %dma_start3A_20 = tpu.memref_squeeze %dma_start3A_19 : memref<1x125x80xf32, #tpu.memory_space<hbm>> -> memref<125x80xf32, #tpu.memory_space<hbm>>
      tpu.enqueue_dma source(%dma_start3A_20 : memref<125x80xf32, #tpu.memory_space<hbm>>) target(%arg6 : memref<125x80xf32, #tpu.memory_space<vmem>>) target_semaphore(%run_scoped3A : memref<!tpu.dma_semaphore, #tpu.memory_space<semaphore_mem>>)
      %dma_wait3A = arith.constant 0 : i32
      %dma_wait3A_21 = arith.constant 0 : i32
      %dma_wait3A_22 = tpu.memref_slice %arg3[%add3A, %dma_wait3A, %dma_wait3A_21] : memref<32x125x80xf32, #tpu.memory_space<hbm>> -> memref<1x125x80xf32, #tpu.memory_space<hbm>>
      %dma_wait3A_23 = tpu.memref_squeeze %dma_wait3A_22 : memref<1x125x80xf32, #tpu.memory_space<hbm>> -> memref<125x80xf32, #tpu.memory_space<hbm>>
      %dma_wait3A_24 = arith.constant 0 : i32
      %dma_wait3A_25 = arith.constant 0 : i32
      %dma_wait3A_26 = tpu.memref_slice %arg3[%add3A, %dma_wait3A_24, %dma_wait3A_25] : memref<32x125x80xf32, #tpu.memory_space<hbm>> -> memref<1x125x80xf32, #tpu.memory_space<hbm>>
      %dma_wait3A_27 = tpu.memref_squeeze %dma_wait3A_26 : memref<1x125x80xf32, #tpu.memory_space<hbm>> -> memref<125x80xf32, #tpu.memory_space<hbm>>
      tpu.wait_dma2 semaphore(%run_scoped3A : memref<!tpu.dma_semaphore, #tpu.memory_space<semaphore_mem>>) src(%dma_wait3A_27 : memref<125x80xf32, #tpu.memory_space<hbm>>) dst(%arg6 : memref<125x80xf32, #tpu.memory_space<vmem>>)
      tpu.yield
    }) : () -> ()
    %scan3A_7 = arith.constant 0 : i32
    %scan3A_8 = arith.constant 0 : i32
    %scan3A_9 = arith.constant 125 : i32
    %scan3A_10 = arith.addi %scan3A_8, %scan3A_9 : i32
    %scan3A_11 = arith.constant 1 : i32
    %scan3A_12 = scf.for %scan3A_14 = %scan3A_8 to %scan3A_10 step %scan3A_11 iter_args(%scan3A_15 = %scan3A_7) -> (i32)  : i32 {
      %get3A = arith.index_cast %scan3A_14 : i32 to index
      %get3A_16 = arith.constant 0 : index
      %get3A_17 = tpu.vector_load %arg5[%get3A, %get3A_16] {strides = array<i32>} : memref<125x80xi32, #tpu.memory_space<vmem>>, vector<16xi32>,
      %get3A_18 = arith.index_cast %scan3A_14 : i32 to index
      %get3A_19 = arith.constant 0 : index
      %get3A_20 = tpu.vector_load %arg6[%get3A_18, %get3A_19] {strides = array<i32>} : memref<125x80xf32, #tpu.memory_space<vmem>>, vector<16xf32>,
      tpu.vector_store_idx %arg7[%get3A_17], %get3A_20 {add = true} : memref<10000xf32, #tpu.memory_space<vmem>>[vector<16xi32>], vector<16xf32>,
      %get3A_21 = arith.index_cast %scan3A_14 : i32 to index
      %get3A_22 = arith.constant 16 : index
      %get3A_23 = tpu.vector_load %arg5[%get3A_21, %get3A_22] {strides = array<i32>} : memref<125x80xi32, #tpu.memory_space<vmem>>, vector<16xi32>,
      %get3A_24 = arith.index_cast %scan3A_14 : i32 to index
      %get3A_25 = arith.constant 16 : index
      %get3A_26 = tpu.vector_load %arg6[%get3A_24, %get3A_25] {strides = array<i32>} : memref<125x80xf32, #tpu.memory_space<vmem>>, vector<16xf32>,
      tpu.vector_store_idx %arg7[%get3A_23], %get3A_26 {add = true} : memref<10000xf32, #tpu.memory_space<vmem>>[vector<16xi32>], vector<16xf32>,
      %get3A_27 = arith.index_cast %scan3A_14 : i32 to index
      %get3A_28 = arith.constant 32 : index
      %get3A_29 = tpu.vector_load %arg5[%get3A_27, %get3A_28] {strides = array<i32>} : memref<125x80xi32, #tpu.memory_space<vmem>>, vector<16xi32>,
      %get3A_30 = arith.index_cast %scan3A_14 : i32 to index
      %get3A_31 = arith.constant 32 : index
      %get3A_32 = tpu.vector_load %arg6[%get3A_30, %get3A_31] {strides = array<i32>} : memref<125x80xf32, #tpu.memory_space<vmem>>, vector<16xf32>,
      tpu.vector_store_idx %arg7[%get3A_29], %get3A_32 {add = true} : memref<10000xf32, #tpu.memory_space<vmem>>[vector<16xi32>], vector<16xf32>,
      %get3A_33 = arith.index_cast %scan3A_14 : i32 to index
      %get3A_34 = arith.constant 48 : index
      %get3A_35 = tpu.vector_load %arg5[%get3A_33, %get3A_34] {strides = array<i32>} : memref<125x80xi32, #tpu.memory_space<vmem>>, vector<16xi32>,
      %get3A_36 = arith.index_cast %scan3A_14 : i32 to index
      %get3A_37 = arith.constant 48 : index
      %get3A_38 = tpu.vector_load %arg6[%get3A_36, %get3A_37] {strides = array<i32>} : memref<125x80xf32, #tpu.memory_space<vmem>>, vector<16xf32>,
      tpu.vector_store_idx %arg7[%get3A_35], %get3A_38 {add = true} : memref<10000xf32, #tpu.memory_space<vmem>>[vector<16xi32>], vector<16xf32>,
      %get3A_39 = arith.index_cast %scan3A_14 : i32 to index
      %get3A_40 = arith.constant 64 : index
      %get3A_41 = tpu.vector_load %arg5[%get3A_39, %get3A_40] {strides = array<i32>} : memref<125x80xi32, #tpu.memory_space<vmem>>, vector<16xi32>,
      %get3A_42 = arith.index_cast %scan3A_14 : i32 to index
      %get3A_43 = arith.constant 64 : index
      %get3A_44 = tpu.vector_load %arg6[%get3A_42, %get3A_43] {strides = array<i32>} : memref<125x80xf32, #tpu.memory_space<vmem>>, vector<16xf32>,
      tpu.vector_store_idx %arg7[%get3A_41], %get3A_44 {add = true} : memref<10000xf32, #tpu.memory_space<vmem>>[vector<16xi32>], vector<16xf32>,
      %scan3A_45 = arith.constant 0 : i32
      scf.yield %scan3A_45 : i32
    }
    %scan3A_13 = arith.constant 125 : i32
    "tpu.region"() ({
      %run_scoped3A = tpu.sem_alloc : memref<!tpu.dma_semaphore, #tpu.memory_space<semaphore_mem>>
      %dma_start3A = arith.constant 0 : i32
      %dma_start3A_14 = tpu.memref_slice %arg4[%add3A, %dma_start3A] : memref<32x10000xf32, #tpu.memory_space<hbm>> -> memref<1x10000xf32, #tpu.memory_space<hbm>>
      %dma_start3A_15 = tpu.memref_squeeze %dma_start3A_14 : memref<1x10000xf32, #tpu.memory_space<hbm>> -> memref<10000xf32, #tpu.memory_space<hbm>>
      %dma_start3A_16 = arith.constant 0 : i32
      %dma_start3A_17 = tpu.memref_slice %arg4[%add3A, %dma_start3A_16] : memref<32x10000xf32, #tpu.memory_space<hbm>> -> memref<1x10000xf32, #tpu.memory_space<hbm>>
      %dma_start3A_18 = tpu.memref_squeeze %dma_start3A_17 : memref<1x10000xf32, #tpu.memory_space<hbm>> -> memref<10000xf32, #tpu.memory_space<hbm>>
      tpu.enqueue_dma source(%arg7 : memref<10000xf32, #tpu.memory_space<vmem>>) target(%dma_start3A_18 : memref<10000xf32, #tpu.memory_space<hbm>>) target_semaphore(%run_scoped3A : memref<!tpu.dma_semaphore, #tpu.memory_space<semaphore_mem>>)
      %dma_wait3A = arith.constant 0 : i32
      %dma_wait3A_19 = tpu.memref_slice %arg4[%add3A, %dma_wait3A] : memref<32x10000xf32, #tpu.memory_space<hbm>> -> memref<1x10000xf32, #tpu.memory_space<hbm>>
      %dma_wait3A_20 = tpu.memref_squeeze %dma_wait3A_19 : memref<1x10000xf32, #tpu.memory_space<hbm>> -> memref<10000xf32, #tpu.memory_space<hbm>>
      %dma_wait3A_21 = arith.constant 0 : i32
      %dma_wait3A_22 = tpu.memref_slice %arg4[%add3A, %dma_wait3A_21] : memref<32x10000xf32, #tpu.memory_space<hbm>> -> memref<1x10000xf32, #tpu.memory_space<hbm>>
      %dma_wait3A_23 = tpu.memref_squeeze %dma_wait3A_22 : memref<1x10000xf32, #tpu.memory_space<hbm>> -> memref<10000xf32, #tpu.memory_space<hbm>>
      tpu.wait_dma2 semaphore(%run_scoped3A : memref<!tpu.dma_semaphore, #tpu.memory_space<semaphore_mem>>) src(%arg7 : memref<10000xf32, #tpu.memory_space<vmem>>) dst(%dma_wait3A_23 : memref<10000xf32, #tpu.memory_space<hbm>>)
      tpu.yield
    }) : () -> ()
    return
  }
}

module attributes {stable_mosaic.version = 14 : i64} {
  func.func @_k1_body(%arg0: memref<32x10000xf32, #tpu.memory_space<vmem>>, %arg1: memref<10000x128xf32, #tpu.memory_space<vmem>>, %arg2: memref<2x10000x64xf32, #tpu.memory_space<vmem>>, %arg3: memref<10000x1xf32, #tpu.memory_space<vmem>>) attributes {dimension_semantics = [], scalar_prefetch = 0 : i64, scratch_operands = 0 : i64, tpu.core_type = #tpu.core_type<tc>} {
    %get3A = arith.constant 0 : index
    %get3A_0 = arith.constant 0 : index
    %get3A_1 = vector.load %arg0[%get3A, %get3A_0] : memref<32x10000xf32, #tpu.memory_space<vmem>>, vector<32x10000xf32>
    %reduce_sum3A = arith.constant dense<0.000000e+00> : vector<10000xf32>
    %reduce_sum3A_2 = vector.multi_reduction <add>, %get3A_1, %reduce_sum3A [0] : vector<32x10000xf32> to vector<10000xf32>
    %broadcast_in_dim3A = vector.shape_cast %reduce_sum3A_2 : vector<10000xf32> to vector<10000x1xf32>
    %add3A = arith.constant 1.000000e+00 : f32
    %add3A_3 = vector.broadcast %add3A : f32 to vector<10000x1xf32>
    %add3A_4 = arith.addf %broadcast_in_dim3A, %add3A_3 : vector<10000x1xf32>
    %gt3A = arith.constant 0.000000e+00 : f32
    %gt3A_5 = vector.broadcast %gt3A : f32 to vector<10000x1xf32>
    %gt3A_6 = arith.cmpf ogt, %add3A_4, %gt3A_5 : vector<10000x1xf32>
    %rsqrt3A = math.rsqrt %add3A_4 : vector<10000x1xf32>
    %jit3A = arith.constant 0.000000e+00 : f32
    %broadcast_in_dim3A_7 = vector.broadcast %jit3A : f32 to vector<10000x1xf32>
    %select_n3A = arith.select %gt3A_6, %rsqrt3A, %broadcast_in_dim3A_7 : vector<10000x1xi1>, vector<10000x1xf32>
    %swap3A = arith.constant 0 : index
    %swap3A_8 = arith.constant 0 : index
    %swap3A_9 = vector.load %arg3[%swap3A, %swap3A_8] : memref<10000x1xf32, #tpu.memory_space<vmem>>, vector<10000x1xf32>
    tpu.vector_store %arg3[%swap3A, %swap3A_8], %select_n3A {strides = array<i32>} : memref<10000x1xf32, #tpu.memory_space<vmem>>, vector<10000x1xf32>,
    %get3A_10 = arith.constant 0 : index
    %get3A_11 = arith.constant 0 : index
    %get3A_12 = vector.load %arg1[%get3A_10, %get3A_11] : memref<10000x128xf32, #tpu.memory_space<vmem>>, vector<10000x128xf32>
    %mul3A = vector.broadcast %select_n3A : vector<10000x1xf32> to vector<10000x128xf32>
    %mul3A_13 = arith.mulf %mul3A, %get3A_12 : vector<10000x128xf32>
    %slice3A = vector.extract_strided_slice %mul3A_13 {offsets = [0, 0], sizes = [10000, 64], strides = [1, 1]} : vector<10000x128xf32> to vector<10000x64xf32>
    %swap3A_14 = arith.constant 0 : index
    %swap3A_15 = arith.constant 0 : index
    %swap3A_16 = arith.constant 0 : index
    %swap3A_17 = vector.load %arg2[%swap3A_14, %swap3A_15, %swap3A_16] : memref<2x10000x64xf32, #tpu.memory_space<vmem>>, vector<1x10000x64xf32>
    %swap3A_18 = vector.shape_cast %swap3A_17 : vector<1x10000x64xf32> to vector<10000x64xf32>
    %swap3A_19 = vector.shape_cast %slice3A : vector<10000x64xf32> to vector<1x10000x64xf32>
    tpu.vector_store %arg2[%swap3A_14, %swap3A_15, %swap3A_16], %swap3A_19 {strides = array<i32>} : memref<2x10000x64xf32, #tpu.memory_space<vmem>>, vector<1x10000x64xf32>,
    %slice3A_20 = vector.extract_strided_slice %mul3A_13 {offsets = [0, 64], sizes = [10000, 64], strides = [1, 1]} : vector<10000x128xf32> to vector<10000x64xf32>
    %swap3A_21 = arith.constant 1 : index
    %swap3A_22 = arith.constant 0 : index
    %swap3A_23 = arith.constant 0 : index
    %swap3A_24 = vector.load %arg2[%swap3A_21, %swap3A_22, %swap3A_23] : memref<2x10000x64xf32, #tpu.memory_space<vmem>>, vector<1x10000x64xf32>
    %swap3A_25 = vector.shape_cast %swap3A_24 : vector<1x10000x64xf32> to vector<10000x64xf32>
    %swap3A_26 = vector.shape_cast %slice3A_20 : vector<10000x64xf32> to vector<1x10000x64xf32>
    tpu.vector_store %arg2[%swap3A_21, %swap3A_22, %swap3A_23], %swap3A_26 {strides = array<i32>} : memref<2x10000x64xf32, #tpu.memory_space<vmem>>, vector<1x10000x64xf32>,
    return
  }
}

module attributes {stable_mosaic.version = 14 : i64} {
  func.func @_k2_body(%arg0: memref<2x10000x64xf32, #tpu.memory_space<vmem>>, %arg1: memref<10000x128xf32, #tpu.memory_space<vmem>>, %arg2: memref<10000x1xf32, #tpu.memory_space<vmem>>, %arg3: memref<128x128xf32, #tpu.memory_space<vmem>>, %arg4: memref<1x128xf32, #tpu.memory_space<vmem>>, %arg5: memref<128x1xf32, #tpu.memory_space<vmem>>, %arg6: memref<1x1xf32, #tpu.memory_space<vmem>>, %arg7: memref<1x128xf32, #tpu.memory_space<vmem>>, %arg8: memref<128x128xf32, #tpu.memory_space<vmem>>) attributes {dimension_semantics = [], scalar_prefetch = 0 : i64, scratch_operands = 0 : i64, tpu.core_type = #tpu.core_type<tc>} {
    %get3A = arith.constant 0 : index
    %get3A_0 = arith.constant 0 : index
    %get3A_1 = vector.load %arg2[%get3A, %get3A_0] : memref<10000x1xf32, #tpu.memory_space<vmem>>, vector<10000x1xf32>
    %get3A_2 = arith.constant 0 : index
    %get3A_3 = arith.constant 0 : index
    %get3A_4 = arith.constant 0 : index
    %get3A_5 = vector.load %arg0[%get3A_2, %get3A_3, %get3A_4] : memref<2x10000x64xf32, #tpu.memory_space<vmem>>, vector<1x10000x64xf32>
    %get3A_6 = vector.shape_cast %get3A_5 : vector<1x10000x64xf32> to vector<10000x64xf32>
    %get3A_7 = arith.constant 1 : index
    %get3A_8 = arith.constant 0 : index
    %get3A_9 = arith.constant 0 : index
    %get3A_10 = vector.load %arg0[%get3A_7, %get3A_8, %get3A_9] : memref<2x10000x64xf32, #tpu.memory_space<vmem>>, vector<1x10000x64xf32>
    %get3A_11 = vector.shape_cast %get3A_10 : vector<1x10000x64xf32> to vector<10000x64xf32>
    %concatenate3A = tpu.concatenate %get3A_6, %get3A_11 in 1 : vector<10000x64xf32>, vector<10000x64xf32> -> vector<10000x128xf32>
    %mul3A = vector.broadcast %get3A_1 : vector<10000x1xf32> to vector<10000x128xf32>
    %mul3A_12 = arith.mulf %mul3A, %concatenate3A : vector<10000x128xf32>
    %mul3A_13 = arith.mulf %get3A_1, %get3A_1 : vector<10000x1xf32>
    %get3A_14 = arith.constant 0 : index
    %get3A_15 = arith.constant 0 : index
    %get3A_16 = vector.load %arg1[%get3A_14, %get3A_15] : memref<10000x128xf32, #tpu.memory_space<vmem>>, vector<10000x128xf32>
    %mul3A_17 = vector.broadcast %mul3A_13 : vector<10000x1xf32> to vector<10000x128xf32>
    %mul3A_18 = arith.mulf %mul3A_17, %get3A_16 : vector<10000x128xf32>
    %add3A = arith.addf %mul3A_12, %mul3A_18 : vector<10000x128xf32>
    %get3A_19 = arith.constant 0 : index
    %get3A_20 = arith.constant 0 : index
    %get3A_21 = vector.load %arg3[%get3A_19, %get3A_20] : memref<128x128xf32, #tpu.memory_space<vmem>>, vector<128x128xf32>
    %dot_general3A = arith.constant dense<0.000000e+00> : vector<10000x128xf32>
    %dot_general3A_22 = tpu.matmul %add3A, %get3A_21, %dot_general3A {dimension_numbers = #tpu.dot_dimension_numbers<[1], [0], [0], [1], [0, 0, 1, 1], [], []>, transpose_lhs_hint = false} : vector<10000x128xf32>, vector<128x128xf32>, vector<10000x128xf32> -> vector<10000x128xf32>
    %get3A_23 = arith.constant 0 : index
    %get3A_24 = arith.constant 0 : index
    %get3A_25 = vector.load %arg4[%get3A_23, %get3A_24] : memref<1x128xf32, #tpu.memory_space<vmem>>, vector<1x128xf32>
    %add3A_26 = vector.broadcast %get3A_25 : vector<1x128xf32> to vector<10000x128xf32>
    %add3A_27 = arith.addf %dot_general3A_22, %add3A_26 : vector<10000x128xf32>
    %max3A = arith.constant 0.000000e+00 : f32
    %max3A_28 = vector.broadcast %max3A : f32 to vector<10000x128xf32>
    %max3A_29 = arith.maximumf %add3A_27, %max3A_28 : vector<10000x128xf32>
    %get3A_30 = arith.constant 0 : index
    %get3A_31 = arith.constant 0 : index
    %get3A_32 = vector.load %arg5[%get3A_30, %get3A_31] : memref<128x1xf32, #tpu.memory_space<vmem>>, vector<128x1xf32>
    %dot_general3A_33 = arith.constant dense<0.000000e+00> : vector<10000x1xf32>
    %dot_general3A_34 = tpu.matmul %add3A, %get3A_32, %dot_general3A_33 {dimension_numbers = #tpu.dot_dimension_numbers<[1], [0], [0], [1], [0, 0, 1, 1], [], []>, transpose_lhs_hint = false} : vector<10000x128xf32>, vector<128x1xf32>, vector<10000x1xf32> -> vector<10000x1xf32>
    %get3A_35 = arith.constant 0 : index
    %get3A_36 = arith.constant 0 : index
    %get3A_37 = vector.load %arg6[%get3A_35, %get3A_36] : memref<1x1xf32, #tpu.memory_space<vmem>>, vector<1x1xf32>
    %add3A_38 = vector.broadcast %get3A_37 : vector<1x1xf32> to vector<10000x1xf32>
    %add3A_39 = arith.addf %dot_general3A_34, %add3A_38 : vector<10000x1xf32>
    %reduce_max3A = vector.shape_cast %add3A_39 : vector<10000x1xf32> to vector<1x10000x1xf32>
    %reduce_max3A_40 = arith.constant dense<0xFF800000> : vector<1xf32>
    %reduce_max3A_41 = vector.multi_reduction <maximumf>, %reduce_max3A, %reduce_max3A_40 [1, 2] : vector<1x10000x1xf32> to vector<1xf32>
    %reduce_max3A_42 = vector.shape_cast %reduce_max3A_41 : vector<1xf32> to vector<1x1x1xf32>
    %reduce_max3A_43 = vector.extract %reduce_max3A_42[0, 0, 0] : f32 from vector<1x1x1xf32>
    %sub3A = vector.broadcast %reduce_max3A_43 : f32 to vector<10000x1xf32>
    %sub3A_44 = arith.subf %add3A_39, %sub3A : vector<10000x1xf32>
    %exp3A = math.exp %sub3A_44 : vector<10000x1xf32>
    %get3A_45 = arith.constant 0 : index
    %get3A_46 = arith.constant 0 : index
    %get3A_47 = vector.load %arg7[%get3A_45, %get3A_46] : memref<1x128xf32, #tpu.memory_space<vmem>>, vector<1x128xf32>
    %iota3A = tpu.iota {dimensions = array<i32: 0>} : vector<128x128xi32>
    %iota3A_48 = tpu.iota {dimensions = array<i32: 1>} : vector<128x128xi32>
    %le3A = arith.cmpi sle, %iota3A, %iota3A_48 : vector<128x128xi32>
    %convert_element_type3A = arith.extui %le3A : vector<128x128xi1> to vector<128x128xi32>
    %convert_element_type3A_49 = arith.sitofp %convert_element_type3A : vector<128x128xi32> to vector<128x128xf32>
    %dot_general3A_50 = arith.constant dense<0.000000e+00> : vector<1x128xf32>
    %dot_general3A_51 = tpu.matmul %get3A_47, %convert_element_type3A_49, %dot_general3A_50 {dimension_numbers = #tpu.dot_dimension_numbers<[1], [0], [0], [1], [0, 0, 1, 1], [], []>, transpose_lhs_hint = false} : vector<1x128xf32>, vector<128x128xf32>, vector<1x128xf32> -> vector<1x128xf32>
    %sub3A_52 = arith.subf %dot_general3A_51, %get3A_47 : vector<1x128xf32>
    %iota3A_53 = tpu.iota {dimensions = array<i32: 1>} : vector<1x128xi32>
    %lt3A = arith.constant 100 : i32
    %lt3A_54 = vector.broadcast %lt3A : i32 to vector<1x128xi32>
    %lt3A_55 = arith.cmpi slt, %iota3A_53, %lt3A_54 : vector<1x128xi32>
    %convert_element_type3A_56 = arith.extui %lt3A_55 : vector<1x128xi1> to vector<1x128xi32>
    %convert_element_type3A_57 = arith.sitofp %convert_element_type3A_56 : vector<1x128xi32> to vector<1x128xf32>
    %iota3A_58 = tpu.iota {dimensions = array<i32: 0>} : vector<10000x128xi32>
    %convert_element_type3A_59 = arith.sitofp %iota3A_58 : vector<10000x128xi32> to vector<10000x128xf32>
    %ge3A = vector.broadcast %sub3A_52 : vector<1x128xf32> to vector<10000x128xf32>
    %ge3A_60 = arith.cmpf oge, %convert_element_type3A_59, %ge3A : vector<10000x128xf32>
    %lt3A_61 = vector.broadcast %dot_general3A_51 : vector<1x128xf32> to vector<10000x128xf32>
    %lt3A_62 = arith.cmpf olt, %convert_element_type3A_59, %lt3A_61 : vector<10000x128xf32>
    %and3A = arith.andi %ge3A_60, %lt3A_62 : vector<10000x128xi1>
    %convert_element_type3A_63 = arith.extui %and3A : vector<10000x128xi1> to vector<10000x128xi32>
    %convert_element_type3A_64 = arith.sitofp %convert_element_type3A_63 : vector<10000x128xi32> to vector<10000x128xf32>
    %mul3A_65 = vector.broadcast %convert_element_type3A_57 : vector<1x128xf32> to vector<10000x128xf32>
    %mul3A_66 = arith.mulf %convert_element_type3A_64, %mul3A_65 : vector<10000x128xf32>
    %mul3A_67 = vector.broadcast %exp3A : vector<10000x1xf32> to vector<10000x128xf32>
    %mul3A_68 = arith.mulf %mul3A_66, %mul3A_67 : vector<10000x128xf32>
    %dot_general3A_69 = arith.constant dense<0.000000e+00> : vector<128x128xf32>
    %dot_general3A_70 = tpu.matmul %mul3A_68, %max3A_29, %dot_general3A_69 {dimension_numbers = #tpu.dot_dimension_numbers<[0], [0], [1], [1], [0, 1, 1, 1], [], []>, transpose_lhs_hint = false} : vector<10000x128xf32>, vector<10000x128xf32>, vector<128x128xf32> -> vector<128x128xf32>
    %broadcast_in_dim3A = arith.constant 1.000000e+00 : f32
    %broadcast_in_dim3A_71 = vector.broadcast %broadcast_in_dim3A : f32 to vector<10000x1xf32>
    %dot_general3A_72 = arith.constant dense<0.000000e+00> : vector<128x1xf32>
    %dot_general3A_73 = tpu.matmul %mul3A_68, %broadcast_in_dim3A_71, %dot_general3A_72 {dimension_numbers = #tpu.dot_dimension_numbers<[0], [0], [1], [1], [0, 1, 1, 1], [], []>, transpose_lhs_hint = false} : vector<10000x128xf32>, vector<10000x1xf32>, vector<128x1xf32> -> vector<128x1xf32>
    %gt3A = arith.constant 0.000000e+00 : f32
    %gt3A_74 = vector.broadcast %gt3A : f32 to vector<128x1xf32>
    %gt3A_75 = arith.cmpf ogt, %dot_general3A_73, %gt3A_74 : vector<128x1xf32>
    %jit3A = arith.constant 1.000000e+00 : f32
    %broadcast_in_dim3A_76 = vector.broadcast %jit3A : f32 to vector<128x1xf32>
    %select_n3A = arith.select %gt3A_75, %dot_general3A_73, %broadcast_in_dim3A_76 : vector<128x1xi1>, vector<128x1xf32>
    %div3A = vector.broadcast %select_n3A : vector<128x1xf32> to vector<128x128xf32>
    %div3A_77 = arith.divf %dot_general3A_70, %div3A : vector<128x128xf32>
    %swap3A = arith.constant 0 : index
    %swap3A_78 = arith.constant 0 : index
    %swap3A_79 = vector.load %arg8[%swap3A, %swap3A_78] : memref<128x128xf32, #tpu.memory_space<vmem>>, vector<128x128xf32>
    tpu.vector_store %arg8[%swap3A, %swap3A_78], %div3A_77 {strides = array<i32>} : memref<128x128xf32, #tpu.memory_space<vmem>>, vector<128x128xf32>,
    return
  }
}

</mosaic_0001>

<sc_bundles>
// kernel: kernel.6.cloned.1.call-start
scs
__scs_entry_jumppad:
0x0: {  	(pc) =	sbr.rel $0x88, $3  }
0x1: {  	(tag) =	ssettag $0x0;
	lr =	simm.s32 $0x1  }
0x2: {  	[smem:$0x3F99] =	sst lr;
	_ =	strace $0xD0000000  }
0x3: {  	_ = 	snop  }
0x4: {  	_ = 	snop  }
0x5: {  	_ = 	snop  }
0x6: {  	_ = 	snop  }
0x7: {  	_ = 	snop  }
__scs_overlays_trampoline_lowered:
0x8: {  	[smem:$0x3FA8] =	sst s0  }
0x9: {  	[smem:$0x3FA9] =	sst s1  }
0xa: {  	[smem:$0x3FAA] =	sst s2  }
0xb: {  	[smem:$0x3FAB] =	sst s3  }
0xc: {  	[smem:$0x3FAC] =	sst s4  }
0xd: {  	[smem:$0x3FAD] =	sst s5  }
0xe: {  	[smem:$0x3FAE] =	sst s6  }
0xf: {  	[smem:$0x3FAF] =	sst s7  }
0x10: {  	[smem:$0x3FB0] =	sst s8  }
0x11: {  	[smem:$0x3FB1] =	sst s9;
	s0 =	simm.s32 @!p0 $0x0  }
0x12: {  	s1 =	sld [smem:$0x3F97];
	s0 =	simm.s32 @p0 $0x1  }
0x13: {  	[smem:$0x3FB2] =	sst s0;
	s0 =	simm.s32 @!p1 $0x0  }
0x14: {  	s2 =	sld [smem:$0x3F96];
	s0 =	simm.s32 @p1 $0x1  }
0x15: {  	[smem:$0x3FB3] =	sst s0;
	s0 =	simm.s32 @!p2 $0x0  }
0x16: {  	s3 =	sld [smem:$0x3FDB];
	s0 =	simm.s32 @p2 $0x1  }
0x17: {  	s4 =	simm.s32 $0x1BF5;
	[smem:$0x3FB5] =	sst s0  }
0x18: {  	s0 =	sld [smem:$0x3F98];
	_ =	swait.ge [sflag:s4], $0x0  }
0x19: {  	s7 =	sld [smem:$0x3F99]  }
0x1a: {  	s8 =	sadd.s32 $0xFFFFE003, lr  }
0x1b: {  	s9 =	sadd.s32 $0xFFFFFEF7, lr;
	s5 =	simm.s32 $0xFFFFFFFF;
	p2 =	slt.u32 s8, $0xFFFFF086  }
0x1c: {  	p1 =	slt.u32 s9, $0xF7A;
	s5 =	simm.s32 @!p2 $0x0  }
0x1d: {  	s5 =	simm.s32 @p1 $0x1;
	p0 =	seq.s32 s7, s2  }
0x1e: {  	s7 =	smul.u32 @!p0 $0xF7A, s2;
	p2 =	seq.s32 @!p0 s5, $0x0  }
0x1f: {  	s9 =	smul.u32 $0xF7A, s1;
	s8 =	simm.s32 @!p0 $0x1BF5;
	p2 =	por !p2, p0  }
0x20: {  	[sflag:s8] =	ssyncset.s32 @!p0 $0xFFFFF086;
	s6 =	sadd.s32 @!p0 s3, s7;
	s7 =	simm.s32 @!p0 $0x108  }
0x21: {  	s3 =	sadd.s32 s3, s9;
	s6 =	sadd.s32 @!p0 $0x88, s6;
	s7 =	simm.s32 @p2 $0x1082  }
0x22: {  	[simem:s7], [sflag:s8] =	dma.local @!p0 [hbm:s6], $0xF7A  }
0x23: {  	s9 =	sor.u32 $0xD0000000, s2;
	s6 =	simm.s32 $0x108;
	_ =	swait.ge @!p0 [sflag:s8], $0x0  }
0x24: {  	s3 =	sadd.s32 $0x88, s3;
	s6 =	simm.s32 @!p1 $0x1082;
	[sflag:s4] =	ssyncset.s32 $0xFFFFF086  }
0x25: {  	[simem:s6], [sflag:s4] =	dma.local [hbm:s3], $0xF7A  }
0x26: {  	[smem:$0x3F99] =	sst s1;
	(tag) =	ssettag s2;
	_ =	strace s9  }
0x27: {  	s1 =	sld [smem:$0x3FA9]  }
0x28: {  	s2 =	sld [smem:$0x3FAA]  }
0x29: {  	s4 =	sld [smem:$0x3FAC]  }
0x2a: {  	p0 =	seq.s32 s5, $0x0;
	s5 =	sld [smem:$0x3FAD]  }
0x2b: {  	s6 =	sld [smem:$0x3FAE]  }
0x2c: {  	s7 =	sld [smem:$0x3FAF]  }
0x2d: {  	s3 =	simm.s32 $0x108;
	s8 =	sld [smem:$0x3FB0]  }
0x2e: {  	s3 =	simm.s32 @!p0 $0x1082;
	s9 =	sld [smem:$0x3FB1]  }
0x2f: {  	lr =	sadd.s32 s0, s3;
	s0 =	sld [smem:$0x3FA8]  }
0x30: {  	s3 =	sld [smem:$0x3FAB]  }
0x31: {  	[smem:$0x3FB4] =	sst s10  }
0x32: {  	s10 =	sld [smem:$0x3FB2];
	_ =	sdelay $0x3  }
0x33: {  	p0 =	seq.s32 s10, $0x1;
	s10 =	sld [smem:$0x3FB4];
	_ =	sdelay $0x3  }
0x34: {  	[smem:$0x3FB4] =	sst s10  }
0x35: {  	s10 =	sld [smem:$0x3FB3];
	_ =	sdelay $0x3  }
0x36: {  	p1 =	seq.s32 s10, $0x1;
	s10 =	sld [smem:$0x3FB4];
	_ =	sdelay $0x3  }
0x37: {  	[smem:$0x3FB4] =	sst s10  }
0x38: {  	s10 =	sld [smem:$0x3FB5]  }
0x39: {  	_ = 	snop;
	(pc) =	sbr.ind lr, $3  }
0x3a: {  	_ = 	snop  }
0x3b: {  	_ = 	snop  }
0x3c: {  	p2 =	seq.s32 s10, $0x1;
	s10 =	sld [smem:$0x3FB4]  }
0x3d: {  	_ =	shalt  }
0x3e: {  	_ =	shalt  }
0x3f: {  	_ =	shalt  }
0x40: {  	_ =	shalt  }
0x41: {  	_ =	shalt  }
0x42: {  	_ =	shalt  }
0x43: {  	_ =	shalt  }
0x44: {  	_ =	shalt  }
0x45: {  	_ =	shalt  }
0x46: {  	_ =	shalt  }
0x47: {  	_ =	shalt  }
0x48: {  	_ =	shalt  }
0x49: {  	_ =	shalt  }
0x4a: {  	_ =	shalt  }
0x4b: {  	_ =	shalt  }
0x4c: {  	_ =	shalt  }
0x4d: {  	_ =	shalt  }
0x4e: {  	_ =	shalt  }
0x4f: {  	_ =	shalt  }
0x50: {  	_ =	shalt  }
0x51: {  	_ =	shalt  }
0x52: {  	_ =	shalt  }
0x53: {  	_ =	shalt  }
0x54: {  	_ =	shalt  }
0x55: {  	_ =	shalt  }
0x56: {  	_ =	shalt  }
0x57: {  	_ =	shalt  }
0x58: {  	_ =	shalt  }
0x59: {  	_ =	shalt  }
0x5a: {  	_ =	shalt  }
0x5b: {  	_ =	shalt  }
0x5c: {  	_ =	shalt  }
0x5d: {  	_ =	shalt  }
0x5e: {  	_ =	shalt  }
0x5f: {  	_ =	shalt  }
0x60: {  	_ =	shalt  }
0x61: {  	_ =	shalt  }
0x62: {  	_ =	shalt  }
0x63: {  	_ =	shalt  }
0x64: {  	_ =	shalt  }
0x65: {  	_ =	shalt  }
0x66: {  	_ =	shalt  }
0x67: {  	_ =	shalt  }
0x68: {  	_ =	shalt  }
0x69: {  	_ =	shalt  }
0x6a: {  	_ =	shalt  }
0x6b: {  	_ =	shalt  }
0x6c: {  	_ =	shalt  }
0x6d: {  	_ =	shalt  }
0x6e: {  	_ =	shalt  }
0x6f: {  	_ =	shalt  }
0x70: {  	_ =	shalt  }
0x71: {  	_ =	shalt  }
0x72: {  	_ =	shalt  }
0x73: {  	_ =	shalt  }
0x74: {  	_ =	shalt  }
0x75: {  	_ =	shalt  }
0x76: {  	_ =	shalt  }
0x77: {  	_ =	shalt  }
0x78: {  	_ =	shalt  }
0x79: {  	_ =	shalt  }
0x7a: {  	_ =	shalt  }
0x7b: {  	_ =	shalt  }
0x7c: {  	_ =	shalt  }
0x7d: {  	_ =	shalt  }
0x7e: {  	_ =	shalt  }
0x7f: {  	_ =	shalt  }
0x80: {  	_ =	shalt  }
0x81: {  	_ =	shalt  }
0x82: {  	_ =	shalt  }
0x83: {  	_ =	shalt  }
0x84: {  	_ =	shalt  }
0x85: {  	_ =	shalt  }
0x86: {  	_ =	shalt  }
0x87: {  	_ =	shalt  }
.Lfunc_end0:
.L_simem_size_0:
called_computation_lowered:
.L_overlay_start_0:
0x88: {  	s2 =	sld [smem:$0x3FD9]  }
0x89: {  	s3 =	sld [smem:$0x3FFE];
	_ =	sdelay $0x1  }
0x8a: {  	s1 =	srdreg.scid  }
0x8b: {  	s0 =	sand.u32 $0x1, s1  }
0x8c: {  	s17 =	sshll.u32 s0, $0xA;
	s2 =	sadd.s32 s3, s2  }
0x8d: {  	s2 =	sadd.s32 s2, s17  }
0x8e: {  	[smem:$0x3FC0] =	sst s2  }
0x8f: {  	_ = 	snop  }
0x90: {  	s2 =	sld [smem:$0x3FC7];
	(tm) =	ssettm $0x1  }
0x91: {  	s18 =	sld [smem:$0x3FFB];
	_ =	sdelay $0x3  }
0x92: {  	_ =	strace s18  }
0x93: {  	s3 =	sld [smem:$0x3FFC];
	_ =	sdelay $0x3  }
0x94: {  	_ =	strace s3  }
0x95: {  	s3 =	sld [smem:$0x3FFD];
	_ =	sdelay $0x3  }
0x96: {  	_ =	strace s3  }
0x97: {  	_ =	strace $0x8FFFFFFF  }
0x98: {  	s19 =	sld [smem:$0x3FDB];
	_ =	sdelay $0x1  }
0x99: {  	s4 =	simm.s32 $_scs_section_size  }
0x9a: {  	s5 =	simm.s32 $_size__tile_overlayer_lowered;
	s6 =	simm.s32 $_tile_overlayer_lowered  }
0x9b: {  	s22 =	simm.s32 $0x1BFF;
	s21 =	sshll.u32 s6, $0x1;
	s3 =	sadd.s32 s4, s19  }
0x9c: {  	s7 =	simm.s32 $0x0;
	s20 =	sshll.u32 s5, $0x1;
	s5 =	sadd.s32 s21, s3  }
0x9d: {  	[timem:s7], [sflag:s22] =	dma.local [hbm:s5], s20  }
0x9e: {  	_ =	swait.ge [sflag:s22], s20  }
0x9f: {  	s4 =	ssub.s32 $0x0, s20;
	[sflag:s22] =	ssyncset.done $0x0  }
0xa0: {  	[sflag:s22] =	ssyncadd.s32 s4;
	_ =	sdelay $0x1  }
0xa1: {  	s23 =	simm.s32 $0x1B8B  }
0xa2: {  	_ =	swait.ge [sflag:s23], $0x1  }
0xa3: {  	[sflag:s23] =	ssyncset.done $0x0  }
0xa4: {  	s25 =	simm.s32 $0x1B8E;
	s24 =	sld [smem:$0x3FFE];
	[sflag:s23] =	ssyncadd.s32 $0xFFFFFFFF  }
0xa5: {  	s26 =	simm.s32 $execute0_lowered;
	[smem:$0x3FD2] =	sst s25  }
0xa6: {  	s5 =	sshll.u32 s26, $0x1;
	_ =	strace $0x80000046;
	[dreg:$0x1] =	wrdreg $0xFFFFFFFF  }
0xa7: {  	s28 =	simm.s32 $_size_execute0_lowered;
	s3 =	sadd.s32 s3, s5;
	[dreg:$0x0] =	wrdreg $0x0  }
0xa8: {  	s5 =	sshll.u32 s28, $0x1;
	[dreg:$0x2] =	wrdreg s3  }
0xa9: {  	[dreg:$0x3] =	wrdreg s5  }
0xaa: {  	[dreg:$0x4] =	wrdreg $0xC0  }
0xab: {  	_ =	task [dreg:s7], $0x5FFFF  }
0xac: {  	[dreg:$0x1] =	wrdreg $0xFFFFFFFF  }
0xad: {  	[dreg:$0x0] =	wrdreg $0x60  }
0xae: {  	[dreg:$0x2] =	wrdreg s24  }
0xaf: {  	[dreg:$0x3] =	wrdreg s2  }
0xb0: {  	[dreg:$0x4] =	wrdreg $0x9  }
0xb1: {  	_ =	task.clear_ibuf [dreg:s7], $0x5FFFF;
	_ =	strace $0x90000046  }
0xb2: {  	s29 =	simm.s32 $0x9;
	_ =	strace $0x80000048  }
0xb3: {  	_ =	swait.ge [sflag:s29], $0x1  }
0xb4: {  	[sflag:s29] =	ssyncadd.s32 $0xFFFFFFFF  }
0xb5: {  	_ =	strace $0x90000048  }
0xb6: {  	_ =	sfence  }
0xb7: {  	s30 =	sld [smem:$0x0];
	_ =	sdelay $0x2  }
0xb8: {  	s31 =	sshll.u32 s1, $0xD;
	s1 =	sshrl.u32 s1, $0x2  }
0xb9: {  	s3 =	sand.u32 $0x4000, s31;
	s1 =	sadd.s32 s1, s30  }
0xba: {  	s0 =	sor.u32 s3, s0;
	s1 =	sshll.u32 s1, $0x11  }
0xbb: {  	s0 =	sor.u32 s1, s0  }
0xbc: {  	s0 =	sadd.s32 $0x8F2B, s0  }
0xbd: {  	[sflag:s0] =	ssyncadd.remote.s32 $0x1  }
0xbe: {  	_ =	sfence.sel $0xFFFF  }
0xbf: {  	[dreg:$0x0] =	wrdreg $0xFFFFFFFF;
	(pc) =	sbr.abs _section_cstart, $3  }
0xc0: {  	[dreg:$0x1] =	wrdreg $0xFFFFFFFF  }
0xc1: {  	_ =	task.clear_ibuf [dreg:s7], $0x2FFFF;
	_ =	strace $0x9FFFFFFF  }
0xc2: {  	(tm) =	ssettm $0x7FFFFFFF  }
0xc3: {  	_ =	shalt  }
tec
execute0_lowered:
.L_overlay_start_1:
0x0: {  	(tag) =	ssettag $0x1  }
0x1: {  	s0 =	srdreg.scid  }
0x2: {  	s4 =	rddreg [dreg:$0x0];
	s3 =	sand.u32 $0x1, s0  }
0x3: {  	s5 =	rddreg [dreg:$0x1];
	s0 =	stileid.u32;
	s1 =	sshll.u32 s3, $0x4  }
0x4: {  	s2 =	simm.s32 $0x0;
	s9 =	simm.s32 $0x4E20;
	s6 =	sor.u32 s0, s1  }
0x5: {  	[smem:$0x7FF] =	sst s2;
	s3 =	ssub.s32 $0x2, s3;
	s6 =	smul.u32 $0x4E2, s6  }
0x6: {  	s10 =	simm.s32 $0x0;
	s1 =	rddreg [dreg:$0x2];
	s31 =	sshrl.u32 s3, $0x1  }
0x7: {  	_ =	strace $0x80000047;
	s8 =	ssub.s32 s3, s31;
	s7 =	sadd.s32 s6, s4  }
0x8: {  	s4 =	sadd.s32 s5, s6;
	s6 =	smax.u32 s8, $0x1;
	s8 =	simm.s32 $0x2710  }
0x9: {  	v0 =	vimm.f32 $0.0e+00;
	s3 =	sadd.s32 $0xAA00, s7;
	s5 =	sadd.s32 $0x14800, s7;
	s7 =	simm.s32 $0x1  }
.LBB2_1:
0xa: {  	s11 =	simm.s32 $0x40;
	s12 =	simm.s32 $0x0  }
.LBB2_2:
0xb: {  	p0 =	sne.s32 s11, $0x9C00;
	[tilespmem:s12+$0x4E20] =	vst v0;
	s12 =	smov.u32 s11;
	s11 =	sadd.s32 $0x40, s11  }
.Ltmp0:
0xc: {  	(pc) =	sbr.rel @p0 .LBB2_2-.Ltmp0, $2  }
0xd: {  	_ =	sdelay $0x2  }
0xe: {  	s12 =	sshra.s32 s12, $0x2  }
0xf: {  	[tilespmem:s12+$0x4E20] =	vst v0;
	s11 =	simm.s32 $0x0  }
0x10: {  	[tilespmem:s11], [sflag:$0x1] =	stream.linear.gather [hbm4b:s3+s11], $0x2710, $0x38;
	[tilespmem:$0x7530] =	vst v63  }
0x11: {  	_ =	swait.ge [sflag:s7], $0x2710  }
0x12: {  	[sflag:s7] =	ssyncset.done $0x0  }
0x13: {  	[sflag:s7] =	ssyncadd.s32 $0xFFFFD8F0  }
0x14: {  	[tilespmem:s8], [sflag:$0x1] =	stream.linear.gather [hbm4b:s4+s11], $0x2710, $0x38;
	[tilespmem:$0x7530] =	vst v63  }
0x15: {  	_ =	swait.ge [sflag:s7], $0x2710  }
0x16: {  	[sflag:s7] =	ssyncset.done $0x0  }
0x17: {  	[sflag:s7] =	ssyncadd.s32 $0xFFFFD8F0  }
.LBB2_4:
0x18: {  	s12 =	sshra.s32 s11, $0x2  }
0x19: {  	v1 =	vld [tilespmem:s12+$0x0];
	_ =	sdelay $0x2  }
0x1a: {  	v2 =	vld [tilespmem:s12+$0x2710];
	_ =	sdelay $0x4  }
0x1b: {  	[tilespmem:v1+s9+$0x0] =	vst.idx.add.f32.msk $0xffff, v2  }
0x1c: {  	v1 =	vld [tilespmem:s12+$0x10];
	_ =	sdelay $0x2  }
0x1d: {  	v2 =	vld [tilespmem:s12+$0x2720];
	_ =	sdelay $0x4  }
0x1e: {  	[tilespmem:v1+s9+$0x0] =	vst.idx.add.f32.msk $0xffff, v2  }
0x1f: {  	v1 =	vld [tilespmem:s12+$0x20];
	_ =	sdelay $0x2  }
0x20: {  	v2 =	vld [tilespmem:s12+$0x2730];
	_ =	sdelay $0x4  }
0x21: {  	[tilespmem:v1+s9+$0x0] =	vst.idx.add.f32.msk $0xffff, v2  }
0x22: {  	v1 =	vld [tilespmem:s12+$0x30];
	_ =	sdelay $0x2  }
0x23: {  	v2 =	vld [tilespmem:s12+$0x2740];
	_ =	sdelay $0x4  }
0x24: {  	[tilespmem:v1+s9+$0x0] =	vst.idx.add.f32.msk $0xffff, v2  }
0x25: {  	v1 =	vld [tilespmem:s12+$0x40];
	_ =	sdelay $0x2  }
0x26: {  	p0 =	sne.s32 s11, $0x9B00;
	v2 =	vld [tilespmem:s12+$0x2750]  }
.Ltmp1:
0x27: {  	_ = 	snop;
	(pc) =	sbr.rel @p0 .LBB2_4-.Ltmp1, $2  }
0x28: {  	_ =	sdelay $0x2  }
0x29: {  	s11 =	sadd.s32 $0x140, s11;
	[tilespmem:v1+s9+$0x0] =	vst.idx.add.f32.msk $0xffff, v2  }
0x2a: {  	s10 =	sadd.s32 $0x1, s10  }
0x2b: {  	p0 =	sne.s32 s10, s6  }
.Ltmp2:
0x2c: {  	_ = 	snop;
	(pc) =	sbr.rel @p0 .LBB2_1-.Ltmp2, $4  }
0x2d: {  	[hbm4b:s5+s2] =	stream.linear.scatter [tilespmem:s9], [sflag:$0x1], $0x2710, $0x38;
	[tilespmem:$0x7530] =	vst v63  }
0x2e: {  	_ =	swait.ge [sflag:s7], $0x2710  }
0x2f: {  	[sflag:s7] =	ssyncset.done $0x0  }
0x30: {  	[sflag:s7] =	ssyncadd.s32 $0xFFFFD8F0  }
0x31: {  	_ =	sfence.sel $0x180000  }
0x32: {  	[bflag:$0x0] =	sbarrier.arrive $0xFFFF  }
0x33: {  	p0 =	sne.s32 s0, $0x0;
	_ =	strace $0x90000047  }
0x34: {  	s0 =	sadd.s32 @!p0 $0x100000, s1;
	[bflag:$0x2] =	sbarrier.arrive $0xFFFF  }
0x35: {  	[sflag:s0] =	ssyncadd.tile.s32 @!p0 $0x1;
	_ =	shalt  }
.Lfunc_end2:
_tile_overlayer_lowered:
.L_overlay_start_2:
0x36: {  	(tag) =	ssettag $0x2  }
0x37: {  	s0 =	rddreg [dreg:$0x0];
	s2 =	stileid.u32  }
0x38: {  	s1 =	rddreg [dreg:$0x1];
	p0 =	sne.s32 s2, $0x0  }
0x39: {  	s3 =	rddreg [dreg:$0x2];
	[bflag:$0x3] =	sbarrier.arrive $0xFFFF;
	s2 =	simm.s32 @!p0 $0x1C01  }
0x3a: {  	[timem:s3], [sflag:s2] =	dma.local @!p0 [hbm:s0], s1  }
0x3b: {  	s0 =	simm.s32 @!p0 $0x1  }
0x3c: {  	_ =	swait.ge @!p0 [sflag:s0], s1  }
0x3d: {  	s1 =	ssub.s32 @!p0 $0x0, s1;
	[sflag:s0] =	ssyncset.done @!p0 $0x0  }
0x3e: {  	[sflag:s0] =	ssyncadd.s32 @!p0 s1  }
0x3f: {  	[bflag:$0x3] =	sbarrier.arrive $0xFFFF  }
0x40: {  	_ =	shalt  }

// kernel: kernel.9.cloned.1.call-start
scs
__scs_entry_jumppad:
0x0: {  	(pc) =	sbr.rel $0x88, $3  }
0x1: {  	(tag) =	ssettag $0x0;
	lr =	simm.s32 $0x1  }
0x2: {  	[smem:$0x3F99] =	sst lr;
	_ =	strace $0xD0000000  }
0x3: {  	_ = 	snop  }
0x4: {  	_ = 	snop  }
0x5: {  	_ = 	snop  }
0x6: {  	_ = 	snop  }
0x7: {  	_ = 	snop  }
__scs_overlays_trampoline_lowered:
0x8: {  	[smem:$0x3FA8] =	sst s0  }
0x9: {  	[smem:$0x3FA9] =	sst s1  }
0xa: {  	[smem:$0x3FAA] =	sst s2  }
0xb: {  	[smem:$0x3FAB] =	sst s3  }
0xc: {  	[smem:$0x3FAC] =	sst s4  }
0xd: {  	[smem:$0x3FAD] =	sst s5  }
0xe: {  	[smem:$0x3FAE] =	sst s6  }
0xf: {  	[smem:$0x3FAF] =	sst s7  }
0x10: {  	[smem:$0x3FB0] =	sst s8  }
0x11: {  	[smem:$0x3FB1] =	sst s9;
	s0 =	simm.s32 @!p0 $0x0  }
0x12: {  	s1 =	sld [smem:$0x3F97];
	s0 =	simm.s32 @p0 $0x1  }
0x13: {  	[smem:$0x3FB2] =	sst s0;
	s0 =	simm.s32 @!p1 $0x0  }
0x14: {  	s2 =	sld [smem:$0x3F96];
	s0 =	simm.s32 @p1 $0x1  }
0x15: {  	[smem:$0x3FB3] =	sst s0;
	s0 =	simm.s32 @!p2 $0x0  }
0x16: {  	s3 =	sld [smem:$0x3FDB];
	s0 =	simm.s32 @p2 $0x1  }
0x17: {  	s4 =	simm.s32 $0x1BF5;
	[smem:$0x3FB5] =	sst s0  }
0x18: {  	s0 =	sld [smem:$0x3F98];
	_ =	swait.ge [sflag:s4], $0x0  }
0x19: {  	s7 =	sld [smem:$0x3F99]  }
0x1a: {  	s8 =	sadd.s32 $0xFFFFE003, lr  }
0x1b: {  	s9 =	sadd.s32 $0xFFFFFEF7, lr;
	s5 =	simm.s32 $0xFFFFFFFF;
	p2 =	slt.u32 s8, $0xFFFFF086  }
0x1c: {  	p1 =	slt.u32 s9, $0xF7A;
	s5 =	simm.s32 @!p2 $0x0  }
0x1d: {  	s5 =	simm.s32 @p1 $0x1;
	p0 =	seq.s32 s7, s2  }
0x1e: {  	s7 =	smul.u32 @!p0 $0xF7A, s2;
	p2 =	seq.s32 @!p0 s5, $0x0  }
0x1f: {  	s9 =	smul.u32 $0xF7A, s1;
	s8 =	simm.s32 @!p0 $0x1BF5;
	p2 =	por !p2, p0  }
0x20: {  	[sflag:s8] =	ssyncset.s32 @!p0 $0xFFFFF086;
	s6 =	sadd.s32 @!p0 s3, s7;
	s7 =	simm.s32 @!p0 $0x108  }
0x21: {  	s3 =	sadd.s32 s3, s9;
	s6 =	sadd.s32 @!p0 $0x88, s6;
	s7 =	simm.s32 @p2 $0x1082  }
0x22: {  	[simem:s7], [sflag:s8] =	dma.local @!p0 [hbm:s6], $0xF7A  }
0x23: {  	s9 =	sor.u32 $0xD0000000, s2;
	s6 =	simm.s32 $0x108;
	_ =	swait.ge @!p0 [sflag:s8], $0x0  }
0x24: {  	s3 =	sadd.s32 $0x88, s3;
	s6 =	simm.s32 @!p1 $0x1082;
	[sflag:s4] =	ssyncset.s32 $0xFFFFF086  }
0x25: {  	[simem:s6], [sflag:s4] =	dma.local [hbm:s3], $0xF7A  }
0x26: {  	[smem:$0x3F99] =	sst s1;
	(tag) =	ssettag s2;
	_ =	strace s9  }
0x27: {  	s1 =	sld [smem:$0x3FA9]  }
0x28: {  	s2 =	sld [smem:$0x3FAA]  }
0x29: {  	s4 =	sld [smem:$0x3FAC]  }
0x2a: {  	p0 =	seq.s32 s5, $0x0;
	s5 =	sld [smem:$0x3FAD]  }
0x2b: {  	s6 =	sld [smem:$0x3FAE]  }
0x2c: {  	s7 =	sld [smem:$0x3FAF]  }
0x2d: {  	s3 =	simm.s32 $0x108;
	s8 =	sld [smem:$0x3FB0]  }
0x2e: {  	s3 =	simm.s32 @!p0 $0x1082;
	s9 =	sld [smem:$0x3FB1]  }
0x2f: {  	lr =	sadd.s32 s0, s3;
	s0 =	sld [smem:$0x3FA8]  }
0x30: {  	s3 =	sld [smem:$0x3FAB]  }
0x31: {  	[smem:$0x3FB4] =	sst s10  }
0x32: {  	s10 =	sld [smem:$0x3FB2];
	_ =	sdelay $0x3  }
0x33: {  	p0 =	seq.s32 s10, $0x1;
	s10 =	sld [smem:$0x3FB4];
	_ =	sdelay $0x3  }
0x34: {  	[smem:$0x3FB4] =	sst s10  }
0x35: {  	s10 =	sld [smem:$0x3FB3];
	_ =	sdelay $0x3  }
0x36: {  	p1 =	seq.s32 s10, $0x1;
	s10 =	sld [smem:$0x3FB4];
	_ =	sdelay $0x3  }
0x37: {  	[smem:$0x3FB4] =	sst s10  }
0x38: {  	s10 =	sld [smem:$0x3FB5]  }
0x39: {  	_ = 	snop;
	(pc) =	sbr.ind lr, $3  }
0x3a: {  	_ = 	snop  }
0x3b: {  	_ = 	snop  }
0x3c: {  	p2 =	seq.s32 s10, $0x1;
	s10 =	sld [smem:$0x3FB4]  }
0x3d: {  	_ =	shalt  }
0x3e: {  	_ =	shalt  }
0x3f: {  	_ =	shalt  }
0x40: {  	_ =	shalt  }
0x41: {  	_ =	shalt  }
0x42: {  	_ =	shalt  }
0x43: {  	_ =	shalt  }
0x44: {  	_ =	shalt  }
0x45: {  	_ =	shalt  }
0x46: {  	_ =	shalt  }
0x47: {  	_ =	shalt  }
0x48: {  	_ =	shalt  }
0x49: {  	_ =	shalt  }
0x4a: {  	_ =	shalt  }
0x4b: {  	_ =	shalt  }
0x4c: {  	_ =	shalt  }
0x4d: {  	_ =	shalt  }
0x4e: {  	_ =	shalt  }
0x4f: {  	_ =	shalt  }
0x50: {  	_ =	shalt  }
0x51: {  	_ =	shalt  }
0x52: {  	_ =	shalt  }
0x53: {  	_ =	shalt  }
0x54: {  	_ =	shalt  }
0x55: {  	_ =	shalt  }
0x56: {  	_ =	shalt  }
0x57: {  	_ =	shalt  }
0x58: {  	_ =	shalt  }
0x59: {  	_ =	shalt  }
0x5a: {  	_ =	shalt  }
0x5b: {  	_ =	shalt  }
0x5c: {  	_ =	shalt  }
0x5d: {  	_ =	shalt  }
0x5e: {  	_ =	shalt  }
0x5f: {  	_ =	shalt  }
0x60: {  	_ =	shalt  }
0x61: {  	_ =	shalt  }
0x62: {  	_ =	shalt  }
0x63: {  	_ =	shalt  }
0x64: {  	_ =	shalt  }
0x65: {  	_ =	shalt  }
0x66: {  	_ =	shalt  }
0x67: {  	_ =	shalt  }
0x68: {  	_ =	shalt  }
0x69: {  	_ =	shalt  }
0x6a: {  	_ =	shalt  }
0x6b: {  	_ =	shalt  }
0x6c: {  	_ =	shalt  }
0x6d: {  	_ =	shalt  }
0x6e: {  	_ =	shalt  }
0x6f: {  	_ =	shalt  }
0x70: {  	_ =	shalt  }
0x71: {  	_ =	shalt  }
0x72: {  	_ =	shalt  }
0x73: {  	_ =	shalt  }
0x74: {  	_ =	shalt  }
0x75: {  	_ =	shalt  }
0x76: {  	_ =	shalt  }
0x77: {  	_ =	shalt  }
0x78: {  	_ =	shalt  }
0x79: {  	_ =	shalt  }
0x7a: {  	_ =	shalt  }
0x7b: {  	_ =	shalt  }
0x7c: {  	_ =	shalt  }
0x7d: {  	_ =	shalt  }
0x7e: {  	_ =	shalt  }
0x7f: {  	_ =	shalt  }
0x80: {  	_ =	shalt  }
0x81: {  	_ =	shalt  }
0x82: {  	_ =	shalt  }
0x83: {  	_ =	shalt  }
0x84: {  	_ =	shalt  }
0x85: {  	_ =	shalt  }
0x86: {  	_ =	shalt  }
0x87: {  	_ =	shalt  }
.Lfunc_end0:
.L_simem_size_0:
called_computation.1_lowered:
.L_overlay_start_0:
0x88: {  	s2 =	sld [smem:$0x3FD9]  }
0x89: {  	s3 =	sld [smem:$0x3FFE];
	_ =	sdelay $0x1  }
0x8a: {  	s1 =	srdreg.scid  }
0x8b: {  	s0 =	sand.u32 $0x1, s1  }
0x8c: {  	s17 =	sshll.u32 s0, $0xA;
	s2 =	sadd.s32 s3, s2  }
0x8d: {  	s2 =	sadd.s32 s2, s17  }
0x8e: {  	[smem:$0x3FC0] =	sst s2  }
0x8f: {  	_ = 	snop  }
0x90: {  	s2 =	sld [smem:$0x3FC7];
	(tm) =	ssettm $0x1  }
0x91: {  	s18 =	sld [smem:$0x3FFB];
	_ =	sdelay $0x3  }
0x92: {  	_ =	strace s18  }
0x93: {  	s3 =	sld [smem:$0x3FFC];
	_ =	sdelay $0x3  }
0x94: {  	_ =	strace s3  }
0x95: {  	s3 =	sld [smem:$0x3FFD];
	_ =	sdelay $0x3  }
0x96: {  	_ =	strace s3  }
0x97: {  	_ =	strace $0x8FFFFFFF  }
0x98: {  	s19 =	sld [smem:$0x3FDB];
	_ =	sdelay $0x1  }
0x99: {  	s4 =	simm.s32 $_scs_section_size  }
0x9a: {  	s5 =	simm.s32 $_size__tile_overlayer_lowered;
	s6 =	simm.s32 $_tile_overlayer_lowered  }
0x9b: {  	s22 =	simm.s32 $0x1BFF;
	s21 =	sshll.u32 s6, $0x1;
	s3 =	sadd.s32 s4, s19  }
0x9c: {  	s7 =	simm.s32 $0x0;
	s20 =	sshll.u32 s5, $0x1;
	s5 =	sadd.s32 s21, s3  }
0x9d: {  	[timem:s7], [sflag:s22] =	dma.local [hbm:s5], s20  }
0x9e: {  	_ =	swait.ge [sflag:s22], s20  }
0x9f: {  	s4 =	ssub.s32 $0x0, s20;
	[sflag:s22] =	ssyncset.done $0x0  }
0xa0: {  	[sflag:s22] =	ssyncadd.s32 s4;
	_ =	sdelay $0x1  }
0xa1: {  	s23 =	simm.s32 $0x1B8B  }
0xa2: {  	_ =	swait.ge [sflag:s23], $0x1  }
0xa3: {  	[sflag:s23] =	ssyncset.done $0x0  }
0xa4: {  	s25 =	simm.s32 $0x1B8E;
	s24 =	sld [smem:$0x3FFE];
	[sflag:s23] =	ssyncadd.s32 $0xFFFFFFFF  }
0xa5: {  	s26 =	simm.s32 $execute0_lowered;
	[smem:$0x3FD2] =	sst s25  }
0xa6: {  	s5 =	sshll.u32 s26, $0x1;
	_ =	strace $0x80000049;
	[dreg:$0x1] =	wrdreg $0xFFFFFFFF  }
0xa7: {  	s28 =	simm.s32 $_size_execute0_lowered;
	s3 =	sadd.s32 s3, s5;
	[dreg:$0x0] =	wrdreg $0x0  }
0xa8: {  	s5 =	sshll.u32 s28, $0x1;
	[dreg:$0x2] =	wrdreg s3  }
0xa9: {  	[dreg:$0x3] =	wrdreg s5  }
0xaa: {  	[dreg:$0x4] =	wrdreg $0xC0  }
0xab: {  	_ =	task [dreg:s7], $0x5FFFF  }
0xac: {  	[dreg:$0x1] =	wrdreg $0xFFFFFFFF  }
0xad: {  	[dreg:$0x0] =	wrdreg $0x60  }
0xae: {  	[dreg:$0x2] =	wrdreg s24  }
0xaf: {  	[dreg:$0x3] =	wrdreg s2  }
0xb0: {  	[dreg:$0x4] =	wrdreg $0x162600  }
0xb1: {  	[dreg:$0x5] =	wrdreg $0x9  }
0xb2: {  	_ =	task.clear_ibuf [dreg:s7], $0x6FFFF;
	_ =	strace $0x90000049  }
0xb3: {  	s29 =	simm.s32 $0x9;
	_ =	strace $0x8000004B  }
0xb4: {  	_ =	swait.ge [sflag:s29], $0x1  }
0xb5: {  	[sflag:s29] =	ssyncadd.s32 $0xFFFFFFFF  }
0xb6: {  	_ =	strace $0x9000004B  }
0xb7: {  	_ =	sfence  }
0xb8: {  	s30 =	sld [smem:$0x0];
	_ =	sdelay $0x2  }
0xb9: {  	s31 =	sshll.u32 s1, $0xD;
	s1 =	sshrl.u32 s1, $0x2  }
0xba: {  	s3 =	sand.u32 $0x4000, s31;
	s1 =	sadd.s32 s1, s30  }
0xbb: {  	s0 =	sor.u32 s3, s0;
	s1 =	sshll.u32 s1, $0x11  }
0xbc: {  	s0 =	sor.u32 s1, s0  }
0xbd: {  	s0 =	sadd.s32 $0x8F2B, s0  }
0xbe: {  	[sflag:s0] =	ssyncadd.remote.s32 $0x1  }
0xbf: {  	_ =	sfence.sel $0xFFFF  }
0xc0: {  	[dreg:$0x0] =	wrdreg $0xFFFFFFFF;
	(pc) =	sbr.abs _section_cstart, $3  }
0xc1: {  	[dreg:$0x1] =	wrdreg $0xFFFFFFFF  }
0xc2: {  	_ =	task.clear_ibuf [dreg:s7], $0x2FFFF;
	_ =	strace $0x9FFFFFFF  }
0xc3: {  	(tm) =	ssettm $0x7FFFFFFF  }
tec
execute0_lowered:
.L_overlay_start_1:
0x0: {  	(tag) =	ssettag $0x1  }
0x1: {  	s0 =	srdreg.scid;
	s1 =	rddreg [dreg:$0x0]  }
0x2: {  	s22 =	stileid.u32;
	s2 =	rddreg [dreg:$0x1]  }
0x3: {  	s5 =	simm.s32 $0x0;
	s0 =	sand.u32 $0x1, s0;
	s4 =	smul.u32 $0x9C4, s22  }
0x4: {  	[smem:$0x7FF] =	sst s5;
	s12 =	sor.u32 $0x30, s22;
	s3 =	smul.u32 $0x9C400, s0  }
0x5: {  	s8 =	sor.u32 $0x10, s22;
	s11 =	sor.u32 $0x20, s22;
	s16 =	smul.u32 $0x1400, s12  }
0x6: {  	s6 =	sadd.s32 s4, s1;
	s20 =	sadd.s32 s2, s4;
	s4 =	smul.u32 $0x5000, s8  }
0x7: {  	s7 =	sadd.s32 $0x3BA00, s1;
	s0 =	ssub.s32 $0x2, s0;
	s2 =	smul.u32 $0x1400, s11  }
0x8: {  	s13 =	sor.u32 $0x40, s22;
	s19 =	sshrl.u32 s0, $0x1;
	s11 =	smul.u32 $0x5000, s11  }
0x9: {  	s17 =	sor.u32 $0x70, s22;
	s9 =	ssub.s32 s0, s19;
	s0 =	smul.u32 $0x1400, s22  }
0xa: {  	s14 =	sor.u32 $0x50, s22;
	p0 =	sgt.u32 s17, $0x7C;
	s19 =	smul.u32 $0x1400, s13  }
0xb: {  	s18 =	sshrl.u32 s3, $0x3;
	[dreg:$0x4] =	wrdreg s20;
	s20 =	smul.u32 $0x1400, s14  }
0xc: {  	s5 =	sadd.s32 s18, s1;
	s1 =	smul.u32 $0x1400, s8;
	s8 =	sor.u32 $0x60, s22  }
0xd: {  	s23 =	sadd.s32 s3, s2;
	s18 =	sadd.s32 s3, s16;
	s4 =	sshrl.u32 s4, $0x2  }
0xe: {  	s10 =	sadd.s32 s3, s0;
	s18 =	sshrl.u32 s18, $0x3;
	s26 =	sadd.s32 s3, s19  }
0xf: {  	s28 =	sadd.s32 s3, s20;
	s10 =	sshrl.u32 s10, $0x3;
	s15 =	sadd.s32 s3, s1  }
0x10: {  	s25 =	sadd.s32 s7, s18;
	s18 =	smul.u32 $0x1400, s8;
	s10 =	sadd.s32 s7, s10  }
0x11: {  	s21 =	sshrl.u32 s15, $0x3;
	s15 =	sshrl.u32 s23, $0x3;
	[dreg:$0x8] =	wrdreg s25  }
0x12: {  	s23 =	sadd.s32 $0xC00, s6;
	s6 =	sadd.s32 $0xAA00, s6;
	s25 =	smax.u32 s9, $0x1  }
0x13: {  	[dreg:$0x5] =	wrdreg s10;
	s10 =	sadd.s32 s7, s21;
	s21 =	smul.u32 $0x1400, s17  }
0x14: {  	s24 =	sadd.s32 s7, s15;
	s15 =	sshrl.u32 s28, $0x3;
	s28 =	smul.u32 $0x5000, s13  }
0x15: {  	s30 =	sadd.s32 s3, s18;
	[dreg:$0x7] =	wrdreg s24;
	s24 =	smul.u32 $0x5000, s22  }
0x16: {  	[dreg:$0x6] =	wrdreg s10;
	s10 =	sshrl.u32 s26, $0x3;
	s26 =	smul.u32 $0x5000, s12  }
0x17: {  	s29 =	sadd.s32 s7, s15;
	s31 =	sshrl.u32 s30, $0x3;
	s30 =	smul.u32 $0x5000, s8  }
0x18: {  	s8 =	simm.s32 $0x12660;
	s10 =	sadd.s32 s7, s10;
	[dreg:$0xa] =	wrdreg s29  }
0x19: {  	s3 =	sadd.s32 s3, s21;
	s29 =	smul.u32 $0x5000, s14;
	[dreg:$0x9] =	wrdreg s10  }
0x1a: {  	s15 =	sadd.s32 s7, s31;
	s31 =	smul.u32 $0x5000, s17;
	s10 =	rddreg [dreg:$0x2]  }
0x1b: {  	[dreg:$0xb] =	wrdreg s15;
	s3 =	sshrl.u32 s3, $0x3;
	s15 =	sadd.s32 $0x14800, s5  }
0x1c: {  	s5 =	sshrl.u32 s26, $0x2;
	s3 =	sadd.s32 s7, s3;
	s4 =	sadd.s32 s4, s10  }
0x1d: {  	s7 =	sshrl.u32 s28, $0x2;
	s5 =	sadd.s32 s5, s10;
	s9 =	sshrl.u32 s29, $0x2  }
0x1e: {  	s12 =	sshrl.u32 s31, $0x2;
	s0 =	sadd.s32 s0, s10;
	s1 =	sadd.s32 s1, s10  }
0x1f: {  	s2 =	sadd.s32 s2, s10;
	s17 =	sadd.s32 s16, s10;
	s22 =	sadd.s32 s19, s10  }
0x20: {  	s16 =	simm.s32 $0x6;
	s19 =	simm.s32 $0x4;
	[dreg:$0xc] =	wrdreg s3  }
0x21: {  	s3 =	sshrl.u32 s11, $0x2;
	_ =	strace $0x8000004A;
	[dreg:$0xd] =	wrdreg s23  }
0x22: {  	s7 =	sadd.s32 s7, s10;
	s11 =	sshrl.u32 s30, $0x2;
	[dreg:$0xe] =	wrdreg s6  }
0x23: {  	s14 =	sadd.s32 s12, s10;
	s0 =	sshrl.u32 s0, $0x3;
	[dreg:$0xf] =	wrdreg s25  }
0x24: {  	s26 =	sshrl.u32 s2, $0x3;
	s28 =	sshrl.u32 s17, $0x3;
	[dreg:$0x11] =	wrdreg s4  }
0x25: {  	s29 =	sshrl.u32 s22, $0x3;
	s2 =	simm.s32 $0xB;
	[dreg:$0x13] =	wrdreg s5  }
0x26: {  	s12 =	simm.s32 $0x1;
	s17 =	simm.s32 $0x3;
	[dreg:$0x14] =	wrdreg s7  }
0x27: {  	s22 =	simm.s32 $0x9;
	s6 =	sshrl.u32 s24, $0x2;
	[dreg:$0x17] =	wrdreg s14  }
0x28: {  	s3 =	sadd.s32 s3, s10;
	s13 =	sadd.s32 s11, s10;
	[dreg:$0x18] =	wrdreg s0  }
0x29: {  	s23 =	sadd.s32 s20, s10;
	s24 =	sadd.s32 s18, s10;
	[dreg:$0x1a] =	wrdreg s26  }
0x2a: {  	s7 =	sadd.s32 s21, s10;
	s25 =	sshrl.u32 s1, $0x3;
	[dreg:$0x1b] =	wrdreg s28  }
0x2b: {  	[dreg:$0x1c] =	wrdreg s29;
	s4 =	simm.s32 $0x50;
	s5 =	simm.s32 $0xEA60  }
0x2c: {  	s14 =	simm.s32 $0x2;
	s18 =	simm.s32 $0x7;
	[dreg:$0x12] =	wrdreg s3  }
0x2d: {  	s20 =	simm.s32 $0x8;
	s21 =	simm.s32 $0x5;
	[dreg:$0x16] =	wrdreg s13  }
0x2e: {  	s6 =	sadd.s32 s6, s10;
	s3 =	sadd.s32 s9, s10;
	[dreg:$0x19] =	wrdreg s25  }
.Ltmp0:
0x2f: {  	s30 =	sshrl.u32 s23, $0x3;
	[dreg:$0x10] =	wrdreg s6;
	(pc) =	sbr.rel .LBB2_1-.Ltmp0, $4  }
0x30: {  	s31 =	sshrl.u32 s24, $0x3;
	s0 =	sshrl.u32 @!p0 s7, $0x3;
	[dreg:$0x15] =	wrdreg s3  }
0x31: {  	s7 =	simm.s32 $0x11260;
	s13 =	simm.s32 $0x13A60;
	[dreg:$0x1d] =	wrdreg s30  }
0x32: {  	v1 =	vimm.s32 $0x0;
	vm0 =	vcmask $0x300;
	s9 =	simm.s32 $0x0;
	s25 =	simm.s32 $0x0;
	[dreg:$0x1e] =	wrdreg s31  }
0x33: {  	v0 =	vimm.f32 $0.0e+00;
	v1 =	vsel vm0, $0x3, v1;
	[dreg:$0x1f] =	wrdreg s0;
	s3 =	simm.s32 $0x9C40;
	s6 =	simm.s32 $0xFE60  }
.LBB2_16:
0x34: {  	s0 =	simm.s32 $0xA  }
0x35: {  	_ =	swait.ge [sflag:s0], $0x1400  }
0x36: {  	[sflag:s0] =	ssyncset.done $0x0  }
0x37: {  	[sflag:s0] =	ssyncadd.s32 $0xFFFFEC00  }
0x38: {  	s23 =	stileid.u32;
	[bflag:$0x0] =	sbarrier.arrive $0xFFFF  }
0x39: {  	s0 =	sshll.u32 s23, $0x6;
	s1 =	rddreg [dreg:$0x5]  }
0x3a: {  	s0 =	sor.u32 $0x1C0B, s0;
	s9 =	rddreg [dreg:$0x18]  }
0x3b: {  	[hbm:s1], [sflag:s0] =	dma.local [spmem:s9], $0x280  }
0x3c: {  	_ =	swait.ge [sflag:s2], $0x280  }
0x3d: {  	[sflag:s2] =	ssyncset.done $0x0;
	s24 =	rddreg [dreg:$0x6]  }
0x3e: {  	s26 =	rddreg [dreg:$0x19];
	[sflag:s2] =	ssyncadd.s32 $0xFFFFFD80  }
0x3f: {  	[hbm:s24], [sflag:s0] =	dma.local [spmem:s26], $0x280  }
0x40: {  	_ =	swait.ge [sflag:s2], $0x280  }
0x41: {  	[sflag:s2] =	ssyncset.done $0x0;
	s28 =	rddreg [dreg:$0x7]  }
0x42: {  	s29 =	rddreg [dreg:$0x1a];
	[sflag:s2] =	ssyncadd.s32 $0xFFFFFD80  }
0x43: {  	[hbm:s28], [sflag:s0] =	dma.local [spmem:s29], $0x280  }
0x44: {  	_ =	swait.ge [sflag:s2], $0x280  }
0x45: {  	[sflag:s2] =	ssyncset.done $0x0;
	s30 =	rddreg [dreg:$0x8]  }
0x46: {  	s31 =	rddreg [dreg:$0x1b];
	[sflag:s2] =	ssyncadd.s32 $0xFFFFFD80  }
0x47: {  	[hbm:s30], [sflag:s0] =	dma.local [spmem:s31], $0x280  }
0x48: {  	_ =	swait.ge [sflag:s2], $0x280  }
0x49: {  	[sflag:s2] =	ssyncset.done $0x0;
	s11 =	rddreg [dreg:$0x9]  }
0x4a: {  	s23 =	rddreg [dreg:$0x1c];
	[sflag:s2] =	ssyncadd.s32 $0xFFFFFD80  }
0x4b: {  	[hbm:s11], [sflag:s0] =	dma.local [spmem:s23], $0x280  }
0x4c: {  	_ =	swait.ge [sflag:s2], $0x280  }
0x4d: {  	[sflag:s2] =	ssyncset.done $0x0;
	s24 =	rddreg [dreg:$0xa]  }
0x4e: {  	s26 =	rddreg [dreg:$0x1d];
	[sflag:s2] =	ssyncadd.s32 $0xFFFFFD80  }
0x4f: {  	[hbm:s24], [sflag:s0] =	dma.local [spmem:s26], $0x280  }
0x50: {  	_ =	swait.ge [sflag:s2], $0x280  }
0x51: {  	[sflag:s2] =	ssyncset.done $0x0;
	s28 =	rddreg [dreg:$0xb]  }
0x52: {  	s29 =	rddreg [dreg:$0x1e];
	[sflag:s2] =	ssyncadd.s32 $0xFFFFFD80  }
0x53: {  	[hbm:s28], [sflag:s0] =	dma.local [spmem:s29], $0x280  }
0x54: {  	_ =	swait.ge [sflag:s2], $0x280  }
0x55: {  	[sflag:s2] =	ssyncset.done $0x0;
	s1 =	rddreg [dreg:$0xc]  }
0x56: {  	s9 =	rddreg [dreg:$0x1f];
	[sflag:s2] =	ssyncadd.s32 $0xFFFFFD80  }
0x57: {  	[hbm:s1], [sflag:s0] =	dma.local @!p0 [spmem:s9], $0x280  }
0x58: {  	s0 =	simm.s32 @!p0 $0xB  }
0x59: {  	_ =	swait.ge @!p0 [sflag:s0], $0x280  }
0x5a: {  	s30 =	sld [smem:$0x7FD];
	_ =	sdelay $0x2  }
0x5b: {  	s31 =	rddreg [dreg:$0xf];
	s9 =	sadd.s32 $0x1, s30  }
0x5c: {  	p1 =	sne.s32 s9, s31  }
.Ltmp1:
0x5d: {  	_ = 	snop;
	(pc) =	sbr.rel @!p1 .LBB2_17-.Ltmp1, $3  }
0x5e: {  	_ =	sdelay $0x1  }
0x5f: {  	[sflag:s0] =	ssyncset.done @!p0 $0x0  }
0x60: {  	[sflag:s0] =	ssyncadd.s32 @!p0 $0xFFFFFD80  }
.LBB2_1:
0x61: {  	[smem:$0x7FD] =	sst s9  }
0x62: {  	s0 =	simm.s32 $0x0;
	s1 =	rddreg [dreg:$0xd]  }
0x63: {  	[tilespmem:s0], [sflag:$0xB] =	stream.linear.gather [hbm4b:s1+s0], $0x4E20, $0x38;
	[tilespmem:$0x1FEA0] =	vst v63  }
0x64: {  	_ =	swait.ge [sflag:s2], $0x4E20  }
0x65: {  	[sflag:s2] =	ssyncset.done $0x0  }
0x66: {  	s28 =	simm.s32 $0x4E20;
	s26 =	rddreg [dreg:$0xe];
	[sflag:s2] =	ssyncadd.s32 $0xFFFFB1E0  }
0x67: {  	[tilespmem:s28], [sflag:$0xB] =	stream.linear.gather [hbm4b:s26+s0], $0x4E20, $0x38;
	[tilespmem:$0x1FEA0] =	vst v63  }
0x68: {  	_ =	swait.ge [sflag:s2], $0x4E20  }
0x69: {  	[sflag:s2] =	ssyncset.done $0x0  }
0x6a: {  	s29 =	rddreg [dreg:$0x4];
	[sflag:s2] =	ssyncadd.s32 $0xFFFFB1E0  }
0x6b: {  	[tilespmem:s3], [sflag:$0xB] =	stream.linear.gather [hbm4b:s29+s0], $0x4E20, $0x38;
	[tilespmem:$0x1FEA0] =	vst v63  }
0x6c: {  	_ =	swait.ge [sflag:s2], $0x4E20  }
0x6d: {  	[sflag:s2] =	ssyncset.done $0x0  }
0x6e: {  	[sflag:s2] =	ssyncadd.s32 $0xFFFFB1E0  }
0x6f: {  	[tilespmem:s5], [sflag:$0x1] =	stream.indirect.gather [hbm4b:s15+s4], $0x40, s0, s4, $0xb8;
	[tilespmem:$0x1FEA0] =	vst v63  }
0x70: {  	_ = 	snop  }
0x71: {  	[tilespmem:s6], [sflag:$0x2] =	stream.indirect.gather [hbm4b:s15+s4], $0x40, s4, s4, $0xb8;
	[tilespmem:$0x1FEA0] =	vst v63  }
0x72: {  	s30 =	simm.s32 $0xA0  }
0x73: {  	[tilespmem:s7], [sflag:$0x3] =	stream.indirect.gather [hbm4b:s15+s4], $0x40, s30, s4, $0xb8;
	[tilespmem:$0x1FEA0] =	vst v63  }
0x74: {  	s31 =	simm.s32 $0xF0;
	s1 =	simm.s32 $0x100;
	s0 =	simm.s32 $0x0  }
0x75: {  	[tilespmem:s8], [sflag:$0x4] =	stream.indirect.gather [hbm4b:s15+s4], $0x40, s31, s4, $0xb8;
	[tilespmem:$0x1FEA0] =	vst v63  }
.LBB2_2:
0x76: {  	p1 =	sne.s32 s1, $0x4F00;
	[tilespmem:s0+$0x14E90] =	vst v0;
	s9 =	smov.u32 s1;
	s1 =	sadd.s32 $0x100, s1  }
.Ltmp2:
0x77: {  	[tilespmem:s0+$0x14E80] =	vst v0;
	(pc) =	sbr.rel @p1 .LBB2_2-.Ltmp2, $3  }
0x78: {  	[tilespmem:s0+$0x14E60] =	vst v0  }
0x79: {  	[tilespmem:s0+$0x14E70] =	vst v0;
	_ =	sdelay $0x1  }
0x7a: {  	s0 =	sshra.s32 s9, $0x2  }
0x7b: {  	[tilespmem:s0+$0x14E90] =	vst v0  }
0x7c: {  	[tilespmem:s0+$0x14E80] =	vst v0  }
0x7d: {  	[tilespmem:s0+$0x14E60] =	vst v0  }
0x7e: {  	[tilespmem:s0+$0x14E70] =	vst v0;
	s23 =	rddreg [dreg:$0x10];
	s1 =	simm.s32 $0x14E60  }
0x7f: {  	[spmem:s23] =	stream.linear.scatter [tilespmem:s1], [sflag:$0xB], $0x1400, $0x38;
	[tilespmem:$0x1FEA0] =	vst v63  }
0x80: {  	_ =	swait.ge [sflag:s2], $0x1400  }
0x81: {  	[sflag:s2] =	ssyncset.done $0x0  }
0x82: {  	s24 =	rddreg [dreg:$0x11];
	[sflag:s2] =	ssyncadd.s32 $0xFFFFEC00  }
0x83: {  	[spmem:s24] =	stream.linear.scatter [tilespmem:s1], [sflag:$0xB], $0x1400, $0x38;
	[tilespmem:$0x1FEA0] =	vst v63  }
0x84: {  	_ =	swait.ge [sflag:s2], $0x1400  }
0x85: {  	[sflag:s2] =	ssyncset.done $0x0  }
0x86: {  	s26 =	rddreg [dreg:$0x12];
	[sflag:s2] =	ssyncadd.s32 $0xFFFFEC00  }
0x87: {  	[spmem:s26] =	stream.linear.scatter [tilespmem:s1], [sflag:$0xB], $0x1400, $0x38;
	[tilespmem:$0x1FEA0] =	vst v63  }
0x88: {  	_ =	swait.ge [sflag:s2], $0x1400  }
0x89: {  	[sflag:s2] =	ssyncset.done $0x0  }
0x8a: {  	s28 =	rddreg [dreg:$0x13];
	[sflag:s2] =	ssyncadd.s32 $0xFFFFEC00  }
0x8b: {  	[spmem:s28] =	stream.linear.scatter [tilespmem:s1], [sflag:$0xB], $0x1400, $0x38;
	[tilespmem:$0x1FEA0] =	vst v63  }
0x8c: {  	_ =	swait.ge [sflag:s2], $0x1400  }
0x8d: {  	[sflag:s2] =	ssyncset.done $0x0  }
0x8e: {  	s29 =	rddreg [dreg:$0x14];
	[sflag:s2] =	ssyncadd.s32 $0xFFFFEC00  }
0x8f: {  	[spmem:s29] =	stream.linear.scatter [tilespmem:s1], [sflag:$0xB], $0x1400, $0x38;
	[tilespmem:$0x1FEA0] =	vst v63  }
0x90: {  	_ =	swait.ge [sflag:s2], $0x1400  }
0x91: {  	[sflag:s2] =	ssyncset.done $0x0  }
0x92: {  	s30 =	rddreg [dreg:$0x15];
	[sflag:s2] =	ssyncadd.s32 $0xFFFFEC00  }
0x93: {  	[spmem:s30] =	stream.linear.scatter [tilespmem:s1], [sflag:$0xB], $0x1400, $0x38;
	[tilespmem:$0x1FEA0] =	vst v63  }
0x94: {  	_ =	swait.ge [sflag:s2], $0x1400  }
0x95: {  	[sflag:s2] =	ssyncset.done $0x0  }
0x96: {  	s31 =	rddreg [dreg:$0x16];
	[sflag:s2] =	ssyncadd.s32 $0xFFFFEC00  }
0x97: {  	[spmem:s31] =	stream.linear.scatter [tilespmem:s1], [sflag:$0xB], $0x1400, $0x38;
	[tilespmem:$0x1FEA0] =	vst v63  }
0x98: {  	_ =	swait.ge [sflag:s2], $0x1400  }
0x99: {  	[sflag:s2] =	ssyncset.done $0x0  }
0x9a: {  	s0 =	simm.s32 @!p0 $0x14E60;
	s1 =	rddreg [dreg:$0x17];
	[sflag:s2] =	ssyncadd.s32 $0xFFFFEC00  }
0x9b: {  	[spmem:s1] =	stream.linear.scatter @!p0 [tilespmem:s0], [sflag:$0xB], $0x1400, $0x38;
	[tilespmem:$0x1FEA0] =	vst v63  }
0x9c: {  	s0 =	simm.s32 @!p0 $0xB  }
0x9d: {  	_ =	swait.ge @!p0 [sflag:s0], $0x1400  }
0x9e: {  	[sflag:s0] =	ssyncset.done @!p0 $0x0  }
0x9f: {  	[sflag:s0] =	ssyncadd.s32 @!p0 $0xFFFFEC00  }
0xa0: {  	s26 =	simm.s32 $0x0;
	[bflag:$0x0] =	sbarrier.arrive $0xFFFF  }
.LBB2_4:
0xa1: {  	s30 =	smul.u32 $0x5, s26;
	v10 =	vmov s25;
	s0 =	simm.s32 $0x1;
	s1 =	simm.s32 $0x2  }
0xa2: {  	s29 =	simm.s32 $0x4;
	s9 =	simm.s32 $0x5;
	v10 =	vshrl.u32 v10, $0x3;
	v11 =	vmov s0;
	v12 =	vmov s1  }
0xa3: {  	v14 =	vmov s29;
	v15 =	vmov s9;
	v2 =	vmov s30  }
0xa4: {  	v10 =	vshll.u32 v10, v1;
	v11 =	vshrl.u32 v11, $0x3;
	v12 =	vshrl.u32 v12, $0x3  }
0xa5: {  	v14 =	vshrl.u32 v14, $0x3;
	v15 =	vshrl.u32 v15, $0x3;
	v3 =	vmul.u32 $0x50, v2  }
0xa6: {  	v11 =	vshll.u32 v11, v1;
	v12 =	vshll.u32 v12, v1;
	v14 =	vshll.u32 v14, v1  }
0xa7: {  	v15 =	vshll.u32 v15, v1;
	v4 =	vor.u32 $0x1, v3;
	v10 =	vadd.s32 v3, v10  }
0xa8: {  	v5 =	vor.u32 $0x2, v3;
	v10 =	vbroadcast v10, $0x0;
	v11 =	vadd.s32 v11, v4  }
0xa9: {  	v7 =	vor.u32 $0x4, v3;
	v12 =	vadd.s32 v12, v5;
	v11 =	vbroadcast v11, $0x0  }
0xaa: {  	s31 =	simm.s32 $0x6;
	_ =	swait.ge [sflag:s12], $0x1400;
	v8 =	vor.u32 $0x5, v3;
	v14 =	vadd.s32 v14, v7;
	v12 =	vbroadcast v12, $0x0  }
0xab: {  	v16 =	vmov s31;
	s1 =	simm.s32 $0x7;
	[sflag:s12] =	ssyncset.done $0x0;
	v15 =	vadd.s32 v15, v8;
	v14 =	vbroadcast v14, $0x0  }
0xac: {  	s0 =	simm.s32 $0xEB60;
	v16 =	vshrl.u32 v16, $0x3;
	v17 =	vmov s1;
	[sflag:s12] =	ssyncadd.s32 $0xFFFFEC00;
	v15 =	vbroadcast v15, $0x0  }
0xad: {  	v16 =	vshll.u32 v16, v1;
	v17 =	vshrl.u32 v17, $0x3;
	v21 =	vld [tilespmem:s0+$0xFFFFFF20];
	v9 =	vor.u32 $0x6, v3  }
0xae: {  	v17 =	vshll.u32 v17, v1;
	v2 =	vor.u32 $0x7, v3;
	v16 =	vadd.s32 v16, v9;
	v18 =	vld.idx.msk [tilespmem:v10+s3+$0x0], $0xffff  }
0xaf: {  	v10 =	vbroadcast v16, $0x0;
	v16 =	vadd.s32 v17, v2;
	v17 =	vld.idx.msk [tilespmem:v11+s3+$0x0], $0xffff  }
0xb0: {  	v16 =	vbroadcast v16, $0x0;
	v19 =	vld.idx.msk [tilespmem:v12+s3+$0x0], $0xffff  }
0xb1: {  	s28 =	simm.s32 $0x3;
	v20 =	vld.idx.msk [tilespmem:v14+s3+$0x0], $0xffff  }
0xb2: {  	v13 =	vmov s28;
	v12 =	vld.idx.msk [tilespmem:v15+s3+$0x0], $0xffff  }
0xb3: {  	v13 =	vshrl.u32 v13, $0x3;
	v14 =	vld [tilespmem:s0+$0xF0]  }
0xb4: {  	v13 =	vshll.u32 v13, v1;
	v6 =	vor.u32 $0x3, v3;
	v15 =	vld [tilespmem:s0+$0xFFFFFF00]  }
0xb5: {  	v13 =	vadd.s32 v13, v6;
	v11 =	vld.idx.msk [tilespmem:v10+s3+$0x0], $0xffff  }
0xb6: {  	v13 =	vbroadcast v13, $0x0;
	v10 =	vld.idx.msk [tilespmem:v16+s3+$0x0], $0xffff  }
0xb7: {  	v16 =	vld [tilespmem:s0+$0xFFFFFF10]  }
0xb8: {  	v22 =	vld [tilespmem:s0+$0xFFFFFF30]  }
0xb9: {  	v23 =	vld [tilespmem:s0+$0xFFFFFF40]  }
0xba: {  	v24 =	vld [tilespmem:s0+$0xFFFFFF50];
	v15 =	vmul.f32 v15, v18  }
0xbb: {  	v25 =	vld [tilespmem:s0+$0xFFFFFF60];
	v14 =	vmul.f32 v14, v10  }
0xbc: {  	v13 =	vld.idx.msk [tilespmem:v13+s3+$0x0], $0xffff;
	[tilespmem:s0+$0xFFFFFF00] =	vst v15;
	v16 =	vmul.f32 v16, v18  }
0xbd: {  	v15 =	vld [tilespmem:s0+$0xFFFFFF70];
	[tilespmem:s0+$0xF0] =	vst v14;
	v14 =	vmul.f32 v21, v18  }
0xbe: {  	[tilespmem:s0+$0xFFFFFF10] =	vst v16;
	v16 =	vmul.f32 v22, v18;
	v18 =	vld [tilespmem:s0+$0xFFFFFF80]  }
0xbf: {  	v21 =	vld [tilespmem:s0+$0xFFFFFF90];
	[tilespmem:s0+$0xFFFFFF20] =	vst v14;
	v14 =	vmul.f32 v23, v17  }
0xc0: {  	v22 =	vld [tilespmem:s0+$0xFFFFFFA0];
	[tilespmem:s0+$0xFFFFFF30] =	vst v16;
	v16 =	vmul.f32 v24, v17  }
0xc1: {  	s24 =	simm.s32 $0xB;
	v23 =	vld [tilespmem:s0+$0xFFFFFFB0];
	[tilespmem:s0+$0xFFFFFF40] =	vst v14;
	v14 =	vmul.f32 v25, v17  }
0xc2: {  	v26 =	vmov s24;
	s28 =	simm.s32 $0xC;
	s29 =	simm.s32 $0xD;
	v15 =	vmul.f32 v15, v17;
	[tilespmem:s0+$0xFFFFFF50] =	vst v16;
	v16 =	vld [tilespmem:s0+$0xFFFFFFC0]  }
0xc3: {  	s9 =	simm.s32 $0x8;
	s31 =	simm.s32 $0xE;
	v27 =	vmov s28;
	v28 =	vmov s29;
	[tilespmem:s0+$0xFFFFFF60] =	vst v14;
	v14 =	vmul.f32 v18, v19;
	v18 =	vld [tilespmem:s0+$0xFFFFFFD0]  }
0xc4: {  	v29 =	vmov s31;
	[tilespmem:s0+$0xFFFFFF70] =	vst v15;
	v24 =	vmov s9;
	v15 =	vmul.f32 v21, v19;
	v21 =	vld [tilespmem:s0+$0xFFFFFFE0]  }
0xc5: {  	s11 =	simm.s32 $0x9;
	v62 =	vshrl.u32 v29, $0x3;
	v17 =	vshrl.u32 v24, $0x3;
	[tilespmem:s0+$0xFFFFFF80] =	vst v14;
	v14 =	vmul.f32 v22, v19;
	v22 =	vld [tilespmem:s0+$0xFFFFFFF0]  }
0xc6: {  	s23 =	simm.s32 $0xA;
	v24 =	vmov s11;
	v17 =	vshll.u32 v17, v1;
	[tilespmem:s0+$0xFFFFFF90] =	vst v15;
	v15 =	vmul.f32 v23, v19;
	v19 =	vld [tilespmem:s0+$0x0]  }
0xc7: {  	v25 =	vmov s23;
	v17 =	vadd.s32 v3, v17;
	[tilespmem:s0+$0xFFFFFFA0] =	vst v14;
	v14 =	vmul.f32 v16, v13;
	v16 =	vld [tilespmem:s0+$0x10]  }
0xc8: {  	v23 =	vshrl.u32 v24, $0x3;
	v24 =	vshrl.u32 v25, $0x3;
	[tilespmem:s0+$0xFFFFFFB0] =	vst v15;
	v15 =	vmul.f32 v18, v13;
	v18 =	vld [tilespmem:s0+$0x20]  }
0xc9: {  	v25 =	vshrl.u32 v26, $0x3;
	v26 =	vshrl.u32 v27, $0x3;
	[tilespmem:s0+$0xFFFFFFC0] =	vst v14;
	v14 =	vmul.f32 v21, v13;
	v21 =	vld [tilespmem:s0+$0x30]  }
0xca: {  	v27 =	vshrl.u32 v28, $0x3;
	v28 =	vshll.u32 v62, v1;
	[tilespmem:s0+$0xFFFFFFD0] =	vst v15;
	v13 =	vmul.f32 v22, v13;
	v22 =	vld [tilespmem:s0+$0x40]  }
0xcb: {  	v23 =	vshll.u32 v23, v1;
	v24 =	vshll.u32 v24, v1;
	v15 =	vmul.f32 v19, v20;
	v19 =	vld [tilespmem:s0+$0x50];
	[tilespmem:s0+$0xFFFFFFE0] =	vst v14  }
0xcc: {  	v63 =	vld [tilespmem:s0+$0x60];
	v25 =	vshll.u32 v25, v1;
	v26 =	vshll.u32 v26, v1;
	[tilespmem:s0+$0xFFFFFFF0] =	vst v13;
	v13 =	vmul.f32 v16, v20  }
0xcd: {  	v27 =	vshll.u32 v27, v1;
	v25 =	vadd.s32 v25, v6;
	[tilespmem:s0+$0x0] =	vst v15;
	v15 =	vld [tilespmem:s0+$0x70];
	v16 =	vmul.f32 v18, v20  }
0xce: {  	v14 =	vbroadcast v17, $0x0;
	v17 =	vadd.s32 v23, v4;
	[tilespmem:s0+$0x10] =	vst v13;
	v20 =	vmul.f32 v21, v20;
	v13 =	vld [tilespmem:s0+$0x80]  }
0xcf: {  	v23 =	vadd.s32 v24, v5;
	v21 =	vadd.s32 v26, v7;
	[tilespmem:s0+$0x20] =	vst v16;
	v26 =	vmul.f32 v22, v12;
	v16 =	vld [tilespmem:s0+$0x90]  }
0xd0: {  	v18 =	vbroadcast v17, $0x0;
	v17 =	vld [tilespmem:s0+$0xA0];
	v22 =	vadd.s32 v27, v8;
	v24 =	vmul.f32 v19, v12;
	[tilespmem:s0+$0x30] =	vst v20  }
0xd1: {  	s1 =	simm.s32 $0xF;
	s9 =	simm.s32 $0x10;
	v19 =	vld [tilespmem:s0+$0xB0];
	v20 =	vbroadcast v23, $0x0;
	v23 =	vadd.s32 v28, v9;
	[tilespmem:s0+$0x40] =	vst v26;
	v26 =	vmul.f32 v63, v12  }
.LBB2_5:
0xd2: {  	p1 =	slt.u32 s9, $0x48;
	v25 =	vbroadcast v25, $0x0;
	v27 =	vmov s1;
	[tilespmem:s0+$0x50] =	vst v24;
	v12 =	vmul.f32 v15, v12;
	v15 =	vld [tilespmem:s0+$0xC0]  }
0xd3: {  	v21 =	vbroadcast v21, $0x0;
	v24 =	vshrl.u32 v27, $0x3;
	[tilespmem:s0+$0x60] =	vst v26;
	v13 =	vmul.f32 v13, v11;
	v26 =	vld [tilespmem:s0+$0xD0]  }
0xd4: {  	v22 =	vbroadcast v22, $0x0;
	v24 =	vshll.u32 v24, v1;
	[tilespmem:s0+$0x70] =	vst v12;
	v12 =	vmul.f32 v16, v11;
	v16 =	vld [tilespmem:s0+$0xE0]  }
0xd5: {  	v23 =	vbroadcast v23, $0x0;
	v14 =	vld.idx.msk [tilespmem:v14+s3+$0x0], $0xffff;
	v24 =	vadd.s32 v24, v2;
	[tilespmem:s0+$0x80] =	vst v13;
	v13 =	vmul.f32 v17, v11  }
0xd6: {  	v17 =	vld.idx.msk [tilespmem:v18+s3+$0x0], $0xffff;
	v18 =	vbroadcast v24, $0x0;
	[tilespmem:s0+$0x90] =	vst v12;
	v11 =	vmul.f32 v19, v11  }
0xd7: {  	v19 =	vld.idx.msk [tilespmem:v20+s3+$0x0], $0xffff;
	[tilespmem:s0+$0xA0] =	vst v13;
	v12 =	vmul.f32 v15, v10  }
0xd8: {  	v15 =	vld.idx.msk [tilespmem:v25+s3+$0x0], $0xffff;
	[tilespmem:s0+$0xB0] =	vst v11;
	v11 =	vmul.f32 v26, v10  }
0xd9: {  	v13 =	vld.idx.msk [tilespmem:v21+s3+$0x0], $0xffff;
	[tilespmem:s0+$0xC0] =	vst v12;
	v10 =	vmul.f32 v16, v10  }
0xda: {  	v12 =	vld.idx.msk [tilespmem:v22+s3+$0x0], $0xffff;
	[tilespmem:s0+$0xD0] =	vst v11  }
0xdb: {  	v11 =	vld.idx.msk [tilespmem:v23+s3+$0x0], $0xffff;
	[tilespmem:s0+$0xE0] =	vst v10  }
0xdc: {  	s0 =	sadd.s32 $0x200, s0;
	v10 =	vld.idx.msk [tilespmem:v18+s3+$0x0], $0xffff  }
0xdd: {  	v16 =	vld [tilespmem:s0+$0xF0]  }
0xde: {  	v18 =	vld [tilespmem:s0+$0xFFFFFF00]  }
0xdf: {  	v20 =	vld [tilespmem:s0+$0xFFFFFF10]  }
0xe0: {  	v21 =	vld [tilespmem:s0+$0xFFFFFF20]  }
0xe1: {  	v22 =	vld [tilespmem:s0+$0xFFFFFF30]  }
0xe2: {  	v23 =	vld [tilespmem:s0+$0xFFFFFF40];
	v16 =	vmul.f32 v16, v10  }
0xe3: {  	v18 =	vmul.f32 v18, v14;
	v24 =	vld [tilespmem:s0+$0xFFFFFF50]  }
0xe4: {  	v20 =	vmul.f32 v20, v14;
	v25 =	vld [tilespmem:s0+$0xFFFFFF60];
	[tilespmem:s0+$0xF0] =	vst v16  }
0xe5: {  	[tilespmem:s0+$0xFFFFFF00] =	vst v18;
	v16 =	vmul.f32 v21, v14;
	v18 =	vld [tilespmem:s0+$0xFFFFFF70]  }
0xe6: {  	[tilespmem:s0+$0xFFFFFF10] =	vst v20;
	v14 =	vmul.f32 v22, v14;
	v20 =	vld [tilespmem:s0+$0xFFFFFF80]  }
0xe7: {  	[tilespmem:s0+$0xFFFFFF20] =	vst v16;
	v16 =	vmul.f32 v23, v17;
	v21 =	vld [tilespmem:s0+$0xFFFFFF90]  }
0xe8: {  	[tilespmem:s0+$0xFFFFFF30] =	vst v14;
	v14 =	vmul.f32 v24, v17;
	v22 =	vld [tilespmem:s0+$0xFFFFFFA0]  }
0xe9: {  	[tilespmem:s0+$0xFFFFFF40] =	vst v16;
	v16 =	vmul.f32 v25, v17;
	v23 =	vld [tilespmem:s0+$0xFFFFFFB0]  }
0xea: {  	s1 =	sadd.s32 $0x1, s9;
	v24 =	vmov s9;
	[tilespmem:s0+$0xFFFFFF50] =	vst v14;
	v14 =	vmul.f32 v18, v17;
	v17 =	vld [tilespmem:s0+$0xFFFFFFC0]  }
0xeb: {  	s11 =	sadd.s32 $0x3, s9;
	v18 =	vshrl.u32 v24, $0x3;
	v24 =	vmov s1;
	s1 =	sadd.s32 $0x2, s9;
	[tilespmem:s0+$0xFFFFFF60] =	vst v16;
	v16 =	vmul.f32 v20, v19;
	v20 =	vld [tilespmem:s0+$0xFFFFFFD0]  }
0xec: {  	v26 =	vmov s11;
	s11 =	sadd.s32 $0x5, s9;
	v25 =	vmov s1;
	s1 =	sadd.s32 $0x4, s9;
	[tilespmem:s0+$0xFFFFFF70] =	vst v14;
	v14 =	vmul.f32 v21, v19;
	v21 =	vld [tilespmem:s0+$0xFFFFFFE0]  }
0xed: {  	v28 =	vmov s11;
	v27 =	vmov s1;
	s1 =	sadd.s32 $0x6, s9;
	[tilespmem:s0+$0xFFFFFF80] =	vst v16;
	v16 =	vmul.f32 v22, v19;
	v22 =	vld [tilespmem:s0+$0xFFFFFFF0]  }
0xee: {  	v18 =	vshll.u32 v18, v1;
	v29 =	vmov s1;
	[tilespmem:s0+$0xFFFFFF90] =	vst v14;
	v14 =	vmul.f32 v23, v19;
	v19 =	vld [tilespmem:s0+$0x0]  }
0xef: {  	v23 =	vshrl.u32 v24, $0x3;
	v24 =	vshrl.u32 v25, $0x3;
	[tilespmem:s0+$0xFFFFFFA0] =	vst v16;
	v16 =	vmul.f32 v17, v15;
	v17 =	vld [tilespmem:s0+$0x10]  }
0xf0: {  	v25 =	vshrl.u32 v26, $0x3;
	v26 =	vshrl.u32 v27, $0x3;
	[tilespmem:s0+$0xFFFFFFB0] =	vst v14;
	v14 =	vmul.f32 v20, v15;
	v20 =	vld [tilespmem:s0+$0x20]  }
0xf1: {  	v27 =	vshrl.u32 v28, $0x3;
	v28 =	vshrl.u32 v29, $0x3;
	[tilespmem:s0+$0xFFFFFFC0] =	vst v16;
	v16 =	vmul.f32 v21, v15;
	v21 =	vld [tilespmem:s0+$0x30]  }
0xf2: {  	v18 =	vadd.s32 v3, v18;
	v23 =	vshll.u32 v23, v1;
	[tilespmem:s0+$0xFFFFFFD0] =	vst v14;
	v14 =	vmul.f32 v22, v15;
	v22 =	vld [tilespmem:s0+$0x40]  }
0xf3: {  	v24 =	vshll.u32 v24, v1;
	v25 =	vshll.u32 v25, v1;
	[tilespmem:s0+$0xFFFFFFE0] =	vst v16;
	v15 =	vmul.f32 v19, v13;
	v19 =	vld [tilespmem:s0+$0x50]  }
0xf4: {  	v16 =	vshll.u32 v26, v1;
	v26 =	vshll.u32 v27, v1;
	[tilespmem:s0+$0xFFFFFFF0] =	vst v14;
	v17 =	vmul.f32 v17, v13;
	v27 =	vld [tilespmem:s0+$0x60]  }
.Ltmp3:
0xf5: {  	v28 =	vshll.u32 v28, v1;
	v14 =	vbroadcast v18, $0x0;
	[tilespmem:s0+$0x0] =	vst v15;
	v18 =	vmul.f32 v20, v13;
	v15 =	vld [tilespmem:s0+$0x70];
	(pc) =	sbr.rel @p1 .LBB2_5-.Ltmp3, $4  }
0xf6: {  	v20 =	vadd.s32 v23, v4;
	v23 =	vadd.s32 v24, v5;
	[tilespmem:s0+$0x10] =	vst v17;
	v17 =	vmul.f32 v21, v13;
	v13 =	vld [tilespmem:s0+$0x80]  }
0xf7: {  	v25 =	vadd.s32 v25, v6;
	v21 =	vadd.s32 v16, v7;
	[tilespmem:s0+$0x20] =	vst v18;
	v29 =	vmul.f32 v22, v12;
	v16 =	vld [tilespmem:s0+$0x90]  }
0xf8: {  	v18 =	vbroadcast v20, $0x0;
	v22 =	vadd.s32 v26, v8;
	[tilespmem:s0+$0x30] =	vst v17;
	v24 =	vmul.f32 v19, v12;
	v17 =	vld [tilespmem:s0+$0xA0]  }
0xf9: {  	s1 =	sadd.s32 $0x7, s9;
	s9 =	sadd.s32 $0x8, s9;
	v20 =	vbroadcast v23, $0x0;
	v23 =	vadd.s32 v28, v9;
	[tilespmem:s0+$0x40] =	vst v29;
	v26 =	vmul.f32 v27, v12;
	v19 =	vld [tilespmem:s0+$0xB0]  }
0xfa: {  	_ = 	snop  }
0xfb: {  	v5 =	vld [tilespmem:s0+$0xC0]  }
0xfc: {  	v7 =	vld [tilespmem:s0+$0xD0]  }
0xfd: {  	v4 =	vmov s1;
	v9 =	vld [tilespmem:s0+$0xE0];
	v12 =	vmul.f32 v15, v12  }
0xfe: {  	v3 =	vbroadcast v25, $0x0;
	v6 =	vbroadcast v21, $0x0;
	v14 =	vld.idx.msk [tilespmem:v14+s3+$0x0], $0xffff;
	s24 =	sadd.s32 $0x200, s0;
	v4 =	vshrl.u32 v4, $0x3  }
0xff: {  	v13 =	vmul.f32 v13, v11;
	v4 =	vshll.u32 v4, v1;
	[tilespmem:s0+$0x70] =	vst v12;
	v12 =	vmul.f32 v16, v11;
	v16 =	vld [tilespmem:s24+$0xF0]  }
0x100: {  	v8 =	vbroadcast v22, $0x0;
	v2 =	vadd.s32 v4, v2;
	v4 =	vld.idx.msk [tilespmem:v18+s3+$0x0], $0xffff  }
0x101: {  	v18 =	vld.idx.msk [tilespmem:v20+s3+$0x0], $0xffff;
	[tilespmem:s0+$0x80] =	vst v13;
	v13 =	vmul.f32 v17, v11;
	v2 =	vbroadcast v2, $0x0  }
0x102: {  	v21 =	vbroadcast v23, $0x0;
	[tilespmem:s0+$0x90] =	vst v12;
	v12 =	vld [tilespmem:s24+$0xFFFFFF00]  }
0x103: {  	[tilespmem:s0+$0xA0] =	vst v13;
	v13 =	vld [tilespmem:s24+$0xFFFFFF10]  }
0x104: {  	v3 =	vld.idx.msk [tilespmem:v3+s3+$0x0], $0xffff  }
0x105: {  	v6 =	vld.idx.msk [tilespmem:v6+s3+$0x0], $0xffff  }
0x106: {  	v11 =	vmul.f32 v19, v11;
	v8 =	vld.idx.msk [tilespmem:v8+s3+$0x0], $0xffff  }
0x107: {  	[tilespmem:s0+$0x50] =	vst v24;
	v5 =	vmul.f32 v5, v10;
	v2 =	vld.idx.msk [tilespmem:v2+s3+$0x0], $0xffff  }
0x108: {  	v7 =	vmul.f32 v7, v10;
	v15 =	vld.idx.msk [tilespmem:v21+s3+$0x0], $0xffff;
	[tilespmem:s0+$0xB0] =	vst v11  }
0x109: {  	v11 =	vld [tilespmem:s24+$0xFFFFFF20];
	[tilespmem:s0+$0xC0] =	vst v5;
	v5 =	vmul.f32 v9, v10  }
0x10a: {  	v9 =	vld [tilespmem:s24+$0xFFFFFF30];
	[tilespmem:s0+$0xD0] =	vst v7  }
0x10b: {  	v7 =	vld [tilespmem:s24+$0xFFFFFF40];
	[tilespmem:s0+$0xE0] =	vst v5;
	v5 =	vmul.f32 v12, v14  }
0x10c: {  	[tilespmem:s0+$0x60] =	vst v26;
	v12 =	vld [tilespmem:s24+$0xFFFFFF50];
	v10 =	vmul.f32 v16, v2  }
0x10d: {  	v13 =	vmul.f32 v13, v14;
	[tilespmem:s24+$0xFFFFFF00] =	vst v5;
	v16 =	vld [tilespmem:s24+$0xFFFFFF60]  }
0x10e: {  	v5 =	vmul.f32 v11, v14;
	[tilespmem:s24+$0xF0] =	vst v10;
	v10 =	vld [tilespmem:s24+$0xFFFFFF70]  }
0x10f: {  	v11 =	vld [tilespmem:s24+$0xFFFFFF80];
	[tilespmem:s24+$0xFFFFFF10] =	vst v13;
	v9 =	vmul.f32 v9, v14  }
0x110: {  	[tilespmem:s24+$0xFFFFFF20] =	vst v5;
	v5 =	vmul.f32 v7, v4;
	v7 =	vld [tilespmem:s24+$0xFFFFFF90]  }
0x111: {  	[tilespmem:s24+$0xFFFFFF30] =	vst v9;
	v9 =	vmul.f32 v12, v4;
	v12 =	vld [tilespmem:s24+$0xFFFFFFA0]  }
0x112: {  	v13 =	vld [tilespmem:s24+$0xFFFFFFB0];
	[tilespmem:s24+$0xFFFFFF40] =	vst v5;
	v5 =	vmul.f32 v16, v4  }
0x113: {  	[tilespmem:s24+$0xFFFFFF50] =	vst v9;
	v9 =	vld [tilespmem:s24+$0xFFFFFFC0];
	v4 =	vmul.f32 v10, v4  }
0x114: {  	[tilespmem:s24+$0xFFFFFF60] =	vst v5;
	v5 =	vmul.f32 v11, v18;
	v10 =	vld [tilespmem:s24+$0xFFFFFFD0]  }
0x115: {  	[tilespmem:s24+$0xFFFFFF70] =	vst v4;
	v4 =	vmul.f32 v7, v18;
	v7 =	vld [tilespmem:s24+$0xFFFFFFE0]  }
0x116: {  	v11 =	vld [tilespmem:s24+$0xFFFFFFF0];
	[tilespmem:s24+$0xFFFFFF80] =	vst v5;
	v5 =	vmul.f32 v12, v18  }
0x117: {  	v12 =	vld [tilespmem:s24+$0x0];
	[tilespmem:s24+$0xFFFFFF90] =	vst v4;
	v4 =	vmul.f32 v13, v18  }
0x118: {  	[tilespmem:s24+$0xFFFFFFA0] =	vst v5;
	v5 =	vmul.f32 v9, v3;
	v9 =	vld [tilespmem:s24+$0x10]  }
0x119: {  	[tilespmem:s24+$0xFFFFFFB0] =	vst v4;
	v4 =	vmul.f32 v10, v3;
	v10 =	vld [tilespmem:s24+$0x20]  }
0x11a: {  	[tilespmem:s24+$0xFFFFFFC0] =	vst v5;
	v5 =	vmul.f32 v7, v3;
	v7 =	vld [tilespmem:s24+$0x30]  }
0x11b: {  	v3 =	vmul.f32 v11, v3;
	[tilespmem:s24+$0xFFFFFFD0] =	vst v4;
	v4 =	vld [tilespmem:s24+$0x40]  }
0x11c: {  	v11 =	vld [tilespmem:s24+$0x50];
	[tilespmem:s24+$0xFFFFFFE0] =	vst v5;
	v5 =	vmul.f32 v12, v6  }
0x11d: {  	[tilespmem:s24+$0xFFFFFFF0] =	vst v3;
	v3 =	vmul.f32 v9, v6;
	v9 =	vld [tilespmem:s24+$0x60]  }
0x11e: {  	[tilespmem:s24+$0x0] =	vst v5;
	v5 =	vmul.f32 v10, v6;
	v10 =	vld [tilespmem:s24+$0x70]  }
0x11f: {  	[tilespmem:s24+$0x10] =	vst v3;
	v3 =	vmul.f32 v7, v6;
	v6 =	vld [tilespmem:s24+$0x80]  }
0x120: {  	[tilespmem:s24+$0x20] =	vst v5;
	v4 =	vmul.f32 v4, v8;
	v5 =	vld [tilespmem:s24+$0x90]  }
0x121: {  	v7 =	vld [tilespmem:s24+$0xA0];
	[tilespmem:s24+$0x30] =	vst v3;
	v3 =	vmul.f32 v11, v8  }
0x122: {  	[tilespmem:s24+$0x40] =	vst v4;
	v4 =	vmul.f32 v9, v8;
	v9 =	vld [tilespmem:s24+$0xB0]  }
0x123: {  	[tilespmem:s24+$0x50] =	vst v3;
	v3 =	vmul.f32 v10, v8;
	v8 =	vld [tilespmem:s24+$0xC0]  }
0x124: {  	[tilespmem:s24+$0x60] =	vst v4;
	v4 =	vmul.f32 v6, v15;
	v6 =	vld [tilespmem:s24+$0xD0]  }
0x125: {  	[tilespmem:s24+$0x70] =	vst v3;
	v3 =	vmul.f32 v5, v15  }
0x126: {  	v5 =	vld [tilespmem:s24+$0xE0];
	[tilespmem:s24+$0x80] =	vst v4;
	v4 =	vmul.f32 v7, v15  }
0x127: {  	[tilespmem:s24+$0x90] =	vst v3;
	v3 =	vmul.f32 v9, v15  }
0x128: {  	s0 =	simm.s32 $0x3;
	[tilespmem:s24+$0xA0] =	vst v4;
	v4 =	vmul.f32 v8, v2  }
0x129: {  	s23 =	sadd.s32 $0x1, s30;
	v13 =	vmov s0;
	[tilespmem:s24+$0xB0] =	vst v3;
	v3 =	vmul.f32 v6, v2  }
0x12a: {  	s9 =	smul.u32 $0x640, s26;
	s1 =	simm.s32 $0x1;
	v13 =	vshrl.u32 v13, $0x3;
	[tilespmem:s24+$0xC0] =	vst v4;
	v4 =	vmov s23  }
0x12b: {  	v11 =	vmov s1;
	v2 =	vmul.f32 v5, v2;
	[tilespmem:s24+$0xD0] =	vst v3;
	v3 =	vmul.u32 $0x50, v4  }
0x12c: {  	s28 =	sshra.s32 s9, $0x2;
	v13 =	vshll.u32 v13, v1;
	s1 =	simm.s32 $0x7;
	v11 =	vshrl.u32 v11, $0x3  }
0x12d: {  	s11 =	sadd.s32 $0x4E20, s28;
	v17 =	vmov s1;
	v11 =	vshll.u32 v11, v1;
	[tilespmem:s24+$0xE0] =	vst v2;
	s24 =	simm.s32 $0x0;
	v4 =	vor.u32 $0x1, v3  }
0x12e: {  	[spmem:s10] =	stream.indirect.scatter.add.f32 [tilespmem:s5], [sflag:$0x6], $0x40, s11, s4, $0xb8;
	v5 =	vor.u32 $0x2, v3;
	v6 =	vor.u32 $0x3, v3;
	v10 =	vmov s24;
	[tilespmem:$0x1FEA0] =	vst v63  }
0x12f: {  	p1 =	seq.s32 s26, $0x0;
	v7 =	vor.u32 $0x4, v3;
	v8 =	vor.u32 $0x5, v3;
	s11 =	simm.s32 $0x2;
	s24 =	simm.s32 $0x4;
	v10 =	vshrl.u32 v10, $0x3  }
0x130: {  	s31 =	sadd.s32 $0x4, s30;
	s0 =	simm.s32 @!p1 $0xA;
	v12 =	vmov s11;
	s11 =	simm.s32 $0x5;
	v14 =	vmov s24;
	v11 =	vadd.s32 v11, v4  }
0x131: {  	_ =	swait.ge @!p1 [sflag:s0], $0x1400;
	s24 =	smul.u32 $0x140, s31;
	v13 =	vadd.s32 v13, v6;
	v15 =	vmov s11;
	v10 =	vshll.u32 v10, v1  }
0x132: {  	v12 =	vshrl.u32 v12, $0x3;
	[sflag:s0] =	ssyncset.done @!p1 $0x0;
	v13 =	vbroadcast v13, $0x0;
	v10 =	vadd.s32 v3, v10  }
0x133: {  	v14 =	vshrl.u32 v14, $0x3;
	v12 =	vshll.u32 v12, v1;
	[sflag:s0] =	ssyncadd.s32 @!p1 $0xFFFFEC00;
	s29 =	sshra.s32 s24, $0x2;
	v10 =	vbroadcast v10, $0x0  }
0x134: {  	v11 =	vbroadcast v11, $0x0;
	v14 =	vshll.u32 v14, v1;
	[tilespmem:s13], [sflag:$0x5] =	stream.indirect.gather [hbm4b:s15+s4], $0x40, s29, s4, $0xb8;
	v12 =	vadd.s32 v12, v5;
	[tilespmem:$0x1FEA0] =	vst v63  }
0x135: {  	s11 =	simm.s32 $0x6;
	v15 =	vshrl.u32 v15, $0x3;
	v14 =	vadd.s32 v14, v7;
	v12 =	vbroadcast v12, $0x0;
	_ =	swait.ge [sflag:s14], $0x1400  }
0x136: {  	v16 =	vmov s11;
	v15 =	vshll.u32 v15, v1;
	v14 =	vbroadcast v14, $0x0;
	[sflag:s14] =	ssyncset.done $0x0  }
0x137: {  	v17 =	vshrl.u32 v17, $0x3;
	v16 =	vshrl.u32 v16, $0x3;
	v15 =	vadd.s32 v15, v8;
	[sflag:s14] =	ssyncadd.s32 $0xFFFFEC00  }
0x138: {  	v9 =	vor.u32 $0x6, v3;
	v16 =	vshll.u32 v16, v1;
	v15 =	vbroadcast v15, $0x0;
	v13 =	vld.idx.msk [tilespmem:v13+s3+$0x0], $0xffff  }
0x139: {  	v17 =	vshll.u32 v17, v1;
	v2 =	vor.u32 $0x7, v3;
	v16 =	vadd.s32 v16, v9;
	v18 =	vld.idx.msk [tilespmem:v10+s3+$0x0], $0xffff  }
0x13a: {  	v10 =	vbroadcast v16, $0x0;
	v16 =	vadd.s32 v17, v2;
	v17 =	vld.idx.msk [tilespmem:v11+s3+$0x0], $0xffff  }
0x13b: {  	v16 =	vbroadcast v16, $0x0;
	v19 =	vld.idx.msk [tilespmem:v12+s3+$0x0], $0xffff  }
0x13c: {  	s0 =	simm.s32 $0xFF60;
	v20 =	vld.idx.msk [tilespmem:v14+s3+$0x0], $0xffff  }
0x13d: {  	v14 =	vld [tilespmem:s0+$0xF0]  }
0x13e: {  	v12 =	vld.idx.msk [tilespmem:v15+s3+$0x0], $0xffff  }
0x13f: {  	v15 =	vld [tilespmem:s0+$0xFFFFFF00]  }
0x140: {  	v11 =	vld.idx.msk [tilespmem:v10+s3+$0x0], $0xffff  }
0x141: {  	v10 =	vld.idx.msk [tilespmem:v16+s3+$0x0], $0xffff  }
0x142: {  	v16 =	vld [tilespmem:s0+$0xFFFFFF10]  }
0x143: {  	v21 =	vld [tilespmem:s0+$0xFFFFFF20]  }
0x144: {  	v22 =	vld [tilespmem:s0+$0xFFFFFF30]  }
0x145: {  	v23 =	vld [tilespmem:s0+$0xFFFFFF40];
	v15 =	vmul.f32 v15, v18  }
0x146: {  	v24 =	vld [tilespmem:s0+$0xFFFFFF50];
	v14 =	vmul.f32 v14, v10  }
0x147: {  	v25 =	vld [tilespmem:s0+$0xFFFFFF60];
	[tilespmem:s0+$0xFFFFFF00] =	vst v15;
	v16 =	vmul.f32 v16, v18  }
0x148: {  	v15 =	vld [tilespmem:s0+$0xFFFFFF70];
	[tilespmem:s0+$0xF0] =	vst v14;
	v14 =	vmul.f32 v21, v18  }
0x149: {  	[tilespmem:s0+$0xFFFFFF10] =	vst v16;
	v16 =	vmul.f32 v22, v18;
	v18 =	vld [tilespmem:s0+$0xFFFFFF80]  }
0x14a: {  	v21 =	vld [tilespmem:s0+$0xFFFFFF90];
	[tilespmem:s0+$0xFFFFFF20] =	vst v14;
	v14 =	vmul.f32 v23, v17  }
0x14b: {  	v22 =	vld [tilespmem:s0+$0xFFFFFFA0];
	[tilespmem:s0+$0xFFFFFF30] =	vst v16;
	v16 =	vmul.f32 v24, v17  }
0x14c: {  	s11 =	simm.s32 $0x8;
	v23 =	vld [tilespmem:s0+$0xFFFFFFB0];
	[tilespmem:s0+$0xFFFFFF40] =	vst v14;
	v14 =	vmul.f32 v25, v17  }
0x14d: {  	s24 =	simm.s32 $0x9;
	v15 =	vmul.f32 v15, v17;
	v24 =	vmov s11;
	[tilespmem:s0+$0xFFFFFF50] =	vst v16;
	v16 =	vld [tilespmem:s0+$0xFFFFFFC0]  }
0x14e: {  	s11 =	simm.s32 $0xA;
	v17 =	vshrl.u32 v24, $0x3;
	v24 =	vmov s24;
	s24 =	simm.s32 $0xB;
	[tilespmem:s0+$0xFFFFFF60] =	vst v14;
	v14 =	vmul.f32 v18, v19;
	v18 =	vld [tilespmem:s0+$0xFFFFFFD0]  }
0x14f: {  	[tilespmem:s0+$0xFFFFFF70] =	vst v15;
	v25 =	vmov s11;
	s11 =	simm.s32 $0xC;
	v26 =	vmov s24;
	v15 =	vmul.f32 v21, v19;
	v21 =	vld [tilespmem:s0+$0xFFFFFFE0]  }
0x150: {  	s24 =	simm.s32 $0xD;
	v27 =	vmov s11;
	v17 =	vshll.u32 v17, v1;
	[tilespmem:s0+$0xFFFFFF80] =	vst v14;
	v14 =	vmul.f32 v22, v19;
	v22 =	vld [tilespmem:s0+$0xFFFFFFF0]  }
0x151: {  	v28 =	vmov s24;
	s24 =	simm.s32 $0xE;
	v17 =	vadd.s32 v3, v17;
	[tilespmem:s0+$0xFFFFFF90] =	vst v15;
	v15 =	vmul.f32 v23, v19;
	v19 =	vld [tilespmem:s0+$0x0]  }
0x152: {  	v29 =	vmov s24;
	v23 =	vshrl.u32 v24, $0x3;
	[tilespmem:s0+$0xFFFFFFA0] =	vst v14;
	v14 =	vmul.f32 v16, v13;
	v16 =	vld [tilespmem:s0+$0x10]  }
0x153: {  	v24 =	vshrl.u32 v25, $0x3;
	v25 =	vshrl.u32 v26, $0x3;
	[tilespmem:s0+$0xFFFFFFB0] =	vst v15;
	v15 =	vmul.f32 v18, v13;
	v18 =	vld [tilespmem:s0+$0x20]  }
0x154: {  	v26 =	vshrl.u32 v27, $0x3;
	v27 =	vshrl.u32 v28, $0x3;
	[tilespmem:s0+$0xFFFFFFC0] =	vst v14;
	v14 =	vmul.f32 v21, v13;
	v21 =	vld [tilespmem:s0+$0x30]  }
0x155: {  	v62 =	vshrl.u32 v29, $0x3;
	v23 =	vshll.u32 v23, v1;
	[tilespmem:s0+$0xFFFFFFD0] =	vst v15;
	v13 =	vmul.f32 v22, v13;
	v22 =	vld [tilespmem:s0+$0x40]  }
0x156: {  	v63 =	vld [tilespmem:s0+$0x50];
	v24 =	vshll.u32 v24, v1;
	v25 =	vshll.u32 v25, v1;
	v15 =	vmul.f32 v19, v20;
	[tilespmem:s0+$0xFFFFFFE0] =	vst v14  }
0x157: {  	v19 =	vshll.u32 v26, v1;
	v26 =	vshll.u32 v27, v1;
	v27 =	vld [tilespmem:s0+$0x60];
	[tilespmem:s0+$0xFFFFFFF0] =	vst v13;
	v13 =	vmul.f32 v16, v20  }
0x158: {  	v28 =	vshll.u32 v62, v1;
	v25 =	vadd.s32 v25, v6;
	[tilespmem:s0+$0x0] =	vst v15;
	v15 =	vld [tilespmem:s0+$0x70];
	v16 =	vmul.f32 v18, v20  }
0x159: {  	v14 =	vbroadcast v17, $0x0;
	v17 =	vadd.s32 v23, v4;
	[tilespmem:s0+$0x10] =	vst v13;
	v20 =	vmul.f32 v21, v20;
	v13 =	vld [tilespmem:s0+$0x80]  }
0x15a: {  	v23 =	vadd.s32 v28, v9;
	v18 =	vadd.s32 v24, v5;
	[tilespmem:s0+$0x20] =	vst v16;
	v30 =	vmul.f32 v22, v12;
	v16 =	vld [tilespmem:s0+$0x90]  }
0x15b: {  	v24 =	vmul.f32 v63, v12;
	v21 =	vadd.s32 v19, v7;
	v19 =	vbroadcast v17, $0x0;
	v17 =	vld [tilespmem:s0+$0xA0];
	[tilespmem:s0+$0x30] =	vst v20  }
0x15c: {  	s1 =	simm.s32 $0x10;
	s11 =	simm.s32 $0xF;
	v22 =	vadd.s32 v26, v8;
	v26 =	vmul.f32 v27, v12;
	v20 =	vbroadcast v18, $0x0;
	v18 =	vld [tilespmem:s0+$0xB0];
	[tilespmem:s0+$0x40] =	vst v30  }
.LBB2_7:
0x15d: {  	p1 =	slt.u32 s1, $0x48;
	v25 =	vbroadcast v25, $0x0;
	v27 =	vmov s11;
	[tilespmem:s0+$0x50] =	vst v24;
	v12 =	vmul.f32 v15, v12;
	v15 =	vld [tilespmem:s0+$0xC0]  }
0x15e: {  	v21 =	vbroadcast v21, $0x0;
	v24 =	vshrl.u32 v27, $0x3;
	[tilespmem:s0+$0x60] =	vst v26;
	v13 =	vmul.f32 v13, v11;
	v26 =	vld [tilespmem:s0+$0xD0]  }
0x15f: {  	v22 =	vbroadcast v22, $0x0;
	v24 =	vshll.u32 v24, v1;
	[tilespmem:s0+$0x70] =	vst v12;
	v12 =	vmul.f32 v16, v11;
	v16 =	vld [tilespmem:s0+$0xE0]  }
0x160: {  	v23 =	vbroadcast v23, $0x0;
	v14 =	vld.idx.msk [tilespmem:v14+s3+$0x0], $0xffff;
	v24 =	vadd.s32 v24, v2;
	[tilespmem:s0+$0x80] =	vst v13;
	v13 =	vmul.f32 v17, v11  }
0x161: {  	v17 =	vld.idx.msk [tilespmem:v19+s3+$0x0], $0xffff;
	v19 =	vbroadcast v24, $0x0;
	[tilespmem:s0+$0x90] =	vst v12;
	v11 =	vmul.f32 v18, v11  }
0x162: {  	v18 =	vld.idx.msk [tilespmem:v20+s3+$0x0], $0xffff;
	[tilespmem:s0+$0xA0] =	vst v13;
	v12 =	vmul.f32 v15, v10  }
0x163: {  	v15 =	vld.idx.msk [tilespmem:v25+s3+$0x0], $0xffff;
	[tilespmem:s0+$0xB0] =	vst v11;
	v11 =	vmul.f32 v26, v10  }
0x164: {  	v13 =	vld.idx.msk [tilespmem:v21+s3+$0x0], $0xffff;
	[tilespmem:s0+$0xC0] =	vst v12;
	v10 =	vmul.f32 v16, v10  }
0x165: {  	v12 =	vld.idx.msk [tilespmem:v22+s3+$0x0], $0xffff;
	[tilespmem:s0+$0xD0] =	vst v11  }
0x166: {  	v11 =	vld.idx.msk [tilespmem:v23+s3+$0x0], $0xffff;
	[tilespmem:s0+$0xE0] =	vst v10  }
0x167: {  	s0 =	sadd.s32 $0x200, s0;
	v10 =	vld.idx.msk [tilespmem:v19+s3+$0x0], $0xffff  }
0x168: {  	v16 =	vld [tilespmem:s0+$0xF0]  }
0x169: {  	v19 =	vld [tilespmem:s0+$0xFFFFFF00]  }
0x16a: {  	v20 =	vld [tilespmem:s0+$0xFFFFFF10]  }
0x16b: {  	v21 =	vld [tilespmem:s0+$0xFFFFFF20]  }
0x16c: {  	v22 =	vld [tilespmem:s0+$0xFFFFFF30]  }
0x16d: {  	v23 =	vld [tilespmem:s0+$0xFFFFFF40];
	v16 =	vmul.f32 v16, v10  }
0x16e: {  	v19 =	vmul.f32 v19, v14;
	v24 =	vld [tilespmem:s0+$0xFFFFFF50]  }
0x16f: {  	v20 =	vmul.f32 v20, v14;
	v25 =	vld [tilespmem:s0+$0xFFFFFF60];
	[tilespmem:s0+$0xF0] =	vst v16  }
0x170: {  	[tilespmem:s0+$0xFFFFFF00] =	vst v19;
	v16 =	vmul.f32 v21, v14;
	v19 =	vld [tilespmem:s0+$0xFFFFFF70]  }
0x171: {  	[tilespmem:s0+$0xFFFFFF10] =	vst v20;
	v14 =	vmul.f32 v22, v14;
	v20 =	vld [tilespmem:s0+$0xFFFFFF80]  }
0x172: {  	[tilespmem:s0+$0xFFFFFF20] =	vst v16;
	v16 =	vmul.f32 v23, v17;
	v21 =	vld [tilespmem:s0+$0xFFFFFF90]  }
0x173: {  	[tilespmem:s0+$0xFFFFFF30] =	vst v14;
	v14 =	vmul.f32 v24, v17;
	v22 =	vld [tilespmem:s0+$0xFFFFFFA0]  }
0x174: {  	[tilespmem:s0+$0xFFFFFF40] =	vst v16;
	v16 =	vmul.f32 v25, v17;
	v23 =	vld [tilespmem:s0+$0xFFFFFFB0]  }
0x175: {  	s11 =	sadd.s32 $0x1, s1;
	v24 =	vmov s1;
	[tilespmem:s0+$0xFFFFFF50] =	vst v14;
	v14 =	vmul.f32 v19, v17;
	v17 =	vld [tilespmem:s0+$0xFFFFFFC0]  }
0x176: {  	s24 =	sadd.s32 $0x3, s1;
	v19 =	vshrl.u32 v24, $0x3;
	v24 =	vmov s11;
	s11 =	sadd.s32 $0x2, s1;
	[tilespmem:s0+$0xFFFFFF60] =	vst v16;
	v16 =	vmul.f32 v20, v18;
	v20 =	vld [tilespmem:s0+$0xFFFFFFD0]  }
0x177: {  	v26 =	vmov s24;
	s24 =	sadd.s32 $0x5, s1;
	v25 =	vmov s11;
	s11 =	sadd.s32 $0x4, s1;
	[tilespmem:s0+$0xFFFFFF70] =	vst v14;
	v14 =	vmul.f32 v21, v18;
	v21 =	vld [tilespmem:s0+$0xFFFFFFE0]  }
0x178: {  	v28 =	vmov s24;
	v27 =	vmov s11;
	s11 =	sadd.s32 $0x6, s1;
	[tilespmem:s0+$0xFFFFFF80] =	vst v16;
	v16 =	vmul.f32 v22, v18;
	v22 =	vld [tilespmem:s0+$0xFFFFFFF0]  }
0x179: {  	v19 =	vshll.u32 v19, v1;
	v29 =	vmov s11;
	[tilespmem:s0+$0xFFFFFF90] =	vst v14;
	v14 =	vmul.f32 v23, v18;
	v18 =	vld [tilespmem:s0+$0x0]  }
0x17a: {  	v23 =	vshrl.u32 v24, $0x3;
	v24 =	vshrl.u32 v25, $0x3;
	[tilespmem:s0+$0xFFFFFFA0] =	vst v16;
	v16 =	vmul.f32 v17, v15;
	v17 =	vld [tilespmem:s0+$0x10]  }
0x17b: {  	v25 =	vshrl.u32 v26, $0x3;
	v26 =	vshrl.u32 v27, $0x3;
	[tilespmem:s0+$0xFFFFFFB0] =	vst v14;
	v14 =	vmul.f32 v20, v15;
	v20 =	vld [tilespmem:s0+$0x20]  }
0x17c: {  	v27 =	vshrl.u32 v28, $0x3;
	v28 =	vshrl.u32 v29, $0x3;
	[tilespmem:s0+$0xFFFFFFC0] =	vst v16;
	v16 =	vmul.f32 v21, v15;
	v21 =	vld [tilespmem:s0+$0x30]  }
0x17d: {  	v19 =	vadd.s32 v3, v19;
	v23 =	vshll.u32 v23, v1;
	[tilespmem:s0+$0xFFFFFFD0] =	vst v14;
	v14 =	vmul.f32 v22, v15;
	v22 =	vld [tilespmem:s0+$0x40]  }
0x17e: {  	v24 =	vshll.u32 v24, v1;
	v25 =	vshll.u32 v25, v1;
	[tilespmem:s0+$0xFFFFFFE0] =	vst v16;
	v15 =	vmul.f32 v18, v13;
	v18 =	vld [tilespmem:s0+$0x50]  }
0x17f: {  	v16 =	vshll.u32 v26, v1;
	v26 =	vshll.u32 v27, v1;
	[tilespmem:s0+$0xFFFFFFF0] =	vst v14;
	v17 =	vmul.f32 v17, v13;
	v27 =	vld [tilespmem:s0+$0x60]  }
.Ltmp4:
0x180: {  	v28 =	vshll.u32 v28, v1;
	v14 =	vbroadcast v19, $0x0;
	[tilespmem:s0+$0x0] =	vst v15;
	v19 =	vmul.f32 v20, v13;
	v15 =	vld [tilespmem:s0+$0x70];
	(pc) =	sbr.rel @p1 .LBB2_7-.Ltmp4, $4  }
0x181: {  	v20 =	vadd.s32 v23, v4;
	v23 =	vadd.s32 v24, v5;
	[tilespmem:s0+$0x10] =	vst v17;
	v17 =	vmul.f32 v21, v13;
	v13 =	vld [tilespmem:s0+$0x80]  }
0x182: {  	v25 =	vadd.s32 v25, v6;
	v21 =	vadd.s32 v16, v7;
	[tilespmem:s0+$0x20] =	vst v19;
	v29 =	vmul.f32 v22, v12;
	v16 =	vld [tilespmem:s0+$0x90]  }
0x183: {  	v19 =	vbroadcast v20, $0x0;
	v22 =	vadd.s32 v26, v8;
	[tilespmem:s0+$0x30] =	vst v17;
	v24 =	vmul.f32 v18, v12;
	v17 =	vld [tilespmem:s0+$0xA0]  }
0x184: {  	s11 =	sadd.s32 $0x7, s1;
	s1 =	sadd.s32 $0x8, s1;
	v20 =	vbroadcast v23, $0x0;
	v23 =	vadd.s32 v28, v9;
	[tilespmem:s0+$0x40] =	vst v29;
	v26 =	vmul.f32 v27, v12;
	v18 =	vld [tilespmem:s0+$0xB0]  }
0x185: {  	_ = 	snop  }
0x186: {  	v4 =	vmov s11;
	v5 =	vld [tilespmem:s0+$0xC0]  }
0x187: {  	v7 =	vld [tilespmem:s0+$0xD0];
	v4 =	vshrl.u32 v4, $0x3  }
0x188: {  	v3 =	vbroadcast v25, $0x0;
	v9 =	vld [tilespmem:s0+$0xE0];
	v12 =	vmul.f32 v15, v12;
	v4 =	vshll.u32 v4, v1  }
0x189: {  	v6 =	vbroadcast v21, $0x0;
	v14 =	vld.idx.msk [tilespmem:v14+s3+$0x0], $0xffff;
	s1 =	sadd.s32 $0x200, s0;
	v2 =	vadd.s32 v4, v2  }
0x18a: {  	[tilespmem:s0+$0x70] =	vst v12;
	v12 =	vmul.f32 v16, v11;
	v16 =	vld [tilespmem:s1+$0xFFFFFF00];
	v2 =	vbroadcast v2, $0x0  }
0x18b: {  	v8 =	vbroadcast v22, $0x0;
	v4 =	vld.idx.msk [tilespmem:v19+s3+$0x0], $0xffff  }
0x18c: {  	v19 =	vld.idx.msk [tilespmem:v20+s3+$0x0], $0xffff  }
0x18d: {  	v21 =	vbroadcast v23, $0x0;
	[tilespmem:s0+$0x90] =	vst v12;
	v12 =	vld [tilespmem:s1+$0xFFFFFF20]  }
0x18e: {  	v3 =	vld.idx.msk [tilespmem:v3+s3+$0x0], $0xffff  }
0x18f: {  	v6 =	vld.idx.msk [tilespmem:v6+s3+$0x0], $0xffff  }
0x190: {  	v15 =	vld.idx.msk [tilespmem:v2+s3+$0x0], $0xffff;
	v2 =	vmul.f32 v13, v11  }
0x191: {  	[tilespmem:s0+$0x50] =	vst v24;
	v8 =	vld.idx.msk [tilespmem:v8+s3+$0x0], $0xffff  }
0x192: {  	v13 =	vld [tilespmem:s1+$0xF0];
	[tilespmem:s0+$0x80] =	vst v2;
	v2 =	vmul.f32 v17, v11  }
0x193: {  	[tilespmem:s0+$0x60] =	vst v26;
	v20 =	vld.idx.msk [tilespmem:v21+s3+$0x0], $0xffff;
	v11 =	vmul.f32 v18, v11  }
0x194: {  	v17 =	vld [tilespmem:s1+$0xFFFFFF10];
	[tilespmem:s0+$0xA0] =	vst v2;
	v2 =	vmul.f32 v5, v10  }
0x195: {  	v7 =	vmul.f32 v7, v10;
	v5 =	vld [tilespmem:s1+$0xFFFFFF30];
	[tilespmem:s0+$0xB0] =	vst v11  }
0x196: {  	v11 =	vld [tilespmem:s1+$0xFFFFFF40];
	[tilespmem:s0+$0xC0] =	vst v2;
	v2 =	vmul.f32 v9, v10  }
0x197: {  	[tilespmem:s0+$0xD0] =	vst v7;
	v7 =	vmul.f32 v13, v15;
	v13 =	vld [tilespmem:s1+$0xFFFFFF70]  }
0x198: {  	v9 =	vld [tilespmem:s1+$0xFFFFFF50];
	[tilespmem:s0+$0xE0] =	vst v2;
	v2 =	vmul.f32 v16, v14  }
0x199: {  	v10 =	vld [tilespmem:s1+$0xFFFFFF60];
	[tilespmem:s1+$0xF0] =	vst v7;
	v16 =	vmul.f32 v17, v14  }
0x19a: {  	v7 =	vld [tilespmem:s1+$0xFFFFFF80];
	[tilespmem:s1+$0xFFFFFF00] =	vst v2;
	v2 =	vmul.f32 v12, v14  }
0x19b: {  	v5 =	vmul.f32 v5, v14;
	v12 =	vld [tilespmem:s1+$0xFFFFFF90];
	[tilespmem:s1+$0xFFFFFF10] =	vst v16  }
0x19c: {  	v14 =	vld [tilespmem:s1+$0xFFFFFFA0];
	[tilespmem:s1+$0xFFFFFF20] =	vst v2;
	v2 =	vmul.f32 v11, v4  }
0x19d: {  	[tilespmem:s1+$0xFFFFFF30] =	vst v5;
	v5 =	vmul.f32 v9, v4;
	v9 =	vld [tilespmem:s1+$0xFFFFFFC0]  }
0x19e: {  	v11 =	vld [tilespmem:s1+$0xFFFFFFB0];
	[tilespmem:s1+$0xFFFFFF40] =	vst v2;
	v2 =	vmul.f32 v10, v4  }
0x19f: {  	[tilespmem:s1+$0xFFFFFF50] =	vst v5;
	v5 =	vld [tilespmem:s1+$0xFFFFFFE0];
	v4 =	vmul.f32 v13, v4  }
0x1a0: {  	v10 =	vld [tilespmem:s1+$0xFFFFFFD0];
	[tilespmem:s1+$0xFFFFFF60] =	vst v2;
	v2 =	vmul.f32 v7, v19  }
0x1a1: {  	v13 =	vld [tilespmem:s1+$0x10];
	[tilespmem:s1+$0xFFFFFF70] =	vst v4;
	v4 =	vmul.f32 v12, v19  }
0x1a2: {  	v7 =	vld [tilespmem:s1+$0xFFFFFFF0];
	[tilespmem:s1+$0xFFFFFF80] =	vst v2;
	v2 =	vmul.f32 v14, v19  }
0x1a3: {  	v12 =	vld [tilespmem:s1+$0x0];
	[tilespmem:s1+$0xFFFFFF90] =	vst v4;
	v4 =	vmul.f32 v11, v19  }
0x1a4: {  	v11 =	vld [tilespmem:s1+$0x20];
	[tilespmem:s1+$0xFFFFFFA0] =	vst v2;
	v2 =	vmul.f32 v9, v3  }
0x1a5: {  	v9 =	vld [tilespmem:s1+$0x30];
	[tilespmem:s1+$0xFFFFFFB0] =	vst v4;
	v4 =	vmul.f32 v10, v3  }
0x1a6: {  	v10 =	vld [tilespmem:s1+$0x40];
	[tilespmem:s1+$0xFFFFFFC0] =	vst v2;
	v2 =	vmul.f32 v5, v3  }
0x1a7: {  	v5 =	vld [tilespmem:s1+$0x50];
	[tilespmem:s1+$0xFFFFFFD0] =	vst v4;
	v3 =	vmul.f32 v7, v3  }
0x1a8: {  	v4 =	vld [tilespmem:s1+$0x60];
	[tilespmem:s1+$0xFFFFFFE0] =	vst v2;
	v2 =	vmul.f32 v12, v6  }
0x1a9: {  	v7 =	vld [tilespmem:s1+$0x70];
	[tilespmem:s1+$0xFFFFFFF0] =	vst v3;
	v3 =	vmul.f32 v13, v6  }
0x1aa: {  	v12 =	vld [tilespmem:s1+$0x80];
	[tilespmem:s1+$0x0] =	vst v2;
	v2 =	vmul.f32 v11, v6  }
0x1ab: {  	[tilespmem:s1+$0x10] =	vst v3;
	v3 =	vmul.f32 v9, v6;
	v6 =	vld [tilespmem:s1+$0xA0]  }
0x1ac: {  	v9 =	vld [tilespmem:s1+$0xB0];
	[tilespmem:s1+$0x20] =	vst v2;
	v2 =	vmul.f32 v10, v8  }
0x1ad: {  	v11 =	vld [tilespmem:s1+$0x90];
	[tilespmem:s1+$0x30] =	vst v3;
	v3 =	vmul.f32 v5, v8  }
0x1ae: {  	v5 =	vld [tilespmem:s1+$0xC0];
	[tilespmem:s1+$0x40] =	vst v2;
	v2 =	vmul.f32 v4, v8  }
0x1af: {  	s24 =	simm.s32 $0x1;
	v4 =	vld [tilespmem:s1+$0xD0];
	[tilespmem:s1+$0x50] =	vst v3;
	v3 =	vmul.f32 v7, v8  }
0x1b0: {  	v13 =	vmov s24;
	s24 =	simm.s32 $0x3;
	v7 =	vld [tilespmem:s1+$0xE0];
	v6 =	vmul.f32 v6, v20;
	[tilespmem:s1+$0x60] =	vst v2  }
0x1b1: {  	v14 =	vmov s24;
	v13 =	vshrl.u32 v13, $0x3;
	v9 =	vmul.f32 v9, v20;
	[tilespmem:s1+$0x70] =	vst v3  }
0x1b2: {  	s0 =	sadd.s32 $0x2, s30;
	v14 =	vshrl.u32 v14, $0x3;
	v13 =	vshll.u32 v13, v1;
	v2 =	vmul.f32 v12, v20;
	[tilespmem:s1+$0xA0] =	vst v6  }
0x1b3: {  	v14 =	vshll.u32 v14, v1;
	v8 =	vmov s0;
	v10 =	vmul.f32 v5, v15;
	[tilespmem:s1+$0xB0] =	vst v9  }
0x1b4: {  	s11 =	smul.u32 $0x140, s23;
	s23 =	simm.s32 $0x0;
	s24 =	simm.s32 $0x5;
	v3 =	vmul.f32 v11, v20;
	[tilespmem:s1+$0x80] =	vst v2;
	v2 =	vmul.u32 $0x50, v8;
	v11 =	vmul.f32 v4, v15  }
0x1b5: {  	v12 =	vmul.f32 v7, v15;
	[tilespmem:s1+$0xC0] =	vst v10;
	v10 =	vmov s23;
	v15 =	vmov s24  }
0x1b6: {  	[tilespmem:s1+$0x90] =	vst v3;
	v3 =	vor.u32 $0x1, v2;
	v4 =	vor.u32 $0x2, v2;
	v5 =	vor.u32 $0x3, v2  }
0x1b7: {  	p1 =	seq.s32 s26, $0x31;
	s11 =	sshra.s32 s11, $0x2;
	s23 =	simm.s32 $0x2;
	v7 =	vor.u32 $0x4, v2;
	v8 =	vor.u32 $0x5, v2;
	v9 =	vor.u32 $0x6, v2;
	[tilespmem:s1+$0xD0] =	vst v11  }
0x1b8: {  	s11 =	sadd.s32 $0x4E20, s11;
	s24 =	simm.s32 $0x7;
	v10 =	vshrl.u32 v10, $0x3;
	v15 =	vshrl.u32 v15, $0x3;
	v11 =	vmov s23;
	s23 =	simm.s32 $0x4;
	[tilespmem:s1+$0xE0] =	vst v12  }
0x1b9: {  	v17 =	vmov s24;
	v10 =	vshll.u32 v10, v1;
	v13 =	vadd.s32 v13, v3;
	[spmem:s10] =	stream.indirect.scatter.add.f32 [tilespmem:s6], [sflag:$0x7], $0x40, s11, s4, $0xb8;
	[tilespmem:$0x1FEA0] =	vst v63  }
0x1ba: {  	s9 =	sshra.s32 @!p1 s9, $0x2;
	v14 =	vadd.s32 v14, v5;
	v12 =	vmov s23;
	v10 =	vadd.s32 v2, v10;
	_ =	swait.ge [sflag:s16], $0x1400  }
0x1bb: {  	s1 =	sadd.s32 @!p1 $0x190, s9;
	s23 =	simm.s32 $0x6;
	v11 =	vshrl.u32 v11, $0x3;
	v13 =	vbroadcast v13, $0x0;
	v10 =	vbroadcast v10, $0x0;
	[sflag:s16] =	ssyncset.done $0x0  }
0x1bc: {  	s11 =	simm.s32 @!p1 $0x50;
	v16 =	vmov s23;
	v12 =	vshrl.u32 v12, $0x3;
	v11 =	vshll.u32 v11, v1;
	s23 =	simm.s32 @!p1 $0xEA60;
	[sflag:s16] =	ssyncadd.s32 $0xFFFFEC00  }
0x1bd: {  	v14 =	vbroadcast v14, $0x0;
	v12 =	vshll.u32 v12, v1;
	v11 =	vadd.s32 v11, v4;
	[tilespmem:s23], [sflag:$0x1] =	stream.indirect.gather @!p1 [hbm4b:s15+s11], $0x40, s1, s11, $0xb8;
	[tilespmem:$0x1FEA0] =	vst v63  }
0x1be: {  	v15 =	vshll.u32 v15, v1;
	v11 =	vbroadcast v11, $0x0;
	v12 =	vadd.s32 v12, v7;
	_ =	swait.ge [sflag:s17], $0x1400  }
0x1bf: {  	v15 =	vadd.s32 v15, v8;
	v16 =	vshrl.u32 v16, $0x3;
	v12 =	vbroadcast v12, $0x0;
	[sflag:s17] =	ssyncset.done $0x0  }
0x1c0: {  	v17 =	vshrl.u32 v17, $0x3;
	v15 =	vbroadcast v15, $0x0;
	v16 =	vshll.u32 v16, v1;
	[sflag:s17] =	ssyncadd.s32 $0xFFFFEC00  }
0x1c1: {  	v6 =	vor.u32 $0x7, v2;
	v17 =	vshll.u32 v17, v1;
	v16 =	vadd.s32 v16, v9;
	v18 =	vld.idx.msk [tilespmem:v10+s3+$0x0], $0xffff  }
0x1c2: {  	v10 =	vbroadcast v16, $0x0;
	v16 =	vadd.s32 v17, v6;
	v13 =	vld.idx.msk [tilespmem:v13+s3+$0x0], $0xffff  }
0x1c3: {  	v14 =	vld.idx.msk [tilespmem:v14+s3+$0x0], $0xffff;
	v16 =	vbroadcast v16, $0x0  }
0x1c4: {  	v17 =	vld.idx.msk [tilespmem:v11+s3+$0x0], $0xffff  }
0x1c5: {  	v19 =	vld.idx.msk [tilespmem:v12+s3+$0x0], $0xffff  }
0x1c6: {  	s23 =	simm.s32 $0x11360;
	v12 =	vld.idx.msk [tilespmem:v15+s3+$0x0], $0xffff  }
0x1c7: {  	v15 =	vld [tilespmem:s23+$0xF0]  }
0x1c8: {  	v11 =	vld.idx.msk [tilespmem:v10+s3+$0x0], $0xffff  }
0x1c9: {  	v10 =	vld.idx.msk [tilespmem:v16+s3+$0x0], $0xffff  }
0x1ca: {  	v16 =	vld [tilespmem:s23+$0xFFFFFF00]  }
0x1cb: {  	v20 =	vld [tilespmem:s23+$0xFFFFFF10]  }
0x1cc: {  	v21 =	vld [tilespmem:s23+$0xFFFFFF20]  }
0x1cd: {  	v22 =	vld [tilespmem:s23+$0xFFFFFF30]  }
0x1ce: {  	v23 =	vld [tilespmem:s23+$0xFFFFFF40];
	v15 =	vmul.f32 v15, v10  }
0x1cf: {  	v24 =	vld [tilespmem:s23+$0xFFFFFF50];
	v16 =	vmul.f32 v16, v18  }
0x1d0: {  	v25 =	vld [tilespmem:s23+$0xFFFFFF60];
	v20 =	vmul.f32 v20, v18;
	[tilespmem:s23+$0xF0] =	vst v15  }
0x1d1: {  	[tilespmem:s23+$0xFFFFFF00] =	vst v16;
	v15 =	vmul.f32 v21, v18;
	v16 =	vld [tilespmem:s23+$0xFFFFFF70]  }
0x1d2: {  	[tilespmem:s23+$0xFFFFFF10] =	vst v20;
	v20 =	vld [tilespmem:s23+$0xFFFFFF80];
	v18 =	vmul.f32 v22, v18  }
0x1d3: {  	v21 =	vld [tilespmem:s23+$0xFFFFFF90];
	[tilespmem:s23+$0xFFFFFF20] =	vst v15;
	v15 =	vmul.f32 v23, v13  }
0x1d4: {  	v22 =	vld [tilespmem:s23+$0xFFFFFFA0];
	[tilespmem:s23+$0xFFFFFF30] =	vst v18;
	v18 =	vmul.f32 v24, v13  }
0x1d5: {  	s11 =	simm.s32 $0x8;
	v23 =	vld [tilespmem:s23+$0xFFFFFFB0];
	[tilespmem:s23+$0xFFFFFF40] =	vst v15;
	v15 =	vmul.f32 v25, v13  }
0x1d6: {  	s24 =	simm.s32 $0x9;
	v24 =	vmov s11;
	[tilespmem:s23+$0xFFFFFF50] =	vst v18;
	v13 =	vmul.f32 v16, v13;
	v16 =	vld [tilespmem:s23+$0xFFFFFFC0]  }
0x1d7: {  	s11 =	simm.s32 $0xA;
	v18 =	vshrl.u32 v24, $0x3;
	v24 =	vmov s24;
	s24 =	simm.s32 $0xB;
	[tilespmem:s23+$0xFFFFFF60] =	vst v15;
	v15 =	vmul.f32 v20, v17;
	v20 =	vld [tilespmem:s23+$0xFFFFFFD0]  }
0x1d8: {  	v25 =	vmov s11;
	s11 =	simm.s32 $0xC;
	v26 =	vmov s24;
	s24 =	simm.s32 $0xD;
	[tilespmem:s23+$0xFFFFFF70] =	vst v13;
	v13 =	vmul.f32 v21, v17;
	v21 =	vld [tilespmem:s23+$0xFFFFFFE0]  }
0x1d9: {  	v27 =	vmov s11;
	v28 =	vmov s24;
	s24 =	simm.s32 $0xE;
	[tilespmem:s23+$0xFFFFFF80] =	vst v15;
	v15 =	vmul.f32 v22, v17;
	v22 =	vld [tilespmem:s23+$0xFFFFFFF0]  }
0x1da: {  	v18 =	vshll.u32 v18, v1;
	v29 =	vmov s24;
	[tilespmem:s23+$0xFFFFFF90] =	vst v13;
	v13 =	vmul.f32 v23, v17;
	v17 =	vld [tilespmem:s23+$0x0]  }
0x1db: {  	v18 =	vadd.s32 v2, v18;
	v62 =	vshrl.u32 v29, $0x3;
	[tilespmem:s23+$0xFFFFFFA0] =	vst v15;
	v15 =	vmul.f32 v16, v14;
	v16 =	vld [tilespmem:s23+$0x10]  }
0x1dc: {  	v23 =	vshrl.u32 v24, $0x3;
	v24 =	vshrl.u32 v25, $0x3;
	[tilespmem:s23+$0xFFFFFFB0] =	vst v13;
	v13 =	vmul.f32 v20, v14;
	v20 =	vld [tilespmem:s23+$0x20]  }
0x1dd: {  	v25 =	vshrl.u32 v26, $0x3;
	v26 =	vshrl.u32 v27, $0x3;
	[tilespmem:s23+$0xFFFFFFC0] =	vst v15;
	v15 =	vmul.f32 v21, v14;
	v21 =	vld [tilespmem:s23+$0x30]  }
0x1de: {  	v27 =	vshrl.u32 v28, $0x3;
	v23 =	vshll.u32 v23, v1;
	[tilespmem:s23+$0xFFFFFFD0] =	vst v13;
	v13 =	vmul.f32 v22, v14;
	v22 =	vld [tilespmem:s23+$0x40]  }
0x1df: {  	v24 =	vshll.u32 v24, v1;
	v25 =	vshll.u32 v25, v1;
	[tilespmem:s23+$0xFFFFFFE0] =	vst v15;
	v15 =	vmul.f32 v17, v19;
	v17 =	vld [tilespmem:s23+$0x50]  }
0x1e0: {  	v63 =	vld [tilespmem:s23+$0x60];
	v26 =	vshll.u32 v26, v1;
	v27 =	vshll.u32 v27, v1;
	[tilespmem:s23+$0xFFFFFFF0] =	vst v13;
	v13 =	vmul.f32 v16, v19  }
0x1e1: {  	v25 =	vadd.s32 v25, v5;
	v14 =	vbroadcast v18, $0x0;
	[tilespmem:s23+$0x0] =	vst v15;
	v16 =	vmul.f32 v20, v19;
	v15 =	vld [tilespmem:s23+$0x70]  }
0x1e2: {  	v20 =	vadd.s32 v23, v3;
	v23 =	vadd.s32 v24, v4;
	[tilespmem:s23+$0x10] =	vst v13;
	v24 =	vmul.f32 v21, v19;
	v13 =	vld [tilespmem:s23+$0x80]  }
0x1e3: {  	v21 =	vadd.s32 v26, v7;
	v19 =	vbroadcast v20, $0x0;
	[tilespmem:s23+$0x20] =	vst v16;
	v26 =	vmul.f32 v22, v12;
	v16 =	vld [tilespmem:s23+$0x90]  }
0x1e4: {  	v18 =	vshll.u32 v62, v1;
	v20 =	vbroadcast v23, $0x0;
	[tilespmem:s23+$0x30] =	vst v24;
	v24 =	vmul.f32 v17, v12;
	v17 =	vld [tilespmem:s23+$0xA0]  }
0x1e5: {  	s1 =	simm.s32 $0x10;
	s11 =	simm.s32 $0xF;
	v23 =	vadd.s32 v18, v9;
	v18 =	vld [tilespmem:s23+$0xB0];
	v22 =	vadd.s32 v27, v8;
	[tilespmem:s23+$0x40] =	vst v26;
	v26 =	vmul.f32 v63, v12  }
.LBB2_9:
0x1e6: {  	p2 =	slt.u32 s1, $0x48;
	v25 =	vbroadcast v25, $0x0;
	v27 =	vmov s11;
	[tilespmem:s23+$0x50] =	vst v24;
	v12 =	vmul.f32 v15, v12;
	v15 =	vld [tilespmem:s23+$0xC0]  }
0x1e7: {  	v21 =	vbroadcast v21, $0x0;
	v24 =	vshrl.u32 v27, $0x3;
	[tilespmem:s23+$0x60] =	vst v26;
	v13 =	vmul.f32 v13, v11;
	v26 =	vld [tilespmem:s23+$0xD0]  }
0x1e8: {  	v22 =	vbroadcast v22, $0x0;
	v24 =	vshll.u32 v24, v1;
	[tilespmem:s23+$0x70] =	vst v12;
	v12 =	vmul.f32 v16, v11;
	v16 =	vld [tilespmem:s23+$0xE0]  }
0x1e9: {  	v23 =	vbroadcast v23, $0x0;
	v14 =	vld.idx.msk [tilespmem:v14+s3+$0x0], $0xffff;
	v24 =	vadd.s32 v24, v6;
	[tilespmem:s23+$0x80] =	vst v13;
	v13 =	vmul.f32 v17, v11  }
0x1ea: {  	v17 =	vld.idx.msk [tilespmem:v19+s3+$0x0], $0xffff;
	v19 =	vbroadcast v24, $0x0;
	[tilespmem:s23+$0x90] =	vst v12;
	v11 =	vmul.f32 v18, v11  }
0x1eb: {  	v18 =	vld.idx.msk [tilespmem:v20+s3+$0x0], $0xffff;
	[tilespmem:s23+$0xA0] =	vst v13;
	v12 =	vmul.f32 v15, v10  }
0x1ec: {  	v15 =	vld.idx.msk [tilespmem:v25+s3+$0x0], $0xffff;
	[tilespmem:s23+$0xB0] =	vst v11;
	v11 =	vmul.f32 v26, v10  }
0x1ed: {  	v13 =	vld.idx.msk [tilespmem:v21+s3+$0x0], $0xffff;
	[tilespmem:s23+$0xC0] =	vst v12;
	v10 =	vmul.f32 v16, v10  }
0x1ee: {  	v12 =	vld.idx.msk [tilespmem:v22+s3+$0x0], $0xffff;
	[tilespmem:s23+$0xD0] =	vst v11  }
0x1ef: {  	v11 =	vld.idx.msk [tilespmem:v23+s3+$0x0], $0xffff;
	[tilespmem:s23+$0xE0] =	vst v10  }
0x1f0: {  	s23 =	sadd.s32 $0x200, s23;
	v10 =	vld.idx.msk [tilespmem:v19+s3+$0x0], $0xffff  }
0x1f1: {  	v16 =	vld [tilespmem:s23+$0xF0]  }
0x1f2: {  	v19 =	vld [tilespmem:s23+$0xFFFFFF00]  }
0x1f3: {  	v20 =	vld [tilespmem:s23+$0xFFFFFF10]  }
0x1f4: {  	v21 =	vld [tilespmem:s23+$0xFFFFFF20]  }
0x1f5: {  	v22 =	vld [tilespmem:s23+$0xFFFFFF30]  }
0x1f6: {  	v23 =	vld [tilespmem:s23+$0xFFFFFF40];
	v16 =	vmul.f32 v16, v10  }
0x1f7: {  	v19 =	vmul.f32 v19, v14;
	v24 =	vld [tilespmem:s23+$0xFFFFFF50]  }
0x1f8: {  	v20 =	vmul.f32 v20, v14;
	v25 =	vld [tilespmem:s23+$0xFFFFFF60];
	[tilespmem:s23+$0xF0] =	vst v16  }
0x1f9: {  	[tilespmem:s23+$0xFFFFFF00] =	vst v19;
	v16 =	vmul.f32 v21, v14;
	v19 =	vld [tilespmem:s23+$0xFFFFFF70]  }
0x1fa: {  	[tilespmem:s23+$0xFFFFFF10] =	vst v20;
	v14 =	vmul.f32 v22, v14;
	v20 =	vld [tilespmem:s23+$0xFFFFFF80]  }
0x1fb: {  	[tilespmem:s23+$0xFFFFFF20] =	vst v16;
	v16 =	vmul.f32 v23, v17;
	v21 =	vld [tilespmem:s23+$0xFFFFFF90]  }
0x1fc: {  	[tilespmem:s23+$0xFFFFFF30] =	vst v14;
	v14 =	vmul.f32 v24, v17;
	v22 =	vld [tilespmem:s23+$0xFFFFFFA0]  }
0x1fd: {  	[tilespmem:s23+$0xFFFFFF40] =	vst v16;
	v16 =	vmul.f32 v25, v17;
	v23 =	vld [tilespmem:s23+$0xFFFFFFB0]  }
0x1fe: {  	s11 =	sadd.s32 $0x1, s1;
	v24 =	vmov s1;
	[tilespmem:s23+$0xFFFFFF50] =	vst v14;
	v14 =	vmul.f32 v19, v17;
	v17 =	vld [tilespmem:s23+$0xFFFFFFC0]  }
0x1ff: {  	s24 =	sadd.s32 $0x3, s1;
	v19 =	vshrl.u32 v24, $0x3;
	v24 =	vmov s11;
	s11 =	sadd.s32 $0x2, s1;
	[tilespmem:s23+$0xFFFFFF60] =	vst v16;
	v16 =	vmul.f32 v20, v18;
	v20 =	vld [tilespmem:s23+$0xFFFFFFD0]  }
0x200: {  	v26 =	vmov s24;
	s24 =	sadd.s32 $0x5, s1;
	v25 =	vmov s11;
	s11 =	sadd.s32 $0x4, s1;
	[tilespmem:s23+$0xFFFFFF70] =	vst v14;
	v14 =	vmul.f32 v21, v18;
	v21 =	vld [tilespmem:s23+$0xFFFFFFE0]  }
0x201: {  	v28 =	vmov s24;
	v27 =	vmov s11;
	s11 =	sadd.s32 $0x6, s1;
	[tilespmem:s23+$0xFFFFFF80] =	vst v16;
	v16 =	vmul.f32 v22, v18;
	v22 =	vld [tilespmem:s23+$0xFFFFFFF0]  }
0x202: {  	v19 =	vshll.u32 v19, v1;
	v29 =	vmov s11;
	[tilespmem:s23+$0xFFFFFF90] =	vst v14;
	v14 =	vmul.f32 v23, v18;
	v18 =	vld [tilespmem:s23+$0x0]  }
0x203: {  	v23 =	vshrl.u32 v24, $0x3;
	v24 =	vshrl.u32 v25, $0x3;
	[tilespmem:s23+$0xFFFFFFA0] =	vst v16;
	v16 =	vmul.f32 v17, v15;
	v17 =	vld [tilespmem:s23+$0x10]  }
0x204: {  	v25 =	vshrl.u32 v26, $0x3;
	v26 =	vshrl.u32 v27, $0x3;
	[tilespmem:s23+$0xFFFFFFB0] =	vst v14;
	v14 =	vmul.f32 v20, v15;
	v20 =	vld [tilespmem:s23+$0x20]  }
0x205: {  	v27 =	vshrl.u32 v28, $0x3;
	v28 =	vshrl.u32 v29, $0x3;
	[tilespmem:s23+$0xFFFFFFC0] =	vst v16;
	v16 =	vmul.f32 v21, v15;
	v21 =	vld [tilespmem:s23+$0x30]  }
0x206: {  	v19 =	vadd.s32 v2, v19;
	v23 =	vshll.u32 v23, v1;
	[tilespmem:s23+$0xFFFFFFD0] =	vst v14;
	v14 =	vmul.f32 v22, v15;
	v22 =	vld [tilespmem:s23+$0x40]  }
0x207: {  	v24 =	vshll.u32 v24, v1;
	v25 =	vshll.u32 v25, v1;
	[tilespmem:s23+$0xFFFFFFE0] =	vst v16;
	v15 =	vmul.f32 v18, v13;
	v18 =	vld [tilespmem:s23+$0x50]  }
0x208: {  	v16 =	vshll.u32 v26, v1;
	v26 =	vshll.u32 v27, v1;
	[tilespmem:s23+$0xFFFFFFF0] =	vst v14;
	v17 =	vmul.f32 v17, v13;
	v27 =	vld [tilespmem:s23+$0x60]  }
.Ltmp5:
0x209: {  	v28 =	vshll.u32 v28, v1;
	v14 =	vbroadcast v19, $0x0;
	[tilespmem:s23+$0x0] =	vst v15;
	v19 =	vmul.f32 v20, v13;
	v15 =	vld [tilespmem:s23+$0x70];
	(pc) =	sbr.rel @p2 .LBB2_9-.Ltmp5, $4  }
0x20a: {  	v20 =	vadd.s32 v23, v3;
	v23 =	vadd.s32 v24, v4;
	[tilespmem:s23+$0x10] =	vst v17;
	v17 =	vmul.f32 v21, v13;
	v13 =	vld [tilespmem:s23+$0x80]  }
0x20b: {  	v25 =	vadd.s32 v25, v5;
	v21 =	vadd.s32 v16, v7;
	[tilespmem:s23+$0x20] =	vst v19;
	v29 =	vmul.f32 v22, v12;
	v16 =	vld [tilespmem:s23+$0x90]  }
0x20c: {  	v19 =	vbroadcast v20, $0x0;
	v22 =	vadd.s32 v26, v8;
	[tilespmem:s23+$0x30] =	vst v17;
	v24 =	vmul.f32 v18, v12;
	v17 =	vld [tilespmem:s23+$0xA0]  }
0x20d: {  	s11 =	sadd.s32 $0x7, s1;
	s1 =	sadd.s32 $0x8, s1;
	v20 =	vbroadcast v23, $0x0;
	v23 =	vadd.s32 v28, v9;
	[tilespmem:s23+$0x40] =	vst v29;
	v26 =	vmul.f32 v27, v12;
	v18 =	vld [tilespmem:s23+$0xB0]  }
0x20e: {  	_ = 	snop  }
0x20f: {  	v4 =	vld [tilespmem:s23+$0xC0]  }
0x210: {  	v7 =	vld [tilespmem:s23+$0xD0]  }
0x211: {  	v9 =	vld [tilespmem:s23+$0xE0]  }
0x212: {  	v3 =	vmov s11;
	v14 =	vld.idx.msk [tilespmem:v14+s3+$0x0], $0xffff;
	v12 =	vmul.f32 v15, v12;
	s1 =	sadd.s32 $0x200, s23  }
0x213: {  	v3 =	vshrl.u32 v3, $0x3;
	v15 =	vld [tilespmem:s1+$0xF0]  }
0x214: {  	v2 =	vbroadcast v25, $0x0;
	v3 =	vshll.u32 v3, v1;
	[tilespmem:s23+$0x70] =	vst v12;
	v12 =	vmul.f32 v16, v11;
	v16 =	vld [tilespmem:s1+$0xFFFFFF00]  }
0x215: {  	v5 =	vbroadcast v21, $0x0;
	v13 =	vmul.f32 v13, v11;
	v3 =	vadd.s32 v3, v6;
	v6 =	vld.idx.msk [tilespmem:v19+s3+$0x0], $0xffff  }
0x216: {  	v19 =	vld.idx.msk [tilespmem:v20+s3+$0x0], $0xffff;
	v3 =	vbroadcast v3, $0x0  }
0x217: {  	v8 =	vbroadcast v22, $0x0;
	[tilespmem:s23+$0x80] =	vst v13;
	v13 =	vmul.f32 v17, v11;
	v17 =	vld [tilespmem:s1+$0xFFFFFF10]  }
0x218: {  	v21 =	vbroadcast v23, $0x0;
	[tilespmem:s23+$0x90] =	vst v12;
	v12 =	vld [tilespmem:s1+$0xFFFFFF20]  }
0x219: {  	[tilespmem:s23+$0xA0] =	vst v13;
	v13 =	vld [tilespmem:s1+$0xFFFFFF30]  }
0x21a: {  	v2 =	vld.idx.msk [tilespmem:v2+s3+$0x0], $0xffff  }
0x21b: {  	[tilespmem:s23+$0x50] =	vst v24;
	v4 =	vmul.f32 v4, v10;
	v5 =	vld.idx.msk [tilespmem:v5+s3+$0x0], $0xffff  }
0x21c: {  	[tilespmem:s23+$0x60] =	vst v26;
	v11 =	vmul.f32 v18, v11;
	v3 =	vld.idx.msk [tilespmem:v3+s3+$0x0], $0xffff  }
0x21d: {  	v8 =	vld.idx.msk [tilespmem:v8+s3+$0x0], $0xffff;
	[tilespmem:s23+$0xC0] =	vst v4;
	v4 =	vmul.f32 v9, v10  }
0x21e: {  	v7 =	vmul.f32 v7, v10;
	v20 =	vld.idx.msk [tilespmem:v21+s3+$0x0], $0xffff;
	[tilespmem:s23+$0xB0] =	vst v11  }
0x21f: {  	v11 =	vld [tilespmem:s1+$0xFFFFFF40];
	[tilespmem:s23+$0xE0] =	vst v4;
	v4 =	vmul.f32 v16, v14  }
0x220: {  	v9 =	vld [tilespmem:s1+$0xFFFFFF50];
	[tilespmem:s23+$0xD0] =	vst v7;
	v16 =	vmul.f32 v17, v14  }
0x221: {  	v10 =	vld [tilespmem:s1+$0xFFFFFF60];
	[tilespmem:s1+$0xFFFFFF00] =	vst v4;
	v7 =	vmul.f32 v15, v3  }
0x222: {  	v4 =	vmul.f32 v12, v14;
	[tilespmem:s1+$0xFFFFFF10] =	vst v16;
	v15 =	vld [tilespmem:s1+$0xFFFFFF70]  }
0x223: {  	v13 =	vmul.f32 v13, v14;
	[tilespmem:s1+$0xF0] =	vst v7;
	v7 =	vld [tilespmem:s1+$0xFFFFFF80]  }
0x224: {  	v12 =	vld [tilespmem:s1+$0xFFFFFF90];
	[tilespmem:s1+$0xFFFFFF20] =	vst v4;
	v4 =	vmul.f32 v11, v6  }
0x225: {  	v14 =	vld [tilespmem:s1+$0xFFFFFFA0];
	[tilespmem:s1+$0xFFFFFF30] =	vst v13;
	v9 =	vmul.f32 v9, v6  }
0x226: {  	v11 =	vld [tilespmem:s1+$0xFFFFFFB0];
	[tilespmem:s1+$0xFFFFFF40] =	vst v4;
	v4 =	vmul.f32 v10, v6  }
0x227: {  	v13 =	vld [tilespmem:s1+$0xFFFFFFC0];
	[tilespmem:s1+$0xFFFFFF50] =	vst v9;
	v6 =	vmul.f32 v15, v6  }
0x228: {  	v10 =	vld [tilespmem:s1+$0xFFFFFFD0];
	[tilespmem:s1+$0xFFFFFF60] =	vst v4;
	v4 =	vmul.f32 v7, v19  }
0x229: {  	v9 =	vld [tilespmem:s1+$0xFFFFFFE0];
	[tilespmem:s1+$0xFFFFFF70] =	vst v6;
	v6 =	vmul.f32 v12, v19  }
0x22a: {  	v7 =	vld [tilespmem:s1+$0xFFFFFFF0];
	[tilespmem:s1+$0xFFFFFF80] =	vst v4;
	v4 =	vmul.f32 v14, v19  }
0x22b: {  	v12 =	vld [tilespmem:s1+$0x0];
	[tilespmem:s1+$0xFFFFFF90] =	vst v6;
	v6 =	vmul.f32 v11, v19  }
0x22c: {  	v14 =	vld [tilespmem:s1+$0x10];
	[tilespmem:s1+$0xFFFFFFA0] =	vst v4;
	v4 =	vmul.f32 v13, v2  }
0x22d: {  	v11 =	vld [tilespmem:s1+$0x20];
	[tilespmem:s1+$0xFFFFFFB0] =	vst v6;
	v6 =	vmul.f32 v10, v2  }
0x22e: {  	v13 =	vld [tilespmem:s1+$0x30];
	[tilespmem:s1+$0xFFFFFFC0] =	vst v4;
	v4 =	vmul.f32 v9, v2  }
0x22f: {  	v10 =	vld [tilespmem:s1+$0x40];
	[tilespmem:s1+$0xFFFFFFD0] =	vst v6;
	v2 =	vmul.f32 v7, v2  }
0x230: {  	v9 =	vld [tilespmem:s1+$0x50];
	[tilespmem:s1+$0xFFFFFFE0] =	vst v4;
	v4 =	vmul.f32 v12, v5  }
0x231: {  	v6 =	vld [tilespmem:s1+$0x60];
	[tilespmem:s1+$0xFFFFFFF0] =	vst v2;
	v2 =	vmul.f32 v14, v5  }
0x232: {  	v7 =	vld [tilespmem:s1+$0x70];
	[tilespmem:s1+$0x0] =	vst v4;
	v4 =	vmul.f32 v11, v5  }
0x233: {  	v11 =	vld [tilespmem:s1+$0x90];
	[tilespmem:s1+$0x10] =	vst v2;
	v2 =	vmul.f32 v13, v5  }
0x234: {  	v12 =	vld [tilespmem:s1+$0x80];
	[tilespmem:s1+$0x20] =	vst v4;
	v4 =	vmul.f32 v10, v8  }
0x235: {  	[tilespmem:s1+$0x30] =	vst v2;
	v2 =	vmul.f32 v9, v8;
	v9 =	vld [tilespmem:s1+$0xC0]  }
0x236: {  	s11 =	simm.s32 $0x6;
	v5 =	vld [tilespmem:s1+$0xA0];
	[tilespmem:s1+$0x40] =	vst v4;
	v4 =	vmul.f32 v6, v8  }
0x237: {  	v16 =	vmov s11;
	v10 =	vld [tilespmem:s1+$0xB0];
	[tilespmem:s1+$0x50] =	vst v2;
	v2 =	vmul.f32 v7, v8  }
0x238: {  	v16 =	vshrl.u32 v16, $0x3;
	v6 =	vld [tilespmem:s1+$0xD0];
	v8 =	vmul.f32 v11, v20;
	[tilespmem:s1+$0x60] =	vst v4  }
0x239: {  	s30 =	sadd.s32 $0x3, s30;
	s23 =	simm.s32 $0x0;
	v16 =	vshll.u32 v16, v1;
	v7 =	vld [tilespmem:s1+$0xE0];
	v4 =	vmul.f32 v12, v20;
	[tilespmem:s1+$0x70] =	vst v2  }
0x23a: {  	s24 =	simm.s32 $0x1;
	v11 =	vmov s23;
	s23 =	simm.s32 $0x2;
	v2 =	vmov s30;
	[tilespmem:s1+$0x90] =	vst v8;
	v9 =	vmul.f32 v9, v3  }
0x23b: {  	v12 =	vmov s24;
	s24 =	simm.s32 $0x3;
	v13 =	vmov s23;
	[tilespmem:s1+$0x80] =	vst v4;
	v4 =	vmul.f32 v5, v20  }
0x23c: {  	v2 =	vmul.u32 $0x50, v2;
	v14 =	vmov s24;
	v5 =	vmul.f32 v10, v20;
	[tilespmem:s1+$0xC0] =	vst v9  }
0x23d: {  	s0 =	smul.u32 $0x140, s0;
	s24 =	simm.s32 $0x5;
	v12 =	vshrl.u32 v12, $0x3;
	v13 =	vshrl.u32 v13, $0x3;
	v6 =	vmul.f32 v6, v3;
	[tilespmem:s1+$0xA0] =	vst v4  }
0x23e: {  	v15 =	vmov s24;
	v14 =	vshrl.u32 v14, $0x3;
	v10 =	vmul.f32 v7, v3;
	[tilespmem:s1+$0xB0] =	vst v5  }
0x23f: {  	s0 =	sshra.s32 s0, $0x2;
	v12 =	vshll.u32 v12, v1;
	v13 =	vshll.u32 v13, v1;
	v3 =	vor.u32 $0x1, v2;
	[tilespmem:s1+$0xD0] =	vst v6  }
0x240: {  	s0 =	sadd.s32 $0x4E20, s0;
	v7 =	vor.u32 $0x4, v2;
	v8 =	vor.u32 $0x5, v2;
	[tilespmem:s1+$0xE0] =	vst v10;
	v10 =	vshrl.u32 v11, $0x3  }
0x241: {  	v9 =	vor.u32 $0x6, v2;
	v15 =	vshrl.u32 v15, $0x3;
	[spmem:s10] =	stream.indirect.scatter.add.f32 [tilespmem:s7], [sflag:$0x8], $0x40, s0, s4, $0xb8;
	v10 =	vshll.u32 v10, v1;
	[tilespmem:$0x1FEA0] =	vst v63  }
0x242: {  	v14 =	vshll.u32 v14, v1;
	v4 =	vor.u32 $0x2, v2;
	_ =	swait.ge [sflag:s18], $0x1400;
	v10 =	vadd.s32 v2, v10  }
0x243: {  	s11 =	simm.s32 @!p1 $0xFE60;
	s23 =	simm.s32 $0x4;
	v5 =	vor.u32 $0x3, v2;
	v12 =	vadd.s32 v12, v3;
	[sflag:s18] =	ssyncset.done $0x0;
	v10 =	vbroadcast v10, $0x0  }
0x244: {  	v15 =	vshll.u32 v15, v1;
	s1 =	simm.s32 @!p1 $0x50;
	v13 =	vadd.s32 v13, v4;
	v12 =	vbroadcast v12, $0x0;
	s0 =	sadd.s32 @!p1 $0x1E0, s9;
	[sflag:s18] =	ssyncadd.s32 $0xFFFFEC00  }
0x245: {  	v11 =	vmov s23;
	v14 =	vadd.s32 v14, v5;
	v13 =	vbroadcast v13, $0x0;
	[tilespmem:s11], [sflag:$0x2] =	stream.indirect.gather @!p1 [hbm4b:s15+s1], $0x40, s0, s1, $0xb8;
	[tilespmem:$0x1FEA0] =	vst v63  }
0x246: {  	s23 =	simm.s32 $0x7;
	v15 =	vadd.s32 v15, v8;
	v11 =	vshrl.u32 v11, $0x3;
	v14 =	vbroadcast v14, $0x0;
	_ =	swait.ge [sflag:s19], $0x1400  }
0x247: {  	v17 =	vmov s23;
	v15 =	vbroadcast v15, $0x0;
	v11 =	vshll.u32 v11, v1;
	[sflag:s19] =	ssyncset.done $0x0  }
0x248: {  	v16 =	vadd.s32 v16, v9;
	v17 =	vshrl.u32 v17, $0x3;
	v11 =	vadd.s32 v11, v7;
	[sflag:s19] =	ssyncadd.s32 $0xFFFFEC00  }
0x249: {  	v6 =	vor.u32 $0x7, v2;
	v17 =	vshll.u32 v17, v1;
	v11 =	vbroadcast v11, $0x0;
	v18 =	vld.idx.msk [tilespmem:v10+s3+$0x0], $0xffff  }
0x24a: {  	v10 =	vbroadcast v16, $0x0;
	v16 =	vadd.s32 v17, v6;
	v17 =	vld.idx.msk [tilespmem:v12+s3+$0x0], $0xffff  }
0x24b: {  	v13 =	vld.idx.msk [tilespmem:v13+s3+$0x0], $0xffff;
	v16 =	vbroadcast v16, $0x0  }
0x24c: {  	v14 =	vld.idx.msk [tilespmem:v14+s3+$0x0], $0xffff  }
0x24d: {  	s0 =	simm.s32 $0x12760;
	v12 =	vld.idx.msk [tilespmem:v15+s3+$0x0], $0xffff  }
0x24e: {  	v15 =	vld [tilespmem:s0+$0xF0]  }
0x24f: {  	v19 =	vld.idx.msk [tilespmem:v11+s3+$0x0], $0xffff  }
0x250: {  	v11 =	vld.idx.msk [tilespmem:v10+s3+$0x0], $0xffff  }
0x251: {  	v10 =	vld.idx.msk [tilespmem:v16+s3+$0x0], $0xffff  }
0x252: {  	v16 =	vld [tilespmem:s0+$0xFFFFFF00]  }
0x253: {  	v20 =	vld [tilespmem:s0+$0xFFFFFF10]  }
0x254: {  	v21 =	vld [tilespmem:s0+$0xFFFFFF20]  }
0x255: {  	v22 =	vld [tilespmem:s0+$0xFFFFFF30]  }
0x256: {  	v23 =	vld [tilespmem:s0+$0xFFFFFF40];
	v15 =	vmul.f32 v15, v10  }
0x257: {  	v24 =	vld [tilespmem:s0+$0xFFFFFF50];
	v16 =	vmul.f32 v16, v18  }
0x258: {  	v25 =	vld [tilespmem:s0+$0xFFFFFF60];
	v20 =	vmul.f32 v20, v18;
	[tilespmem:s0+$0xF0] =	vst v15  }
0x259: {  	[tilespmem:s0+$0xFFFFFF00] =	vst v16;
	v15 =	vmul.f32 v21, v18;
	v16 =	vld [tilespmem:s0+$0xFFFFFF70]  }
0x25a: {  	[tilespmem:s0+$0xFFFFFF10] =	vst v20;
	v20 =	vld [tilespmem:s0+$0xFFFFFF80];
	v18 =	vmul.f32 v22, v18  }
0x25b: {  	v21 =	vld [tilespmem:s0+$0xFFFFFF90];
	[tilespmem:s0+$0xFFFFFF20] =	vst v15;
	v15 =	vmul.f32 v23, v17  }
0x25c: {  	v22 =	vld [tilespmem:s0+$0xFFFFFFA0];
	[tilespmem:s0+$0xFFFFFF30] =	vst v18;
	v18 =	vmul.f32 v24, v17  }
0x25d: {  	s24 =	simm.s32 $0x8;
	v23 =	vld [tilespmem:s0+$0xFFFFFFB0];
	[tilespmem:s0+$0xFFFFFF40] =	vst v15;
	v15 =	vmul.f32 v25, v17  }
0x25e: {  	v24 =	vmov s24;
	s24 =	simm.s32 $0xB;
	[tilespmem:s0+$0xFFFFFF50] =	vst v18;
	v16 =	vmul.f32 v16, v17;
	v17 =	vld [tilespmem:s0+$0xFFFFFFC0]  }
0x25f: {  	s23 =	simm.s32 $0xA;
	s11 =	simm.s32 $0x9;
	v26 =	vmov s24;
	v18 =	vshrl.u32 v24, $0x3;
	[tilespmem:s0+$0xFFFFFF60] =	vst v15;
	v15 =	vmul.f32 v20, v13;
	v20 =	vld [tilespmem:s0+$0xFFFFFFD0]  }
0x260: {  	s24 =	simm.s32 $0xE;
	v24 =	vmov s11;
	v25 =	vmov s23;
	s11 =	simm.s32 $0xC;
	[tilespmem:s0+$0xFFFFFF70] =	vst v16;
	v16 =	vmul.f32 v21, v13;
	v21 =	vld [tilespmem:s0+$0xFFFFFFE0]  }
0x261: {  	s23 =	simm.s32 $0xD;
	v29 =	vmov s24;
	v27 =	vmov s11;
	[tilespmem:s0+$0xFFFFFF80] =	vst v15;
	v15 =	vmul.f32 v22, v13;
	v22 =	vld [tilespmem:s0+$0xFFFFFFF0]  }
0x262: {  	v28 =	vmov s23;
	v18 =	vshll.u32 v18, v1;
	v13 =	vmul.f32 v23, v13;
	[tilespmem:s0+$0xFFFFFF90] =	vst v16;
	v16 =	vld [tilespmem:s0+$0x0]  }
0x263: {  	v61 =	vshrl.u32 v29, $0x3;
	v18 =	vadd.s32 v2, v18;
	[tilespmem:s0+$0xFFFFFFA0] =	vst v15;
	v15 =	vmul.f32 v17, v14;
	v17 =	vld [tilespmem:s0+$0x10]  }
0x264: {  	v23 =	vshrl.u32 v24, $0x3;
	v24 =	vshrl.u32 v25, $0x3;
	[tilespmem:s0+$0xFFFFFFB0] =	vst v13;
	v13 =	vmul.f32 v20, v14;
	v20 =	vld [tilespmem:s0+$0x20]  }
0x265: {  	v25 =	vshrl.u32 v26, $0x3;
	v26 =	vshrl.u32 v27, $0x3;
	[tilespmem:s0+$0xFFFFFFC0] =	vst v15;
	v15 =	vmul.f32 v21, v14;
	v21 =	vld [tilespmem:s0+$0x30]  }
0x266: {  	v27 =	vshrl.u32 v28, $0x3;
	v23 =	vshll.u32 v23, v1;
	[tilespmem:s0+$0xFFFFFFD0] =	vst v13;
	v13 =	vmul.f32 v22, v14;
	v22 =	vld [tilespmem:s0+$0x40]  }
0x267: {  	v62 =	vld [tilespmem:s0+$0x50];
	v24 =	vshll.u32 v24, v1;
	v25 =	vshll.u32 v25, v1;
	[tilespmem:s0+$0xFFFFFFE0] =	vst v15;
	v15 =	vmul.f32 v16, v19  }
0x268: {  	v16 =	vshll.u32 v26, v1;
	v26 =	vshll.u32 v27, v1;
	v27 =	vld [tilespmem:s0+$0x60];
	[tilespmem:s0+$0xFFFFFFF0] =	vst v13;
	v13 =	vmul.f32 v17, v19  }
0x269: {  	v25 =	vadd.s32 v25, v5;
	v14 =	vbroadcast v18, $0x0;
	[tilespmem:s0+$0x0] =	vst v15;
	v17 =	vmul.f32 v20, v19;
	v15 =	vld [tilespmem:s0+$0x70]  }
0x26a: {  	v20 =	vadd.s32 v23, v3;
	v23 =	vadd.s32 v24, v4;
	[tilespmem:s0+$0x10] =	vst v13;
	v24 =	vmul.f32 v21, v19;
	v13 =	vld [tilespmem:s0+$0x80]  }
0x26b: {  	v21 =	vadd.s32 v16, v7;
	v16 =	vld [tilespmem:s0+$0x90];
	v19 =	vbroadcast v20, $0x0;
	[tilespmem:s0+$0x20] =	vst v17;
	v63 =	vmul.f32 v22, v12  }
0x26c: {  	v18 =	vshll.u32 v61, v1;
	v20 =	vbroadcast v23, $0x0;
	v17 =	vld [tilespmem:s0+$0xA0];
	[tilespmem:s0+$0x30] =	vst v24;
	v24 =	vmul.f32 v62, v12  }
0x26d: {  	s1 =	simm.s32 $0x10;
	s11 =	simm.s32 $0xF;
	v23 =	vadd.s32 v18, v9;
	v18 =	vld [tilespmem:s0+$0xB0];
	v22 =	vadd.s32 v26, v8;
	v26 =	vmul.f32 v27, v12;
	[tilespmem:s0+$0x40] =	vst v63  }
.LBB2_11:
0x26e: {  	p2 =	slt.u32 s1, $0x48;
	v25 =	vbroadcast v25, $0x0;
	v27 =	vmov s11;
	[tilespmem:s0+$0x50] =	vst v24;
	v12 =	vmul.f32 v15, v12;
	v15 =	vld [tilespmem:s0+$0xC0]  }
0x26f: {  	v21 =	vbroadcast v21, $0x0;
	v24 =	vshrl.u32 v27, $0x3;
	[tilespmem:s0+$0x60] =	vst v26;
	v13 =	vmul.f32 v13, v11;
	v26 =	vld [tilespmem:s0+$0xD0]  }
0x270: {  	v22 =	vbroadcast v22, $0x0;
	v24 =	vshll.u32 v24, v1;
	[tilespmem:s0+$0x70] =	vst v12;
	v12 =	vmul.f32 v16, v11;
	v16 =	vld [tilespmem:s0+$0xE0]  }
0x271: {  	v23 =	vbroadcast v23, $0x0;
	v14 =	vld.idx.msk [tilespmem:v14+s3+$0x0], $0xffff;
	v24 =	vadd.s32 v24, v6;
	[tilespmem:s0+$0x80] =	vst v13;
	v13 =	vmul.f32 v17, v11  }
0x272: {  	v17 =	vld.idx.msk [tilespmem:v19+s3+$0x0], $0xffff;
	v19 =	vbroadcast v24, $0x0;
	[tilespmem:s0+$0x90] =	vst v12;
	v11 =	vmul.f32 v18, v11  }
0x273: {  	v18 =	vld.idx.msk [tilespmem:v20+s3+$0x0], $0xffff;
	[tilespmem:s0+$0xA0] =	vst v13;
	v12 =	vmul.f32 v15, v10  }
0x274: {  	v15 =	vld.idx.msk [tilespmem:v25+s3+$0x0], $0xffff;
	[tilespmem:s0+$0xB0] =	vst v11;
	v11 =	vmul.f32 v26, v10  }
0x275: {  	v13 =	vld.idx.msk [tilespmem:v21+s3+$0x0], $0xffff;
	[tilespmem:s0+$0xC0] =	vst v12;
	v10 =	vmul.f32 v16, v10  }
0x276: {  	v12 =	vld.idx.msk [tilespmem:v22+s3+$0x0], $0xffff;
	[tilespmem:s0+$0xD0] =	vst v11  }
0x277: {  	v11 =	vld.idx.msk [tilespmem:v23+s3+$0x0], $0xffff;
	[tilespmem:s0+$0xE0] =	vst v10  }
0x278: {  	s0 =	sadd.s32 $0x200, s0;
	v10 =	vld.idx.msk [tilespmem:v19+s3+$0x0], $0xffff  }
0x279: {  	v16 =	vld [tilespmem:s0+$0xF0]  }
0x27a: {  	v19 =	vld [tilespmem:s0+$0xFFFFFF00]  }
0x27b: {  	v20 =	vld [tilespmem:s0+$0xFFFFFF10]  }
0x27c: {  	v21 =	vld [tilespmem:s0+$0xFFFFFF20]  }
0x27d: {  	v22 =	vld [tilespmem:s0+$0xFFFFFF30]  }
0x27e: {  	v23 =	vld [tilespmem:s0+$0xFFFFFF40];
	v16 =	vmul.f32 v16, v10  }
0x27f: {  	v19 =	vmul.f32 v19, v14;
	v24 =	vld [tilespmem:s0+$0xFFFFFF50]  }
0x280: {  	v20 =	vmul.f32 v20, v14;
	v25 =	vld [tilespmem:s0+$0xFFFFFF60];
	[tilespmem:s0+$0xF0] =	vst v16  }
0x281: {  	[tilespmem:s0+$0xFFFFFF00] =	vst v19;
	v16 =	vmul.f32 v21, v14;
	v19 =	vld [tilespmem:s0+$0xFFFFFF70]  }
0x282: {  	[tilespmem:s0+$0xFFFFFF10] =	vst v20;
	v14 =	vmul.f32 v22, v14;
	v20 =	vld [tilespmem:s0+$0xFFFFFF80]  }
0x283: {  	[tilespmem:s0+$0xFFFFFF20] =	vst v16;
	v16 =	vmul.f32 v23, v17;
	v21 =	vld [tilespmem:s0+$0xFFFFFF90]  }
0x284: {  	[tilespmem:s0+$0xFFFFFF30] =	vst v14;
	v14 =	vmul.f32 v24, v17;
	v22 =	vld [tilespmem:s0+$0xFFFFFFA0]  }
0x285: {  	[tilespmem:s0+$0xFFFFFF40] =	vst v16;
	v16 =	vmul.f32 v25, v17;
	v23 =	vld [tilespmem:s0+$0xFFFFFFB0]  }
0x286: {  	s11 =	sadd.s32 $0x1, s1;
	v24 =	vmov s1;
	[tilespmem:s0+$0xFFFFFF50] =	vst v14;
	v14 =	vmul.f32 v19, v17;
	v17 =	vld [tilespmem:s0+$0xFFFFFFC0]  }
0x287: {  	s23 =	sadd.s32 $0x3, s1;
	v19 =	vshrl.u32 v24, $0x3;
	v24 =	vmov s11;
	s11 =	sadd.s32 $0x2, s1;
	[tilespmem:s0+$0xFFFFFF60] =	vst v16;
	v16 =	vmul.f32 v20, v18;
	v20 =	vld [tilespmem:s0+$0xFFFFFFD0]  }
0x288: {  	v26 =	vmov s23;
	s23 =	sadd.s32 $0x5, s1;
	v25 =	vmov s11;
	s11 =	sadd.s32 $0x4, s1;
	[tilespmem:s0+$0xFFFFFF70] =	vst v14;
	v14 =	vmul.f32 v21, v18;
	v21 =	vld [tilespmem:s0+$0xFFFFFFE0]  }
0x289: {  	v28 =	vmov s23;
	v27 =	vmov s11;
	s11 =	sadd.s32 $0x6, s1;
	[tilespmem:s0+$0xFFFFFF80] =	vst v16;
	v16 =	vmul.f32 v22, v18;
	v22 =	vld [tilespmem:s0+$0xFFFFFFF0]  }
0x28a: {  	v19 =	vshll.u32 v19, v1;
	v29 =	vmov s11;
	[tilespmem:s0+$0xFFFFFF90] =	vst v14;
	v14 =	vmul.f32 v23, v18;
	v18 =	vld [tilespmem:s0+$0x0]  }
0x28b: {  	v23 =	vshrl.u32 v24, $0x3;
	v24 =	vshrl.u32 v25, $0x3;
	[tilespmem:s0+$0xFFFFFFA0] =	vst v16;
	v16 =	vmul.f32 v17, v15;
	v17 =	vld [tilespmem:s0+$0x10]  }
0x28c: {  	v25 =	vshrl.u32 v26, $0x3;
	v26 =	vshrl.u32 v27, $0x3;
	[tilespmem:s0+$0xFFFFFFB0] =	vst v14;
	v14 =	vmul.f32 v20, v15;
	v20 =	vld [tilespmem:s0+$0x20]  }
0x28d: {  	v27 =	vshrl.u32 v28, $0x3;
	v28 =	vshrl.u32 v29, $0x3;
	[tilespmem:s0+$0xFFFFFFC0] =	vst v16;
	v16 =	vmul.f32 v21, v15;
	v21 =	vld [tilespmem:s0+$0x30]  }
0x28e: {  	v19 =	vadd.s32 v2, v19;
	v23 =	vshll.u32 v23, v1;
	[tilespmem:s0+$0xFFFFFFD0] =	vst v14;
	v14 =	vmul.f32 v22, v15;
	v22 =	vld [tilespmem:s0+$0x40]  }
0x28f: {  	v24 =	vshll.u32 v24, v1;
	v25 =	vshll.u32 v25, v1;
	[tilespmem:s0+$0xFFFFFFE0] =	vst v16;
	v15 =	vmul.f32 v18, v13;
	v18 =	vld [tilespmem:s0+$0x50]  }
0x290: {  	v16 =	vshll.u32 v26, v1;
	v26 =	vshll.u32 v27, v1;
	[tilespmem:s0+$0xFFFFFFF0] =	vst v14;
	v17 =	vmul.f32 v17, v13;
	v27 =	vld [tilespmem:s0+$0x60]  }
.Ltmp6:
0x291: {  	v28 =	vshll.u32 v28, v1;
	v14 =	vbroadcast v19, $0x0;
	[tilespmem:s0+$0x0] =	vst v15;
	v19 =	vmul.f32 v20, v13;
	v15 =	vld [tilespmem:s0+$0x70];
	(pc) =	sbr.rel @p2 .LBB2_11-.Ltmp6, $4  }
0x292: {  	v20 =	vadd.s32 v23, v3;
	v23 =	vadd.s32 v24, v4;
	[tilespmem:s0+$0x10] =	vst v17;
	v17 =	vmul.f32 v21, v13;
	v13 =	vld [tilespmem:s0+$0x80]  }
0x293: {  	v25 =	vadd.s32 v25, v5;
	v21 =	vadd.s32 v16, v7;
	[tilespmem:s0+$0x20] =	vst v19;
	v29 =	vmul.f32 v22, v12;
	v16 =	vld [tilespmem:s0+$0x90]  }
0x294: {  	v19 =	vbroadcast v20, $0x0;
	v22 =	vadd.s32 v26, v8;
	[tilespmem:s0+$0x30] =	vst v17;
	v24 =	vmul.f32 v18, v12;
	v17 =	vld [tilespmem:s0+$0xA0]  }
0x295: {  	s11 =	sadd.s32 $0x7, s1;
	s1 =	sadd.s32 $0x8, s1;
	v20 =	vbroadcast v23, $0x0;
	v23 =	vadd.s32 v28, v9;
	[tilespmem:s0+$0x40] =	vst v29;
	v26 =	vmul.f32 v27, v12;
	v18 =	vld [tilespmem:s0+$0xB0]  }
0x296: {  	_ = 	snop  }
0x297: {  	v4 =	vld [tilespmem:s0+$0xC0]  }
0x298: {  	v7 =	vld [tilespmem:s0+$0xD0]  }
0x299: {  	v9 =	vld [tilespmem:s0+$0xE0]  }
0x29a: {  	v3 =	vmov s11;
	v14 =	vld.idx.msk [tilespmem:v14+s3+$0x0], $0xffff;
	v12 =	vmul.f32 v15, v12;
	s1 =	sadd.s32 $0x200, s0  }
0x29b: {  	v3 =	vshrl.u32 v3, $0x3;
	v15 =	vld [tilespmem:s1+$0xF0]  }
0x29c: {  	v2 =	vbroadcast v25, $0x0;
	v3 =	vshll.u32 v3, v1;
	[tilespmem:s0+$0x70] =	vst v12;
	v12 =	vmul.f32 v16, v11;
	v16 =	vld [tilespmem:s1+$0xFFFFFF00]  }
0x29d: {  	v5 =	vbroadcast v21, $0x0;
	v13 =	vmul.f32 v13, v11;
	v3 =	vadd.s32 v3, v6;
	v6 =	vld.idx.msk [tilespmem:v19+s3+$0x0], $0xffff  }
0x29e: {  	v8 =	vbroadcast v22, $0x0;
	v19 =	vld.idx.msk [tilespmem:v20+s3+$0x0], $0xffff  }
0x29f: {  	v21 =	vbroadcast v23, $0x0;
	[tilespmem:s0+$0x80] =	vst v13;
	v13 =	vmul.f32 v17, v11;
	v17 =	vld [tilespmem:s1+$0xFFFFFF10]  }
0x2a0: {  	v3 =	vbroadcast v3, $0x0;
	[tilespmem:s0+$0x90] =	vst v12;
	v12 =	vld [tilespmem:s1+$0xFFFFFF20]  }
0x2a1: {  	[tilespmem:s0+$0xA0] =	vst v13;
	v13 =	vld [tilespmem:s1+$0xFFFFFF30]  }
0x2a2: {  	v2 =	vld.idx.msk [tilespmem:v2+s3+$0x0], $0xffff  }
0x2a3: {  	v5 =	vld.idx.msk [tilespmem:v5+s3+$0x0], $0xffff  }
0x2a4: {  	v4 =	vmul.f32 v4, v10;
	v8 =	vld.idx.msk [tilespmem:v8+s3+$0x0], $0xffff  }
0x2a5: {  	[tilespmem:s0+$0x50] =	vst v24;
	v11 =	vmul.f32 v18, v11;
	v20 =	vld.idx.msk [tilespmem:v21+s3+$0x0], $0xffff  }
0x2a6: {  	[tilespmem:s0+$0xC0] =	vst v4;
	v4 =	vmul.f32 v9, v10;
	v3 =	vld.idx.msk [tilespmem:v3+s3+$0x0], $0xffff  }
0x2a7: {  	[tilespmem:s0+$0xB0] =	vst v11;
	v11 =	vld [tilespmem:s1+$0xFFFFFF40]  }
0x2a8: {  	v9 =	vld [tilespmem:s1+$0xFFFFFF50];
	[tilespmem:s0+$0xE0] =	vst v4;
	v4 =	vmul.f32 v16, v14  }
0x2a9: {  	[tilespmem:s0+$0x60] =	vst v26;
	v7 =	vmul.f32 v7, v10;
	v10 =	vld [tilespmem:s1+$0xFFFFFF60]  }
0x2aa: {  	v13 =	vmul.f32 v13, v14;
	[tilespmem:s1+$0xFFFFFF00] =	vst v4;
	v4 =	vmul.f32 v12, v14;
	v12 =	vld [tilespmem:s1+$0xFFFFFF90]  }
0x2ab: {  	[tilespmem:s0+$0xD0] =	vst v7;
	v16 =	vmul.f32 v17, v14;
	v14 =	vld [tilespmem:s1+$0xFFFFFFA0];
	v7 =	vmul.f32 v15, v3  }
0x2ac: {  	[tilespmem:s1+$0xFFFFFF30] =	vst v13;
	v15 =	vld [tilespmem:s1+$0xFFFFFF70]  }
0x2ad: {  	v9 =	vmul.f32 v9, v6;
	[tilespmem:s1+$0xF0] =	vst v7;
	v7 =	vld [tilespmem:s1+$0xFFFFFF80]  }
0x2ae: {  	v13 =	vld [tilespmem:s1+$0xFFFFFFC0];
	[tilespmem:s1+$0xFFFFFF20] =	vst v4;
	v4 =	vmul.f32 v11, v6  }
0x2af: {  	v11 =	vld [tilespmem:s1+$0xFFFFFFB0];
	[tilespmem:s1+$0xFFFFFF50] =	vst v9  }
0x2b0: {  	v9 =	vld [tilespmem:s1+$0xFFFFFFE0];
	[tilespmem:s1+$0xFFFFFF40] =	vst v4;
	v4 =	vmul.f32 v10, v6  }
0x2b1: {  	[tilespmem:s1+$0xFFFFFF10] =	vst v16;
	v10 =	vld [tilespmem:s1+$0xFFFFFFD0];
	v6 =	vmul.f32 v15, v6  }
0x2b2: {  	[tilespmem:s1+$0xFFFFFF60] =	vst v4;
	v4 =	vmul.f32 v7, v19;
	v7 =	vld [tilespmem:s1+$0xFFFFFFF0]  }
0x2b3: {  	[tilespmem:s1+$0xFFFFFF70] =	vst v6;
	v6 =	vmul.f32 v12, v19;
	v12 =	vld [tilespmem:s1+$0x0]  }
0x2b4: {  	[tilespmem:s1+$0xFFFFFF80] =	vst v4;
	v4 =	vmul.f32 v14, v19;
	v14 =	vld [tilespmem:s1+$0x10]  }
0x2b5: {  	[tilespmem:s1+$0xFFFFFF90] =	vst v6;
	v6 =	vmul.f32 v11, v19;
	v11 =	vld [tilespmem:s1+$0x20]  }
0x2b6: {  	[tilespmem:s1+$0xFFFFFFA0] =	vst v4;
	v4 =	vmul.f32 v13, v2;
	v13 =	vld [tilespmem:s1+$0x30]  }
0x2b7: {  	[tilespmem:s1+$0xFFFFFFB0] =	vst v6;
	v6 =	vmul.f32 v10, v2;
	v10 =	vld [tilespmem:s1+$0x40]  }
0x2b8: {  	[tilespmem:s1+$0xFFFFFFC0] =	vst v4;
	v4 =	vmul.f32 v9, v2;
	v9 =	vld [tilespmem:s1+$0x50]  }
0x2b9: {  	[tilespmem:s1+$0xFFFFFFD0] =	vst v6;
	v2 =	vmul.f32 v7, v2;
	v6 =	vld [tilespmem:s1+$0x60]  }
0x2ba: {  	v7 =	vld [tilespmem:s1+$0x70];
	[tilespmem:s1+$0xFFFFFFE0] =	vst v4;
	v4 =	vmul.f32 v12, v5  }
0x2bb: {  	[tilespmem:s1+$0xFFFFFFF0] =	vst v2;
	v2 =	vmul.f32 v14, v5;
	v12 =	vld [tilespmem:s1+$0x80]  }
0x2bc: {  	[tilespmem:s1+$0x0] =	vst v4;
	v4 =	vmul.f32 v11, v5;
	v11 =	vld [tilespmem:s1+$0x90]  }
0x2bd: {  	[tilespmem:s1+$0x10] =	vst v2;
	v2 =	vmul.f32 v13, v5;
	v5 =	vld [tilespmem:s1+$0xA0]  }
0x2be: {  	[tilespmem:s1+$0x20] =	vst v4;
	v4 =	vmul.f32 v10, v8;
	v10 =	vld [tilespmem:s1+$0xB0]  }
0x2bf: {  	[tilespmem:s1+$0x30] =	vst v2;
	v2 =	vmul.f32 v9, v8;
	v9 =	vld [tilespmem:s1+$0xC0]  }
0x2c0: {  	[tilespmem:s1+$0x40] =	vst v4;
	v4 =	vmul.f32 v6, v8;
	v6 =	vld [tilespmem:s1+$0xD0]  }
0x2c1: {  	[tilespmem:s1+$0x50] =	vst v2;
	v2 =	vmul.f32 v7, v8;
	v7 =	vld [tilespmem:s1+$0xE0]  }
0x2c2: {  	v8 =	vmul.f32 v11, v20;
	[tilespmem:s1+$0x60] =	vst v4  }
0x2c3: {  	v4 =	vmul.f32 v12, v20;
	[tilespmem:s1+$0x70] =	vst v2;
	v2 =	vmov s31  }
0x2c4: {  	s31 =	simm.s32 $0x4;
	v10 =	vmul.f32 v10, v20;
	v2 =	vmul.u32 $0x50, v2;
	[tilespmem:s1+$0x90] =	vst v8  }
0x2c5: {  	v9 =	vmul.f32 v9, v3;
	v14 =	vmov s31;
	[tilespmem:s1+$0x80] =	vst v4;
	v4 =	vmul.f32 v5, v20  }
0x2c6: {  	v14 =	vshrl.u32 v14, $0x3;
	v11 =	vmul.f32 v6, v3;
	v12 =	vmul.f32 v7, v3;
	[tilespmem:s1+$0xB0] =	vst v10  }
0x2c7: {  	s11 =	smul.u32 $0x140, s30;
	s23 =	simm.s32 $0x0;
	v5 =	vor.u32 $0x2, v2;
	v6 =	vor.u32 $0x3, v2;
	v7 =	vor.u32 $0x4, v2;
	[tilespmem:s1+$0xC0] =	vst v9  }
0x2c8: {  	v8 =	vor.u32 $0x5, v2;
	v9 =	vor.u32 $0x6, v2;
	v10 =	vmov s23;
	[tilespmem:s1+$0xA0] =	vst v4  }
0x2c9: {  	s24 =	simm.s32 $0x1;
	s0 =	sshra.s32 s11, $0x2;
	s23 =	simm.s32 $0x2;
	v14 =	vshll.u32 v14, v1;
	v4 =	vor.u32 $0x1, v2;
	v10 =	vshrl.u32 v10, $0x3;
	[tilespmem:s1+$0xD0] =	vst v11  }
0x2ca: {  	s30 =	simm.s32 $0x3;
	s0 =	sadd.s32 $0x4E20, s0;
	v13 =	vmov s23;
	v14 =	vadd.s32 v14, v7;
	v11 =	vmov s24;
	[tilespmem:s1+$0xE0] =	vst v12  }
0x2cb: {  	v12 =	vmov s30;
	v10 =	vshll.u32 v10, v1;
	v13 =	vshrl.u32 v13, $0x3;
	[spmem:s10] =	stream.indirect.scatter.add.f32 [tilespmem:s8], [sflag:$0x9], $0x40, s0, s4, $0xb8;
	[tilespmem:$0x1FEA0] =	vst v63  }
0x2cc: {  	s24 =	simm.s32 $0x5;
	s1 =	simm.s32 @!p1 $0x50;
	v14 =	vbroadcast v14, $0x0;
	v10 =	vadd.s32 v2, v10;
	v13 =	vshll.u32 v13, v1;
	_ =	swait.ge [sflag:s20], $0x1400  }
0x2cd: {  	s30 =	simm.s32 $0x7;
	v15 =	vmov s24;
	s24 =	simm.s32 $0x6;
	v10 =	vbroadcast v10, $0x0;
	v13 =	vadd.s32 v13, v5;
	[sflag:s20] =	ssyncset.done $0x0  }
0x2ce: {  	v11 =	vshrl.u32 v11, $0x3;
	v12 =	vshrl.u32 v12, $0x3;
	s0 =	sadd.s32 @!p1 $0x230, s9;
	s9 =	simm.s32 @!p1 $0x11260;
	v13 =	vbroadcast v13, $0x0;
	[sflag:s20] =	ssyncadd.s32 $0xFFFFEC00  }
0x2cf: {  	v17 =	vmov s30;
	v16 =	vmov s24;
	v11 =	vshll.u32 v11, v1;
	[tilespmem:s9], [sflag:$0x3] =	stream.indirect.gather @!p1 [hbm4b:s15+s1], $0x40, s0, s1, $0xb8;
	[tilespmem:$0x1FEA0] =	vst v63  }
0x2d0: {  	v15 =	vshrl.u32 v15, $0x3;
	v12 =	vshll.u32 v12, v1;
	v11 =	vadd.s32 v11, v4;
	_ =	swait.ge [sflag:s21], $0x1400  }
0x2d1: {  	v15 =	vshll.u32 v15, v1;
	v12 =	vadd.s32 v12, v6;
	v11 =	vbroadcast v11, $0x0;
	[sflag:s21] =	ssyncset.done $0x0  }
0x2d2: {  	v16 =	vshrl.u32 v16, $0x3;
	v12 =	vbroadcast v12, $0x0;
	v15 =	vadd.s32 v15, v8;
	[sflag:s21] =	ssyncadd.s32 $0xFFFFEC00  }
0x2d3: {  	v17 =	vshrl.u32 v17, $0x3;
	v16 =	vshll.u32 v16, v1;
	v15 =	vbroadcast v15, $0x0;
	v18 =	vld.idx.msk [tilespmem:v10+s3+$0x0], $0xffff  }
0x2d4: {  	v3 =	vor.u32 $0x7, v2;
	v17 =	vshll.u32 v17, v1;
	v16 =	vadd.s32 v16, v9;
	v13 =	vld.idx.msk [tilespmem:v13+s3+$0x0], $0xffff  }
0x2d5: {  	s0 =	simm.s32 $0x13B60;
	v10 =	vbroadcast v16, $0x0;
	v16 =	vadd.s32 v17, v3;
	v20 =	vld.idx.msk [tilespmem:v14+s3+$0x0], $0xffff  }
0x2d6: {  	v14 =	vld [tilespmem:s0+$0xF0];
	v16 =	vbroadcast v16, $0x0  }
0x2d7: {  	v17 =	vld.idx.msk [tilespmem:v11+s3+$0x0], $0xffff  }
0x2d8: {  	v19 =	vld.idx.msk [tilespmem:v12+s3+$0x0], $0xffff  }
0x2d9: {  	v12 =	vld.idx.msk [tilespmem:v15+s3+$0x0], $0xffff  }
0x2da: {  	v15 =	vld [tilespmem:s0+$0xFFFFFF00]  }
0x2db: {  	v11 =	vld.idx.msk [tilespmem:v10+s3+$0x0], $0xffff  }
0x2dc: {  	v10 =	vld.idx.msk [tilespmem:v16+s3+$0x0], $0xffff  }
0x2dd: {  	v16 =	vld [tilespmem:s0+$0xFFFFFF10]  }
0x2de: {  	v21 =	vld [tilespmem:s0+$0xFFFFFF20]  }
0x2df: {  	v22 =	vld [tilespmem:s0+$0xFFFFFF30]  }
0x2e0: {  	v23 =	vld [tilespmem:s0+$0xFFFFFF40];
	v15 =	vmul.f32 v15, v18  }
0x2e1: {  	v24 =	vld [tilespmem:s0+$0xFFFFFF50];
	v14 =	vmul.f32 v14, v10  }
0x2e2: {  	v25 =	vld [tilespmem:s0+$0xFFFFFF60];
	[tilespmem:s0+$0xFFFFFF00] =	vst v15;
	v16 =	vmul.f32 v16, v18  }
0x2e3: {  	v15 =	vld [tilespmem:s0+$0xFFFFFF70];
	[tilespmem:s0+$0xF0] =	vst v14;
	v14 =	vmul.f32 v21, v18  }
0x2e4: {  	[tilespmem:s0+$0xFFFFFF10] =	vst v16;
	v16 =	vmul.f32 v22, v18;
	v18 =	vld [tilespmem:s0+$0xFFFFFF80]  }
0x2e5: {  	v21 =	vld [tilespmem:s0+$0xFFFFFF90];
	[tilespmem:s0+$0xFFFFFF20] =	vst v14;
	v14 =	vmul.f32 v23, v17  }
0x2e6: {  	v22 =	vld [tilespmem:s0+$0xFFFFFFA0];
	[tilespmem:s0+$0xFFFFFF30] =	vst v16;
	v16 =	vmul.f32 v24, v17  }
0x2e7: {  	s23 =	simm.s32 $0xB;
	v23 =	vld [tilespmem:s0+$0xFFFFFFB0];
	[tilespmem:s0+$0xFFFFFF40] =	vst v14;
	v14 =	vmul.f32 v25, v17  }
0x2e8: {  	s31 =	simm.s32 $0x8;
	v26 =	vmov s23;
	s30 =	simm.s32 $0xD;
	v15 =	vmul.f32 v15, v17;
	[tilespmem:s0+$0xFFFFFF50] =	vst v16;
	v16 =	vld [tilespmem:s0+$0xFFFFFFC0]  }
0x2e9: {  	s24 =	simm.s32 $0xC;
	v28 =	vmov s30;
	v24 =	vmov s31;
	s31 =	simm.s32 $0xE;
	[tilespmem:s0+$0xFFFFFF60] =	vst v14;
	v14 =	vmul.f32 v18, v13;
	v18 =	vld [tilespmem:s0+$0xFFFFFFD0]  }
0x2ea: {  	v27 =	vmov s24;
	s9 =	simm.s32 $0x9;
	[tilespmem:s0+$0xFFFFFF70] =	vst v15;
	v29 =	vmov s31;
	v15 =	vmul.f32 v21, v13;
	v21 =	vld [tilespmem:s0+$0xFFFFFFE0]  }
0x2eb: {  	s11 =	simm.s32 $0xA;
	v17 =	vshrl.u32 v24, $0x3;
	v24 =	vmov s9;
	[tilespmem:s0+$0xFFFFFF80] =	vst v14;
	v14 =	vmul.f32 v22, v13;
	v22 =	vld [tilespmem:s0+$0xFFFFFFF0]  }
0x2ec: {  	v25 =	vmov s11;
	v17 =	vshll.u32 v17, v1;
	[tilespmem:s0+$0xFFFFFF90] =	vst v15;
	v15 =	vld [tilespmem:s0+$0x0];
	v13 =	vmul.f32 v23, v13  }
0x2ed: {  	v62 =	vshrl.u32 v29, $0x3;
	v17 =	vadd.s32 v2, v17;
	[tilespmem:s0+$0xFFFFFFA0] =	vst v14;
	v14 =	vmul.f32 v16, v19;
	v16 =	vld [tilespmem:s0+$0x10]  }
0x2ee: {  	v23 =	vshrl.u32 v24, $0x3;
	v24 =	vshrl.u32 v25, $0x3;
	[tilespmem:s0+$0xFFFFFFB0] =	vst v13;
	v13 =	vmul.f32 v18, v19;
	v18 =	vld [tilespmem:s0+$0x20]  }
0x2ef: {  	v25 =	vshrl.u32 v26, $0x3;
	v26 =	vshrl.u32 v27, $0x3;
	[tilespmem:s0+$0xFFFFFFC0] =	vst v14;
	v14 =	vmul.f32 v21, v19;
	v21 =	vld [tilespmem:s0+$0x30]  }
0x2f0: {  	v27 =	vshrl.u32 v28, $0x3;
	v28 =	vshll.u32 v62, v1;
	[tilespmem:s0+$0xFFFFFFD0] =	vst v13;
	v13 =	vmul.f32 v22, v19;
	v19 =	vld [tilespmem:s0+$0x40]  }
0x2f1: {  	v63 =	vld [tilespmem:s0+$0x50];
	v23 =	vshll.u32 v23, v1;
	v26 =	vshll.u32 v26, v1;
	v15 =	vmul.f32 v15, v20;
	[tilespmem:s0+$0xFFFFFFE0] =	vst v14  }
0x2f2: {  	v30 =	vld [tilespmem:s0+$0x60];
	v27 =	vshll.u32 v27, v1;
	v22 =	vshll.u32 v24, v1;
	[tilespmem:s0+$0xFFFFFFF0] =	vst v13;
	v13 =	vmul.f32 v16, v20  }
0x2f3: {  	v24 =	vshll.u32 v25, v1;
	v14 =	vbroadcast v17, $0x0;
	[tilespmem:s0+$0x0] =	vst v15;
	v15 =	vld [tilespmem:s0+$0x70];
	v16 =	vmul.f32 v18, v20  }
0x2f4: {  	v17 =	vadd.s32 v23, v4;
	v22 =	vadd.s32 v22, v5;
	[tilespmem:s0+$0x10] =	vst v13;
	v20 =	vmul.f32 v21, v20;
	v13 =	vld [tilespmem:s0+$0x80]  }
0x2f5: {  	v25 =	vadd.s32 v24, v6;
	v23 =	vadd.s32 v27, v8;
	[tilespmem:s0+$0x20] =	vst v16;
	v19 =	vmul.f32 v19, v12;
	v16 =	vld [tilespmem:s0+$0x90]  }
0x2f6: {  	v24 =	vmul.f32 v63, v12;
	v18 =	vbroadcast v17, $0x0;
	v17 =	vld [tilespmem:s0+$0xA0];
	v21 =	vadd.s32 v26, v7;
	[tilespmem:s0+$0x30] =	vst v20  }
0x2f7: {  	s1 =	simm.s32 $0x10;
	s9 =	simm.s32 $0xF;
	v26 =	vmul.f32 v30, v12;
	v20 =	vbroadcast v22, $0x0;
	v22 =	vadd.s32 v28, v9;
	[tilespmem:s0+$0x40] =	vst v19;
	v19 =	vld [tilespmem:s0+$0xB0]  }
.LBB2_13:
0x2f8: {  	p2 =	slt.u32 s1, $0x48;
	v25 =	vbroadcast v25, $0x0;
	v27 =	vmov s9;
	[tilespmem:s0+$0x50] =	vst v24;
	v12 =	vmul.f32 v15, v12;
	v15 =	vld [tilespmem:s0+$0xC0]  }
0x2f9: {  	v21 =	vbroadcast v21, $0x0;
	v24 =	vshrl.u32 v27, $0x3;
	[tilespmem:s0+$0x60] =	vst v26;
	v13 =	vmul.f32 v13, v11;
	v26 =	vld [tilespmem:s0+$0xD0]  }
0x2fa: {  	v23 =	vbroadcast v23, $0x0;
	v24 =	vshll.u32 v24, v1;
	[tilespmem:s0+$0x70] =	vst v12;
	v12 =	vmul.f32 v16, v11;
	v16 =	vld [tilespmem:s0+$0xE0]  }
0x2fb: {  	v22 =	vbroadcast v22, $0x0;
	v14 =	vld.idx.msk [tilespmem:v14+s3+$0x0], $0xffff;
	v24 =	vadd.s32 v24, v3;
	[tilespmem:s0+$0x80] =	vst v13;
	v13 =	vmul.f32 v17, v11  }
0x2fc: {  	v17 =	vld.idx.msk [tilespmem:v18+s3+$0x0], $0xffff;
	v18 =	vbroadcast v24, $0x0;
	[tilespmem:s0+$0x90] =	vst v12;
	v11 =	vmul.f32 v19, v11  }
0x2fd: {  	v19 =	vld.idx.msk [tilespmem:v20+s3+$0x0], $0xffff;
	[tilespmem:s0+$0xA0] =	vst v13;
	v12 =	vmul.f32 v15, v10  }
0x2fe: {  	v15 =	vld.idx.msk [tilespmem:v25+s3+$0x0], $0xffff;
	[tilespmem:s0+$0xB0] =	vst v11;
	v11 =	vmul.f32 v26, v10  }
0x2ff: {  	v13 =	vld.idx.msk [tilespmem:v21+s3+$0x0], $0xffff;
	[tilespmem:s0+$0xC0] =	vst v12;
	v10 =	vmul.f32 v16, v10  }
0x300: {  	v12 =	vld.idx.msk [tilespmem:v23+s3+$0x0], $0xffff;
	[tilespmem:s0+$0xD0] =	vst v11  }
0x301: {  	v11 =	vld.idx.msk [tilespmem:v22+s3+$0x0], $0xffff;
	[tilespmem:s0+$0xE0] =	vst v10  }
0x302: {  	s0 =	sadd.s32 $0x200, s0;
	v10 =	vld.idx.msk [tilespmem:v18+s3+$0x0], $0xffff  }
0x303: {  	v16 =	vld [tilespmem:s0+$0xF0]  }
0x304: {  	v18 =	vld [tilespmem:s0+$0xFFFFFF00]  }
0x305: {  	v20 =	vld [tilespmem:s0+$0xFFFFFF10]  }
0x306: {  	v21 =	vld [tilespmem:s0+$0xFFFFFF20]  }
0x307: {  	v22 =	vld [tilespmem:s0+$0xFFFFFF30]  }
0x308: {  	v23 =	vld [tilespmem:s0+$0xFFFFFF40];
	v16 =	vmul.f32 v16, v10  }
0x309: {  	v18 =	vmul.f32 v18, v14;
	v24 =	vld [tilespmem:s0+$0xFFFFFF50]  }
0x30a: {  	v20 =	vmul.f32 v20, v14;
	v25 =	vld [tilespmem:s0+$0xFFFFFF60];
	[tilespmem:s0+$0xF0] =	vst v16  }
0x30b: {  	[tilespmem:s0+$0xFFFFFF00] =	vst v18;
	v16 =	vmul.f32 v21, v14;
	v18 =	vld [tilespmem:s0+$0xFFFFFF70]  }
0x30c: {  	[tilespmem:s0+$0xFFFFFF10] =	vst v20;
	v14 =	vmul.f32 v22, v14;
	v20 =	vld [tilespmem:s0+$0xFFFFFF80]  }
0x30d: {  	[tilespmem:s0+$0xFFFFFF20] =	vst v16;
	v16 =	vmul.f32 v23, v17;
	v21 =	vld [tilespmem:s0+$0xFFFFFF90]  }
0x30e: {  	[tilespmem:s0+$0xFFFFFF30] =	vst v14;
	v14 =	vmul.f32 v24, v17;
	v22 =	vld [tilespmem:s0+$0xFFFFFFA0]  }
0x30f: {  	[tilespmem:s0+$0xFFFFFF40] =	vst v16;
	v16 =	vmul.f32 v25, v17;
	v23 =	vld [tilespmem:s0+$0xFFFFFFB0]  }
0x310: {  	s9 =	sadd.s32 $0x1, s1;
	v24 =	vmov s1;
	[tilespmem:s0+$0xFFFFFF50] =	vst v14;
	v14 =	vmul.f32 v18, v17;
	v17 =	vld [tilespmem:s0+$0xFFFFFFC0]  }
0x311: {  	s11 =	sadd.s32 $0x3, s1;
	v18 =	vshrl.u32 v24, $0x3;
	v24 =	vmov s9;
	s9 =	sadd.s32 $0x2, s1;
	[tilespmem:s0+$0xFFFFFF60] =	vst v16;
	v16 =	vmul.f32 v20, v19;
	v20 =	vld [tilespmem:s0+$0xFFFFFFD0]  }
0x312: {  	v26 =	vmov s11;
	s11 =	sadd.s32 $0x5, s1;
	v25 =	vmov s9;
	s9 =	sadd.s32 $0x4, s1;
	[tilespmem:s0+$0xFFFFFF70] =	vst v14;
	v14 =	vmul.f32 v21, v19;
	v21 =	vld [tilespmem:s0+$0xFFFFFFE0]  }
0x313: {  	v28 =	vmov s11;
	v27 =	vmov s9;
	s9 =	sadd.s32 $0x6, s1;
	[tilespmem:s0+$0xFFFFFF80] =	vst v16;
	v16 =	vmul.f32 v22, v19;
	v22 =	vld [tilespmem:s0+$0xFFFFFFF0]  }
0x314: {  	v18 =	vshll.u32 v18, v1;
	v29 =	vmov s9;
	[tilespmem:s0+$0xFFFFFF90] =	vst v14;
	v14 =	vmul.f32 v23, v19;
	v19 =	vld [tilespmem:s0+$0x0]  }
0x315: {  	v23 =	vshrl.u32 v24, $0x3;
	v24 =	vshrl.u32 v25, $0x3;
	[tilespmem:s0+$0xFFFFFFA0] =	vst v16;
	v16 =	vmul.f32 v17, v15;
	v17 =	vld [tilespmem:s0+$0x10]  }
0x316: {  	v25 =	vshrl.u32 v26, $0x3;
	v26 =	vshrl.u32 v27, $0x3;
	[tilespmem:s0+$0xFFFFFFB0] =	vst v14;
	v14 =	vmul.f32 v20, v15;
	v20 =	vld [tilespmem:s0+$0x20]  }
0x317: {  	v27 =	vshrl.u32 v28, $0x3;
	v28 =	vshrl.u32 v29, $0x3;
	[tilespmem:s0+$0xFFFFFFC0] =	vst v16;
	v16 =	vmul.f32 v21, v15;
	v21 =	vld [tilespmem:s0+$0x30]  }
0x318: {  	v18 =	vadd.s32 v2, v18;
	v23 =	vshll.u32 v23, v1;
	[tilespmem:s0+$0xFFFFFFD0] =	vst v14;
	v14 =	vmul.f32 v22, v15;
	v22 =	vld [tilespmem:s0+$0x40]  }
0x319: {  	v24 =	vshll.u32 v24, v1;
	v25 =	vshll.u32 v25, v1;
	[tilespmem:s0+$0xFFFFFFE0] =	vst v16;
	v15 =	vmul.f32 v19, v13;
	v19 =	vld [tilespmem:s0+$0x50]  }
0x31a: {  	v16 =	vshll.u32 v26, v1;
	v26 =	vshll.u32 v27, v1;
	[tilespmem:s0+$0xFFFFFFF0] =	vst v14;
	v17 =	vmul.f32 v17, v13;
	v27 =	vld [tilespmem:s0+$0x60]  }
.Ltmp7:
0x31b: {  	v28 =	vshll.u32 v28, v1;
	v14 =	vbroadcast v18, $0x0;
	[tilespmem:s0+$0x0] =	vst v15;
	v18 =	vmul.f32 v20, v13;
	v15 =	vld [tilespmem:s0+$0x70];
	(pc) =	sbr.rel @p2 .LBB2_13-.Ltmp7, $4  }
0x31c: {  	v29 =	vadd.s32 v24, v5;
	v20 =	vadd.s32 v23, v4;
	[tilespmem:s0+$0x10] =	vst v17;
	v17 =	vmul.f32 v21, v13;
	v13 =	vld [tilespmem:s0+$0x80]  }
0x31d: {  	v25 =	vadd.s32 v25, v6;
	v21 =	vadd.s32 v16, v7;
	[tilespmem:s0+$0x20] =	vst v18;
	v30 =	vmul.f32 v22, v12;
	v16 =	vld [tilespmem:s0+$0x90]  }
0x31e: {  	v23 =	vadd.s32 v26, v8;
	v18 =	vbroadcast v20, $0x0;
	[tilespmem:s0+$0x30] =	vst v17;
	v24 =	vmul.f32 v19, v12;
	v17 =	vld [tilespmem:s0+$0xA0]  }
0x31f: {  	s9 =	sadd.s32 $0x7, s1;
	s1 =	sadd.s32 $0x8, s1;
	v20 =	vbroadcast v29, $0x0;
	v22 =	vadd.s32 v28, v9;
	[tilespmem:s0+$0x40] =	vst v30;
	v26 =	vmul.f32 v27, v12;
	v19 =	vld [tilespmem:s0+$0xB0]  }
0x320: {  	_ = 	snop  }
0x321: {  	v5 =	vld [tilespmem:s0+$0xC0]  }
0x322: {  	v7 =	vld [tilespmem:s0+$0xD0]  }
0x323: {  	v9 =	vld [tilespmem:s0+$0xE0]  }
0x324: {  	v50 =	vld.idx.msk [tilespmem:v14+s3+$0x0], $0xffff  }
0x325: {  	v18 =	vld.idx.msk [tilespmem:v18+s3+$0x0], $0xffff  }
0x326: {  	s1 =	sadd.s32 $0x200, s0;
	v20 =	vld.idx.msk [tilespmem:v20+s3+$0x0], $0xffff  }
0x327: {  	v54 =	vld [tilespmem:s1+$0xF0]  }
0x328: {  	v56 =	vld [tilespmem:s1+$0xFFFFFF00]  }
0x329: {  	v57 =	vld [tilespmem:s1+$0xFFFFFF10]  }
0x32a: {  	[tilespmem:s0+$0x50] =	vst v24;
	v12 =	vmul.f32 v15, v12;
	v58 =	vld [tilespmem:s1+$0xFFFFFF20]  }
0x32b: {  	[tilespmem:s0+$0x60] =	vst v26;
	v13 =	vmul.f32 v13, v11;
	v60 =	vld [tilespmem:s1+$0xFFFFFF30]  }
0x32c: {  	v61 =	vld [tilespmem:s1+$0xFFFFFF40];
	[tilespmem:s0+$0x70] =	vst v12;
	v52 =	vmul.f32 v16, v11  }
0x32d: {  	v6 =	vbroadcast v21, $0x0;
	v21 =	vld [tilespmem:s1+$0xFFFFFF60];
	[tilespmem:s0+$0x80] =	vst v13;
	v53 =	vmul.f32 v17, v11  }
0x32e: {  	v8 =	vbroadcast v23, $0x0;
	v23 =	vld [tilespmem:s1+$0xFFFFFF70];
	[tilespmem:s0+$0x90] =	vst v52;
	v55 =	vmul.f32 v19, v11  }
0x32f: {  	v24 =	vld [tilespmem:s1+$0xFFFFFF80];
	[tilespmem:s0+$0xA0] =	vst v53;
	v5 =	vmul.f32 v5, v10  }
0x330: {  	v26 =	vld [tilespmem:s1+$0xFFFFFF90];
	v7 =	vmul.f32 v7, v10;
	[tilespmem:s0+$0xB0] =	vst v55  }
0x331: {  	v28 =	vld [tilespmem:s1+$0xFFFFFFA0];
	v59 =	vmul.f32 v9, v10;
	[tilespmem:s0+$0xC0] =	vst v5  }
0x332: {  	v4 =	vmov s9;
	v30 =	vld [tilespmem:s1+$0xFFFFFFB0];
	v63 =	vmul.f32 v56, v50;
	[tilespmem:s0+$0xD0] =	vst v7  }
0x333: {  	v2 =	vbroadcast v25, $0x0;
	v4 =	vshrl.u32 v4, $0x3;
	v32 =	vld [tilespmem:s1+$0xFFFFFFC0];
	v13 =	vmul.f32 v57, v50;
	[tilespmem:s0+$0xE0] =	vst v59  }
0x334: {  	v51 =	vbroadcast v22, $0x0;
	v34 =	vld [tilespmem:s1+$0xFFFFFFD0];
	v4 =	vshll.u32 v4, v1;
	v22 =	vmul.f32 v58, v50;
	[tilespmem:s1+$0xFFFFFF00] =	vst v63  }
0x335: {  	v36 =	vld [tilespmem:s1+$0xFFFFFFE0];
	v3 =	vadd.s32 v4, v3;
	v4 =	vmul.f32 v60, v50;
	[tilespmem:s1+$0xFFFFFF10] =	vst v13  }
0x336: {  	v38 =	vld [tilespmem:s1+$0xFFFFFFF0];
	v25 =	vmul.f32 v61, v18;
	[tilespmem:s1+$0xFFFFFF20] =	vst v22  }
0x337: {  	v40 =	vld [tilespmem:s1+$0x0];
	v29 =	vmul.f32 v21, v18;
	[tilespmem:s1+$0xFFFFFF30] =	vst v4  }
0x338: {  	v19 =	vld [tilespmem:s1+$0xFFFFFF50];
	v31 =	vmul.f32 v23, v18;
	[tilespmem:s1+$0xFFFFFF40] =	vst v25  }
0x339: {  	v2 =	vld.idx.msk [tilespmem:v2+s3+$0x0], $0xffff;
	v33 =	vmul.f32 v24, v20;
	[tilespmem:s1+$0xFFFFFF60] =	vst v29  }
0x33a: {  	v42 =	vld [tilespmem:s1+$0x10];
	v35 =	vmul.f32 v26, v20;
	[tilespmem:s1+$0xFFFFFF70] =	vst v31  }
0x33b: {  	v44 =	vld [tilespmem:s1+$0x20];
	v37 =	vmul.f32 v28, v20;
	[tilespmem:s1+$0xFFFFFF80] =	vst v33  }
0x33c: {  	v46 =	vld [tilespmem:s1+$0x30];
	v3 =	vbroadcast v3, $0x0;
	v39 =	vmul.f32 v30, v20;
	[tilespmem:s1+$0xFFFFFF90] =	vst v35  }
0x33d: {  	v6 =	vld.idx.msk [tilespmem:v6+s3+$0x0], $0xffff;
	[tilespmem:s1+$0xFFFFFFA0] =	vst v37;
	v27 =	vmul.f32 v19, v18  }
0x33e: {  	v47 =	vld [tilespmem:s1+$0x40];
	[tilespmem:s1+$0xFFFFFFB0] =	vst v39;
	v41 =	vmul.f32 v32, v2  }
0x33f: {  	v49 =	vld [tilespmem:s1+$0x50];
	[tilespmem:s1+$0xFFFFFF50] =	vst v27;
	v43 =	vmul.f32 v34, v2  }
0x340: {  	v8 =	vld.idx.msk [tilespmem:v8+s3+$0x0], $0xffff;
	v45 =	vmul.f32 v36, v2;
	[tilespmem:s1+$0xFFFFFFC0] =	vst v41  }
0x341: {  	v50 =	vld [tilespmem:s1+$0x60];
	v2 =	vmul.f32 v38, v2;
	[tilespmem:s1+$0xFFFFFFD0] =	vst v43  }
0x342: {  	v3 =	vld.idx.msk [tilespmem:v3+s3+$0x0], $0xffff;
	v48 =	vmul.f32 v40, v6;
	[tilespmem:s1+$0xFFFFFFE0] =	vst v45  }
0x343: {  	v14 =	vld.idx.msk [tilespmem:v51+s3+$0x0], $0xffff;
	v51 =	vmul.f32 v44, v6;
	[tilespmem:s1+$0xFFFFFFF0] =	vst v2  }
0x344: {  	v53 =	vld [tilespmem:s1+$0x80];
	v2 =	vmul.f32 v42, v6;
	[tilespmem:s1+$0x0] =	vst v48  }
0x345: {  	v52 =	vld [tilespmem:s1+$0x70];
	v4 =	vmul.f32 v47, v8;
	[tilespmem:s1+$0x20] =	vst v51  }
0x346: {  	[tilespmem:s1+$0x10] =	vst v2;
	v2 =	vmul.f32 v46, v6  }
0x347: {  	v56 =	vmul.f32 v50, v8;
	[tilespmem:s1+$0x40] =	vst v4;
	v62 =	vmul.f32 v54, v3;
	v54 =	vld [tilespmem:s1+$0x90]  }
0x348: {  	v58 =	vld [tilespmem:s1+$0xC0];
	[tilespmem:s1+$0x30] =	vst v2;
	v2 =	vmul.f32 v49, v8  }
0x349: {  	v57 =	vld [tilespmem:s1+$0xB0];
	v59 =	vmul.f32 v53, v14;
	[tilespmem:s1+$0x60] =	vst v56  }
0x34a: {  	v55 =	vld [tilespmem:s1+$0xA0];
	[tilespmem:s1+$0x50] =	vst v2;
	v2 =	vmul.f32 v52, v8  }
0x34b: {  	v60 =	vld [tilespmem:s1+$0xD0];
	[tilespmem:s1+$0x80] =	vst v59  }
0x34c: {  	v61 =	vld [tilespmem:s1+$0xE0];
	[tilespmem:s1+$0x70] =	vst v2;
	v2 =	vmul.f32 v54, v14  }
0x34d: {  	v63 =	vmul.f32 v58, v3;
	[tilespmem:s1+$0xF0] =	vst v62  }
0x34e: {  	[tilespmem:s1+$0x90] =	vst v2;
	v2 =	vmul.f32 v57, v14  }
0x34f: {  	v62 =	vmul.f32 v55, v14;
	[tilespmem:s1+$0xC0] =	vst v63  }
0x350: {  	[tilespmem:s1+$0xB0] =	vst v2;
	v2 =	vmul.f32 v60, v3  }
0x351: {  	[tilespmem:s1+$0xA0] =	vst v62;
	v3 =	vmul.f32 v61, v3  }
0x352: {  	[tilespmem:s1+$0xD0] =	vst v2  }
.Ltmp8:
0x353: {  	s31 =	sadd.s32 $0x4E20, s29;
	[tilespmem:s1+$0xE0] =	vst v3;
	(pc) =	sbr.rel @p1 .LBB2_16-.Ltmp8, $4  }
0x354: {  	[spmem:s10] =	stream.indirect.scatter.add.f32 [tilespmem:s13], [sflag:$0xA], $0x40, s31, s4, $0xb8;
	[tilespmem:$0x1FEA0] =	vst v63  }
0x355: {  	_ =	swait.ge [sflag:s22], $0x1400  }
0x356: {  	[sflag:s22] =	ssyncset.done $0x0  }
0x357: {  	[sflag:s22] =	ssyncadd.s32 $0xFFFFEC00  }
.Ltmp9:
0x358: {  	(pc) =	sbr.rel .LBB2_4-.Ltmp9, $3  }
0x359: {  	_ =	sdelay $0x1  }
0x35a: {  	s0 =	sadd.s32 $0x280, s28;
	s26 =	sadd.s32 $0x1, s26  }
0x35b: {  	[tilespmem:s8], [sflag:$0x4] =	stream.indirect.gather [hbm4b:s15+s4], $0x40, s0, s4, $0xb8;
	[tilespmem:$0x1FEA0] =	vst v63  }
.LBB2_17:
0x35c: {  	_ =	sfence.sel $0x180000  }
0x35d: {  	[bflag:$0x0] =	sbarrier.arrive $0xFFFF  }
0x35e: {  	_ =	strace $0x9000004A  }
0x35f: {  	s0 =	stileid.u32;
	[bflag:$0x2] =	sbarrier.arrive $0xFFFF  }
0x360: {  	p0 =	sne.s32 s0, $0x0;
	s0 =	rddreg [dreg:$0x3]  }
0x361: {  	s0 =	sadd.s32 @!p0 $0x100000, s0  }
0x362: {  	[sflag:s0] =	ssyncadd.tile.s32 @!p0 $0x1;
	_ =	shalt  }
.Lfunc_end2:
_tile_overlayer_lowered:
.L_overlay_start_2:
0x363: {  	(tag) =	ssettag $0x2  }
0x364: {  	s0 =	rddreg [dreg:$0x0];
	s2 =	stileid.u32  }
0x365: {  	s1 =	rddreg [dreg:$0x1];
	p0 =	sne.s32 s2, $0x0  }
0x366: {  	s3 =	rddreg [dreg:$0x2];
	[bflag:$0x3] =	sbarrier.arrive $0xFFFF;
	s2 =	simm.s32 @!p0 $0x1C0B  }
0x367: {  	[timem:s3], [sflag:s2] =	dma.local @!p0 [hbm:s0], s1  }
0x368: {  	s0 =	simm.s32 @!p0 $0xB  }
0x369: {  	_ =	swait.ge @!p0 [sflag:s0], s1  }
0x36a: {  	s1 =	ssub.s32 @!p0 $0x0, s1;
	[sflag:s0] =	ssyncset.done @!p0 $0x0  }
0x36b: {  	[sflag:s0] =	ssyncadd.s32 @!p0 s1  }
0x36c: {  	[bflag:$0x3] =	sbarrier.arrive $0xFFFF  }
0x36d: {  	_ =	shalt  }

</sc_bundles>
